<compile_context>
chip_gen: v7x
topology: tpu7x:2x2x1
jax: 0.10.2.dev20260603
libtpu: 0.0.44.dev20260713+nightly
codegen_flags: <defaults>
</compile_context>

<pallas_src>
import functools

import jax
import jax.numpy as jnp
from jax import lax
from jax.experimental import pallas as pl
from jax.experimental.pallas import tpu as pltpu
from jax.experimental.pallas import tpu_sc as plsc

_N = 50000
_E = 800000
_H = 64
_G = 128

_BS = 512
_NB = 98
_NP = _BS * _NB
_CH = 128
_NCH = 392
_EP = 16 * _NCH * _CH
_RPT = _NP // 16
_ZB = 224
_ZN = _RPT // _ZB
_QW = 8
_NCHS = _NCH + 2
_ARF = 50048
_RPTF = _ARF // 16
_ZBF = 136
_ZNF = _RPTF // _ZBF



def _sc_mesh():
    return plsc.VectorSubcoreMesh(core_axis_name="c", subcore_axis_name="s",
                                  num_cores=2, num_subcores=16)


def _make_sc_quarter(k):

    @functools.partial(
        pl.kernel,
        out_type=jax.ShapeDtypeStruct((_NP, 8, _QW), jnp.float32),
        mesh=_sc_mesh(),
        scratch_types=[
            pltpu.VMEM((_NCHS, _CH), jnp.int32),
            pltpu.VMEM((_NCH, _CH), jnp.int32),
            pltpu.VMEM((_CH, _QW), jnp.float32),
            pltpu.VMEM((_CH, _QW), jnp.float32),
            pltpu.VMEM((_ZBF, _QW), jnp.float32),
            pltpu.VMEM((_ZBF, _QW), jnp.float32),
            pltpu.VMEM_SHARED((_ARF, _QW), jnp.float32),
            pltpu.SemaphoreType.DMA,
            pltpu.SemaphoreType.DMA,
        ],
        compiler_params=pltpu.CompilerParams(use_tc_tiling_on_sc=False),
    )
    def sc_q(tbl, src_all, dst_r, zrows,
             out, src_v, dst_v, rows0, rows1, zbuf, wbuf, acc, sem0, sem1):
        c = lax.axis_index("c")
        s = lax.axis_index("s")
        base = s * _RPTF

        pltpu.sync_copy(zrows, zbuf)
        pltpu.sync_copy(src_all.at[c, s], src_v)
        pltpu.sync_copy(dst_r.at[s], dst_v)

        def zero_step(i, carry):
            pltpu.sync_copy(zbuf, acc.at[pl.ds(base + i * _ZBF, _ZBF)])
            return carry
        lax.fori_loop(0, _ZNF, zero_step, 0)
        plsc.subcore_barrier()

        pltpu.async_copy(tbl.at[src_v.at[0]], rows0, sem0)

        def chunk(i, carry):
            j = 2 * i
            pltpu.make_async_copy(tbl.at[src_v.at[j]], rows0, sem0).wait()
            pltpu.async_copy(tbl.at[src_v.at[j + 1]], rows1, sem1)
            pltpu.sync_copy(rows0, acc.at[dst_v.at[j]], add=True)
            pltpu.async_copy(tbl.at[src_v.at[j + 2]], rows0, sem0)
            pltpu.make_async_copy(tbl.at[src_v.at[j + 1]], rows1, sem1).wait()
            pltpu.sync_copy(rows1, acc.at[dst_v.at[j + 1]], add=True)
            return carry
        lax.fori_loop(0, _NCH // 2, chunk, 0)
        pltpu.make_async_copy(tbl.at[src_v.at[_NCH]], rows0, sem0).wait()
        plsc.subcore_barrier()

        q = 2 * k + c

        def w_step(i, carry):
            pltpu.sync_copy(acc.at[pl.ds(base + i * _ZBF, _ZBF)], wbuf)
            pltpu.sync_copy(wbuf, out.at[pl.ds(base + i * _ZBF, _ZBF), q])
            return carry
        lax.fori_loop(0, _ZNF, w_step, 0)

    return sc_q


def _make_sc_deg():

    out_t = (jax.ShapeDtypeStruct((_NP,), jnp.float32),
             jax.ShapeDtypeStruct((_NP,), jnp.float32))

    @functools.partial(
        pl.kernel,
        out_type=out_t,
        mesh=_sc_mesh(),
        scratch_types=[
            pltpu.VMEM((_NCH, _CH), jnp.int32),
            pltpu.VMEM((_CH,), jnp.float32),
            pltpu.VMEM((_ZB,), jnp.float32),
            pltpu.VMEM_SHARED((_NP,), jnp.float32),
            pltpu.SemaphoreType.DMA,
        ],
        compiler_params=pltpu.CompilerParams(use_tc_tiling_on_sc=False),
    )
    def sc_deg(ones_tbl, dst_r, zrows, out_a, out_b,
               dst_v, ones_v, zbuf, acc, sem):
        c = lax.axis_index("c")
        s = lax.axis_index("s")
        base = s * _RPT

        pltpu.sync_copy(zrows, zbuf)
        pltpu.sync_copy(ones_tbl.at[pl.ds(0, _CH)], ones_v)
        pltpu.sync_copy(dst_r.at[s], dst_v)

        def zero_step(i, carry):
            pltpu.sync_copy(zbuf, acc.at[pl.ds(base + i * _ZB, _ZB)])
            return carry
        lax.fori_loop(0, _ZN, zero_step, 0)
        plsc.subcore_barrier()

        def chunk(i, carry):
            pltpu.sync_copy(ones_v, acc.at[dst_v.at[2 * i + c]], add=True)
            return carry
        lax.fori_loop(0, _NCH // 2, chunk, 0)
        plsc.subcore_barrier()

        def writeout(out):
            def w_step(i, carry):
                pltpu.sync_copy(acc.at[pl.ds(base + i * _ZB, _ZB)], zbuf)
                pltpu.sync_copy(zbuf, out.at[pl.ds(base + i * _ZB, _ZB)])
                return carry
            lax.fori_loop(0, _ZN, w_step, 0)

        @pl.when(c == 0)
        def _():
            writeout(out_a)

        @pl.when(c == 1)
        def _():
            writeout(out_b)

    return sc_deg


@functools.lru_cache(maxsize=None)
def _sc_quarter(k):
    return _make_sc_quarter(k)


@functools.lru_cache(maxsize=None)
def _sc_deg_k():
    return _make_sc_deg()



def _full(a):
    return pl.BlockSpec(a.shape, lambda i: (0,) * a.ndim)


def _rows(w):
    return pl.BlockSpec((_BS, w), lambda i: (i, 0))


def _b1_body(x_ref, dega_ref, degb_ref, w1_ref, hs_ref, dinv_ref):
    d = lax.rsqrt(dega_ref[...] + degb_ref[...] + 1.0)
    hw = jnp.dot(x_ref[...], w1_ref[...], preferred_element_type=jnp.float32)
    hs_ref[...] = hw * d
    dinv_ref[...] = d


def _call_b1(x_p, dega, degb, w1):
    return pl.pallas_call(
        _b1_body,
        grid=(_NB,),
        in_specs=[_rows(3), _rows(1), _rows(1), _full(w1)],
        out_specs=[_rows(_H), _rows(1)],
        out_shape=[
            jax.ShapeDtypeStruct((_NP, _H), jnp.float32),
            jax.ShapeDtypeStruct((_NP, 1), jnp.float32),
        ],
    )(x_p, dega, degb, w1)


def _d_body(agg0_ref, agg1_ref, agg2_ref, agg3_ref, hs_ref, dinv_ref,
            b_ref, y_ref, st_ref, acc):
    i = pl.program_id(0)

    @pl.when(i == 0)
    def _():
        acc[...] = jnp.zeros_like(acc)

    agg = jnp.concatenate(
        [agg0_ref[...][:, 0:16], agg1_ref[...][:, 16:32],
         agg2_ref[...][:, 32:48], agg3_ref[...][:, 48:64]], axis=1)
    y = (agg + hs_ref[...]) * dinv_ref[...] + b_ref[...]
    y_ref[...] = y

    row = i * _BS + lax.broadcasted_iota(jnp.int32, (_BS, 1), 0)
    ym = jnp.where(row < _N, y, 0.0)
    s = jnp.sum(ym, axis=0, keepdims=True)
    ss = jnp.sum(ym * ym, axis=0, keepdims=True)
    acc[...] = acc[...] + jnp.concatenate([s, ss], axis=0)

    @pl.when(i == _NB - 1)
    def _():
        st_ref[...] = acc[...]


def _call_d(aggs, hs, dinv, b):
    return pl.pallas_call(
        _d_body,
        grid=(_NB,),
        in_specs=[_rows(_H)] * 5 + [_rows(1), _full(b)],
        out_specs=[_rows(_H), pl.BlockSpec((2, _H), lambda i: (0, 0))],
        out_shape=[
            jax.ShapeDtypeStruct((_NP, _H), jnp.float32),
            jax.ShapeDtypeStruct((2, _H), jnp.float32),
        ],
        scratch_shapes=[pltpu.VMEM((2, _H), jnp.float32)],
        compiler_params=pltpu.CompilerParams(
            dimension_semantics=("arbitrary",)),
    )(*aggs, hs, dinv, b)


def _bn_relu(y, st, g, be):
    m = st[0:1, :] * (1.0 / _N)
    v = st[1:2, :] * (1.0 / _N) - m * m
    return jnp.maximum((y - m) * lax.rsqrt(v + 1e-5) * g + be, 0.0)


def _e_body(y_ref, st_ref, g_ref, be_ref, w_ref, dinv_ref, hs_ref):
    h = _bn_relu(y_ref[...], st_ref[...], g_ref[...], be_ref[...])
    hw = jnp.dot(h, w_ref[...], preferred_element_type=jnp.float32)
    hs_ref[...] = hw * dinv_ref[...]


def _call_e(y, st, g, be, w, dinv):
    return pl.pallas_call(
        _e_body,
        grid=(_NB,),
        in_specs=[_rows(_H), _full(st), _full(g), _full(be), _full(w),
                  _rows(1)],
        out_specs=_rows(_H),
        out_shape=jax.ShapeDtypeStruct((_NP, _H), jnp.float32),
    )(y, st, g, be, w, dinv)


def _p_body(h_ref, bat_ref, l1w_ref, l1b_ref, gf1_ref, bf1_ref,
            l2w_ref, l2b_ref, gf2_ref, bf2_ref, l3w_ref, l3b_ref,
            out_ref, sum_acc, max_acc, cnt_acc):
    i = pl.program_id(0)

    @pl.when(i == 0)
    def _():
        sum_acc[...] = jnp.zeros_like(sum_acc)
        cnt_acc[...] = jnp.zeros_like(cnt_acc)
        max_acc[...] = jnp.full_like(max_acc, -jnp.inf)

    bat = bat_ref[...]
    h = h_ref[...]
    lo = jnp.min(bat)
    hi = jnp.minimum(jnp.max(bat), _G - 1)
    gid = lax.broadcasted_iota(jnp.int32, (_G, 1), 0)

    def seg(g, carry):
        m = bat == g
        s = jnp.sum(jnp.where(m, h, 0.0), axis=0, keepdims=True)
        c = jnp.sum(jnp.where(m, 1.0, 0.0))
        mx = jnp.max(jnp.where(m, h, -jnp.inf), axis=0, keepdims=True)
        oh = gid == g
        ohf = jnp.where(oh, 1.0, 0.0)
        sum_acc[...] = sum_acc[...] + ohf * s
        cnt_acc[...] = cnt_acc[...] + ohf * c
        max_acc[...] = jnp.where(oh, jnp.maximum(max_acc[...], mx),
                                 max_acc[...])
        return carry

    lax.fori_loop(lo, hi + 1, seg, 0)

    @pl.when(i == _NB - 1)
    def _():
        mean = sum_acc[...] / jnp.maximum(cnt_acc[...], 1.0)
        z = jnp.concatenate([mean, max_acc[...]], axis=1)

        def bn_g(t, g, b):
            m = jnp.mean(t, axis=0, keepdims=True)
            v = jnp.mean(t * t, axis=0, keepdims=True) - m * m
            return (t - m) * lax.rsqrt(v + 1e-5) * g + b

        z = jnp.dot(z, l1w_ref[...], preferred_element_type=jnp.float32)
        z = jnp.maximum(bn_g(z + l1b_ref[...], gf1_ref[...], bf1_ref[...]),
                        0.0)
        z = jnp.dot(z, l2w_ref[...], preferred_element_type=jnp.float32)
        z = jnp.maximum(bn_g(z + l2b_ref[...], gf2_ref[...], bf2_ref[...]),
                        0.0)
        out_ref[...] = (jnp.dot(z, l3w_ref[...],
                                preferred_element_type=jnp.float32)
                        + l3b_ref[...])


def _call_p(h, bat_p, p):
    args = [h, bat_p,
            p["lin1_W"], p["lin1_b"].reshape(1, _H),
            p["gf1"].reshape(1, _H), p["bf1"].reshape(1, _H),
            p["lin2_W"], p["lin2_b"].reshape(1, _H // 2),
            p["gf2"].reshape(1, _H // 2), p["bf2"].reshape(1, _H // 2),
            p["lin3_W"], p["lin3_b"].reshape(1, 2)]
    return pl.pallas_call(
        _p_body,
        grid=(_NB,),
        in_specs=[_rows(_H), _rows(1)] + [_full(a) for a in args[2:]],
        out_specs=pl.BlockSpec((_G, 2), lambda i: (0, 0)),
        out_shape=jax.ShapeDtypeStruct((_G, 2), jnp.float32),
        scratch_shapes=[pltpu.VMEM((_G, _H), jnp.float32),
                        pltpu.VMEM((_G, _H), jnp.float32),
                        pltpu.VMEM((_G, 1), jnp.float32)],
        compiler_params=pltpu.CompilerParams(
            dimension_semantics=("arbitrary",)),
    )(*args)



def kernel(x, edge_index, batch, params):
    p = params
    src = edge_index[0].astype(jnp.int32)
    dst = edge_index[1].astype(jnp.int32)

    src8 = jnp.concatenate(
        [src * 8, jnp.zeros((_EP - _E,), jnp.int32)]).reshape(16, _NCH, _CH)
    src8 = jnp.concatenate(
        [src8, jnp.zeros((16, 2, _CH), jnp.int32)], axis=1)
    dst_r = jnp.concatenate(
        [dst, jnp.full((_EP - _E,), _N, jnp.int32)]).reshape(16, _NCH, _CH)
    sas = [jnp.stack([src8 + 2 * k, src8 + 2 * k + 1]) for k in range(4)]

    x_p = jnp.concatenate(
        [x, jnp.zeros((_NP - _N, 3), jnp.float32)], axis=0)
    bat_p = jnp.concatenate(
        [batch.astype(jnp.int32), jnp.full((_NP - _N,), _G, jnp.int32)]
    ).reshape(_NP, 1)

    ones_tbl = jnp.ones((_NP,), jnp.float32)
    zeros1 = jnp.zeros((_ZB,), jnp.float32)
    zeros2 = jnp.zeros((_ZBF, _QW), jnp.float32)

    dega, degb = _sc_deg_k()(ones_tbl, dst_r, zeros1)
    hs, dinv = _call_b1(x_p, dega.reshape(_NP, 1),
                        degb.reshape(_NP, 1), p["W1"])

    wn = jnp.stack([p["W2"], p["W3"], jnp.eye(_H, dtype=jnp.float32)])
    bn = jnp.stack([p["b1"].reshape(1, _H), p["b2"].reshape(1, _H),
                    p["b3"].reshape(1, _H)])
    gn = jnp.stack([p["g1"].reshape(1, _H), p["g2"].reshape(1, _H),
                    p["g3"].reshape(1, _H)])
    ben = jnp.stack([p["be1"].reshape(1, _H), p["be2"].reshape(1, _H),
                     p["be3"].reshape(1, _H)])
    dsc = jnp.stack([dinv, dinv, jnp.ones((_NP, 1), jnp.float32)])

    def layer(l, hs):
        tbl = hs.reshape(8 * _NP, _QW)
        aggs = [_sc_quarter(k)(tbl, sas[k], dst_r, zeros2).reshape(_NP, _H)
                for k in range(4)]
        y, st = _call_d(aggs, hs, dinv,
                        lax.dynamic_index_in_dim(bn, l, keepdims=False))
        return _call_e(
            y, st,
            lax.dynamic_index_in_dim(gn, l, keepdims=False),
            lax.dynamic_index_in_dim(ben, l, keepdims=False),
            lax.dynamic_index_in_dim(wn, l, keepdims=False),
            lax.dynamic_index_in_dim(dsc, l, keepdims=False))

    nlayers = 3 + jnp.minimum(src[0], 0)
    hs = lax.fori_loop(0, nlayers, layer, hs)
    return _call_p(hs, bat_p, p)

# --- scband reference (transcript-rebuilt; emitter-appended) ---
"""Pipeline reference for scband-enhanced-syntax-gcn-31868657336589 (READ-ONLY COPY).

The authoritative reference and input builder live on the scoring server;
editing this copy changes nothing except your own understanding.
"""

import jax, jax.numpy as jnp
import numpy as np

N = 50000
E = 800000
H = 64
G = 128


def _bn(x, g, b):
    m = jnp.mean(x, axis=0)
    v = jnp.var(x, axis=0)
    return (x - m) / jnp.sqrt(v + 1e-5) * g + b


def setup_inputs(seed: int = 0):
    key = jax.random.key(seed)
    ks = jax.random.split(key, 12)
    x = jax.random.normal(ks[0], (N, 3), dtype=jnp.float32)
    edge_index = jax.random.randint(ks[1], (2, E), 0, N)
    batch = jnp.sort(jax.random.randint(ks[2], (N,), 0, G))

    def w(k, shape):
        return (jax.random.normal(k, shape, dtype=jnp.float32) / np.sqrt(shape[0])).astype(jnp.float32)

    params = {
        "W1": w(ks[3], (3, H)), "b1": jnp.zeros((H,), jnp.float32),
        "g1": jnp.ones((H,), jnp.float32), "be1": jnp.zeros((H,), jnp.float32),
        "W2": w(ks[4], (H, H)), "b2": jnp.zeros((H,), jnp.float32),
        "g2": jnp.ones((H,), jnp.float32), "be2": jnp.zeros((H,), jnp.float32),
        "W3": w(ks[5], (H, H)), "b3": jnp.zeros((H,), jnp.float32),
        "g3": jnp.ones((H,), jnp.float32), "be3": jnp.zeros((H,), jnp.float32),
        "lin1_W": w(ks[6], (2 * H, H)), "lin1_b": jnp.zeros((H,), jnp.float32),
        "gf1": jnp.ones((H,), jnp.float32), "bf1": jnp.zeros((H,), jnp.float32),
        "lin2_W": w(ks[7], (H, H // 2)), "lin2_b": jnp.zeros((H // 2,), jnp.float32),
        "gf2": jnp.ones((H // 2,), jnp.float32), "bf2": jnp.zeros((H // 2,), jnp.float32),
        "lin3_W": w(ks[8], (H // 2, 2)), "lin3_b": jnp.zeros((2,), jnp.float32),
    }
    return {"x": x, "edge_index": edge_index, "batch": batch, "params": params}


def _forward(x, params, edge_index, batch):
    loops = jnp.arange(N, dtype=edge_index.dtype)
    src = jnp.concatenate([edge_index[0], loops])
    dst = jnp.concatenate([edge_index[1], loops])
    deg = jnp.zeros((N,), jnp.float32).at[dst].add(1.0)
    dinv = jnp.where(deg > 0, 1.0 / jnp.sqrt(deg), 0.0)
    norm = dinv[src] * dinv[dst]

    def gcn(h, W, b):
        hw = h @ W
        msg = hw[src] * norm[:, None]
        return jnp.zeros((N, W.shape[1]), jnp.float32).at[dst].add(msg) + b

    h = jax.nn.relu(_bn(gcn(x, params["W1"], params["b1"]), params["g1"], params["be1"]))
    h = jax.nn.relu(_bn(gcn(h, params["W2"], params["b2"]), params["g2"], params["be2"]))
    h = jax.nn.relu(_bn(gcn(h, params["W3"], params["b3"]), params["g3"], params["be3"]))

    ones = jnp.ones((N, 1), jnp.float32)
    cnt = jax.ops.segment_sum(ones, batch, num_segments=G)
    x_mean = jax.ops.segment_sum(h, batch, num_segments=G) / jnp.maximum(cnt, 1.0)
    x_max = jax.ops.segment_max(h, batch, num_segments=G)
    z = jnp.concatenate([x_mean, x_max], axis=1)

    z = jax.nn.relu(_bn(z @ params["lin1_W"] + params["lin1_b"], params["gf1"], params["bf1"]))
    z = jax.nn.relu(_bn(z @ params["lin2_W"] + params["lin2_b"], params["gf2"], params["bf2"]))
    return z @ params["lin3_W"] + params["lin3_b"]


def reference(x, edge_index, batch, params):
    return _forward(x, params, edge_index, batch)

if __name__ == "__main__":
    import jax
    _d = setup_inputs()
    print(jax.jit(kernel)(*tuple(_d.values())))

</pallas_src>

<mosaic_0001>
#map = affine_map<(d0, d1) -> (0, 0)>
#map1 = affine_map<(d0, d1) -> (0, 0, 0, 0)>
#map2 = affine_map<(d0, d1) -> (0, 0, 0)>
module attributes {stable_mosaic.version = 14 : i64} {
  func.func @sc_q(%arg0: i32, %arg1: i32, %arg2: memref<401408x8xf32, #tpu.memory_space<hbm>>, %arg3: memref<2x16x394x128xi32, #tpu.memory_space<hbm>>, %arg4: memref<16x392x128xi32, #tpu.memory_space<hbm>>, %arg5: memref<136x8xf32, #tpu.memory_space<hbm>>, %arg6: memref<50176x8x8xf32, #tpu.memory_space<hbm>>, %arg7: memref<394x128xi32, #tpu.memory_space<vmem>>, %arg8: memref<392x128xi32, #tpu.memory_space<vmem>>, %arg9: memref<128x8xf32, #tpu.memory_space<vmem>>, %arg10: memref<128x8xf32, #tpu.memory_space<vmem>>, %arg11: memref<136x8xf32, #tpu.memory_space<vmem>>, %arg12: memref<136x8xf32, #tpu.memory_space<vmem>>, %arg13: memref<50048x8xf32, #tpu.memory_space<vmem_shared>>, %arg14: memref<!tpu.dma_semaphore, #tpu.memory_space<semaphore_mem>>, %arg15: memref<!tpu.dma_semaphore, #tpu.memory_space<semaphore_mem>>) attributes {dimension_semantics = [#tpu.dimension_semantics<core_parallel>, #tpu.dimension_semantics<subcore_parallel>], iteration_bounds = array<i64: 2, 16>, scalar_prefetch = 0 : i64, scratch_operands = 9 : i64, tpu.core_type = #tpu.core_type<sc_vector_subcore>, window_params = [{transform_indices = #map}, {transform_indices = #map1}, {transform_indices = #map2}, {transform_indices = #map}, {transform_indices = #map2}]} {
    %mul3A = arith.constant 3128 : i32
    %mul3A_0 = arith.muli %arg1, %mul3A : i32
    "tpu.region"() ({
      %run_scoped3A = tpu.sem_alloc : memref<!tpu.dma_semaphore, #tpu.memory_space<semaphore_mem>>
      tpu.enqueue_dma source(%arg5 : memref<136x8xf32, #tpu.memory_space<hbm>>) target(%arg11 : memref<136x8xf32, #tpu.memory_space<vmem>>) target_semaphore(%run_scoped3A : memref<!tpu.dma_semaphore, #tpu.memory_space<semaphore_mem>>)
      tpu.wait_dma2 semaphore(%run_scoped3A : memref<!tpu.dma_semaphore, #tpu.memory_space<semaphore_mem>>) src(%arg5 : memref<136x8xf32, #tpu.memory_space<hbm>>) dst(%arg11 : memref<136x8xf32, #tpu.memory_space<vmem>>)
      tpu.yield
    }) : () -> ()
    "tpu.region"() ({
      %run_scoped3A = tpu.sem_alloc : memref<!tpu.dma_semaphore, #tpu.memory_space<semaphore_mem>>
      %dma_start3A_32 = arith.constant 0 : i32
      %dma_start3A_33 = arith.constant 0 : i32
      %dma_start3A_34 = tpu.memref_slice %arg3[%arg0, %arg1, %dma_start3A_32, %dma_start3A_33] : memref<2x16x394x128xi32, #tpu.memory_space<hbm>> -> memref<1x1x394x128xi32, #tpu.memory_space<hbm>>
      %dma_start3A_35 = tpu.memref_squeeze %dma_start3A_34 : memref<1x1x394x128xi32, #tpu.memory_space<hbm>> -> memref<394x128xi32, #tpu.memory_space<hbm>>
      %dma_start3A_36 = arith.constant 0 : i32
      %dma_start3A_37 = arith.constant 0 : i32
      %dma_start3A_38 = tpu.memref_slice %arg3[%arg0, %arg1, %dma_start3A_36, %dma_start3A_37] : memref<2x16x394x128xi32, #tpu.memory_space<hbm>> -> memref<1x1x394x128xi32, #tpu.memory_space<hbm>>
      %dma_start3A_39 = tpu.memref_squeeze %dma_start3A_38 : memref<1x1x394x128xi32, #tpu.memory_space<hbm>> -> memref<394x128xi32, #tpu.memory_space<hbm>>
      tpu.enqueue_dma source(%dma_start3A_39 : memref<394x128xi32, #tpu.memory_space<hbm>>) target(%arg7 : memref<394x128xi32, #tpu.memory_space<vmem>>) target_semaphore(%run_scoped3A : memref<!tpu.dma_semaphore, #tpu.memory_space<semaphore_mem>>)
      %dma_wait3A_40 = arith.constant 0 : i32
      %dma_wait3A_41 = arith.constant 0 : i32
      %dma_wait3A_42 = tpu.memref_slice %arg3[%arg0, %arg1, %dma_wait3A_40, %dma_wait3A_41] : memref<2x16x394x128xi32, #tpu.memory_space<hbm>> -> memref<1x1x394x128xi32, #tpu.memory_space<hbm>>
      %dma_wait3A_43 = tpu.memref_squeeze %dma_wait3A_42 : memref<1x1x394x128xi32, #tpu.memory_space<hbm>> -> memref<394x128xi32, #tpu.memory_space<hbm>>
      %dma_wait3A_44 = arith.constant 0 : i32
      %dma_wait3A_45 = arith.constant 0 : i32
      %dma_wait3A_46 = tpu.memref_slice %arg3[%arg0, %arg1, %dma_wait3A_44, %dma_wait3A_45] : memref<2x16x394x128xi32, #tpu.memory_space<hbm>> -> memref<1x1x394x128xi32, #tpu.memory_space<hbm>>
      %dma_wait3A_47 = tpu.memref_squeeze %dma_wait3A_46 : memref<1x1x394x128xi32, #tpu.memory_space<hbm>> -> memref<394x128xi32, #tpu.memory_space<hbm>>
      tpu.wait_dma2 semaphore(%run_scoped3A : memref<!tpu.dma_semaphore, #tpu.memory_space<semaphore_mem>>) src(%dma_wait3A_47 : memref<394x128xi32, #tpu.memory_space<hbm>>) dst(%arg7 : memref<394x128xi32, #tpu.memory_space<vmem>>)
      tpu.yield
    }) : () -> ()
    "tpu.region"() ({
      %run_scoped3A = tpu.sem_alloc : memref<!tpu.dma_semaphore, #tpu.memory_space<semaphore_mem>>
      %dma_start3A_32 = arith.constant 0 : i32
      %dma_start3A_33 = arith.constant 0 : i32
      %dma_start3A_34 = tpu.memref_slice %arg4[%arg1, %dma_start3A_32, %dma_start3A_33] : memref<16x392x128xi32, #tpu.memory_space<hbm>> -> memref<1x392x128xi32, #tpu.memory_space<hbm>>
      %dma_start3A_35 = tpu.memref_squeeze %dma_start3A_34 : memref<1x392x128xi32, #tpu.memory_space<hbm>> -> memref<392x128xi32, #tpu.memory_space<hbm>>
      %dma_start3A_36 = arith.constant 0 : i32
      %dma_start3A_37 = arith.constant 0 : i32
      %dma_start3A_38 = tpu.memref_slice %arg4[%arg1, %dma_start3A_36, %dma_start3A_37] : memref<16x392x128xi32, #tpu.memory_space<hbm>> -> memref<1x392x128xi32, #tpu.memory_space<hbm>>
      %dma_start3A_39 = tpu.memref_squeeze %dma_start3A_38 : memref<1x392x128xi32, #tpu.memory_space<hbm>> -> memref<392x128xi32, #tpu.memory_space<hbm>>
      tpu.enqueue_dma source(%dma_start3A_39 : memref<392x128xi32, #tpu.memory_space<hbm>>) target(%arg8 : memref<392x128xi32, #tpu.memory_space<vmem>>) target_semaphore(%run_scoped3A : memref<!tpu.dma_semaphore, #tpu.memory_space<semaphore_mem>>)
      %dma_wait3A_40 = arith.constant 0 : i32
      %dma_wait3A_41 = arith.constant 0 : i32
      %dma_wait3A_42 = tpu.memref_slice %arg4[%arg1, %dma_wait3A_40, %dma_wait3A_41] : memref<16x392x128xi32, #tpu.memory_space<hbm>> -> memref<1x392x128xi32, #tpu.memory_space<hbm>>
      %dma_wait3A_43 = tpu.memref_squeeze %dma_wait3A_42 : memref<1x392x128xi32, #tpu.memory_space<hbm>> -> memref<392x128xi32, #tpu.memory_space<hbm>>
      %dma_wait3A_44 = arith.constant 0 : i32
      %dma_wait3A_45 = arith.constant 0 : i32
      %dma_wait3A_46 = tpu.memref_slice %arg4[%arg1, %dma_wait3A_44, %dma_wait3A_45] : memref<16x392x128xi32, #tpu.memory_space<hbm>> -> memref<1x392x128xi32, #tpu.memory_space<hbm>>
      %dma_wait3A_47 = tpu.memref_squeeze %dma_wait3A_46 : memref<1x392x128xi32, #tpu.memory_space<hbm>> -> memref<392x128xi32, #tpu.memory_space<hbm>>
      tpu.wait_dma2 semaphore(%run_scoped3A : memref<!tpu.dma_semaphore, #tpu.memory_space<semaphore_mem>>) src(%dma_wait3A_47 : memref<392x128xi32, #tpu.memory_space<hbm>>) dst(%arg8 : memref<392x128xi32, #tpu.memory_space<vmem>>)
      tpu.yield
    }) : () -> ()
    %scan3A = arith.constant 0 : i32
    %scan3A_1 = arith.constant 0 : i32
    %scan3A_2 = arith.constant 23 : i32
    %scan3A_3 = arith.addi %scan3A_1, %scan3A_2 : i32
    %scan3A_4 = arith.constant 1 : i32
    scf.for %scan3A_32 = %scan3A_1 to %scan3A_3 step %scan3A_4  : i32 {
      %mul3A_33 = arith.constant 136 : i32
      %mul3A_34 = arith.muli %scan3A_32, %mul3A_33 : i32
      %add3A_35 = arith.addi %mul3A_0, %mul3A_34 : i32
      "tpu.region"() ({
        %run_scoped3A = tpu.sem_alloc : memref<!tpu.dma_semaphore, #tpu.memory_space<semaphore_mem>>
        %dma_start3A_36 = arith.constant 0 : i32
        %dma_start3A_37 = tpu.memref_slice %arg13[%add3A_35, %dma_start3A_36] : memref<50048x8xf32, #tpu.memory_space<vmem_shared>> -> memref<136x8xf32, #tpu.memory_space<vmem_shared>>
        %dma_start3A_38 = arith.constant 0 : i32
        %dma_start3A_39 = tpu.memref_slice %arg13[%add3A_35, %dma_start3A_38] : memref<50048x8xf32, #tpu.memory_space<vmem_shared>> -> memref<136x8xf32, #tpu.memory_space<vmem_shared>>
        tpu.enqueue_dma source(%arg11 : memref<136x8xf32, #tpu.memory_space<vmem>>) target(%dma_start3A_39 : memref<136x8xf32, #tpu.memory_space<vmem_shared>>) target_semaphore(%run_scoped3A : memref<!tpu.dma_semaphore, #tpu.memory_space<semaphore_mem>>)
        %dma_wait3A_40 = arith.constant 0 : i32
        %dma_wait3A_41 = tpu.memref_slice %arg13[%add3A_35, %dma_wait3A_40] : memref<50048x8xf32, #tpu.memory_space<vmem_shared>> -> memref<136x8xf32, #tpu.memory_space<vmem_shared>>
        %dma_wait3A_42 = arith.constant 0 : i32
        %dma_wait3A_43 = tpu.memref_slice %arg13[%add3A_35, %dma_wait3A_42] : memref<50048x8xf32, #tpu.memory_space<vmem_shared>> -> memref<136x8xf32, #tpu.memory_space<vmem_shared>>
        tpu.wait_dma2 semaphore(%run_scoped3A : memref<!tpu.dma_semaphore, #tpu.memory_space<semaphore_mem>>) src(%arg11 : memref<136x8xf32, #tpu.memory_space<vmem>>) dst(%dma_wait3A_43 : memref<136x8xf32, #tpu.memory_space<vmem_shared>>)
        tpu.yield
      }) : () -> ()
    }
    %scan3A_5 = arith.constant 23 : i32
    %barrier3A = arith.constant 0 : index
    tpu.barrier barrier_id(%barrier3A)
    %dma_start3A = arith.constant 0 : i32
    %dma_start3A_6 = arith.constant 0 : i32
    %dma_start3A_7 = tpu.memref_slice %arg7[%dma_start3A, %dma_start3A_6] : memref<394x128xi32, #tpu.memory_space<vmem>> -> memref<1x128xi32, #tpu.memory_space<vmem>>
    %dma_start3A_8 = tpu.memref_squeeze %dma_start3A_7 : memref<1x128xi32, #tpu.memory_space<vmem>> -> memref<128xi32, #tpu.memory_space<vmem>>
    %dma_start3A_9 = arith.constant 0 : i32
    %dma_start3A_10 = arith.constant 0 : i32
    %dma_start3A_11 = tpu.memref_slice %arg2[%dma_start3A_9, %dma_start3A_10] : memref<401408x8xf32, #tpu.memory_space<hbm>> -> memref<401408x8xf32, #tpu.memory_space<hbm>>
    tpu.enqueue_indirect_dma source(%dma_start3A_11 : memref<401408x8xf32, #tpu.memory_space<hbm>>) target(%arg9 : memref<128x8xf32, #tpu.memory_space<vmem>>) offsets(%dma_start3A_8 : memref<128xi32, #tpu.memory_space<vmem>>) semaphore(%arg14 : memref<!tpu.dma_semaphore, #tpu.memory_space<semaphore_mem>>)
    %scan3A_12 = arith.constant 0 : i32
    %scan3A_13 = arith.constant 0 : i32
    %scan3A_14 = arith.constant 196 : i32
    %scan3A_15 = arith.addi %scan3A_13, %scan3A_14 : i32
    %scan3A_16 = arith.constant 1 : i32
    scf.for %scan3A_32 = %scan3A_13 to %scan3A_15 step %scan3A_16  : i32 {
      %mul3A_33 = arith.constant 2 : i32
      %mul3A_34 = arith.muli %mul3A_33, %scan3A_32 : i32
      %dma_wait3A_35 = arith.constant 0 : i32
      %dma_wait3A_36 = tpu.memref_slice %arg7[%mul3A_34, %dma_wait3A_35] : memref<394x128xi32, #tpu.memory_space<vmem>> -> memref<1x128xi32, #tpu.memory_space<vmem>>
      %dma_wait3A_37 = tpu.memref_squeeze %dma_wait3A_36 : memref<1x128xi32, #tpu.memory_space<vmem>> -> memref<128xi32, #tpu.memory_space<vmem>>
      %dma_wait3A_38 = arith.constant 0 : i32
      %dma_wait3A_39 = arith.constant 0 : i32
      %dma_wait3A_40 = tpu.memref_slice %arg2[%dma_wait3A_38, %dma_wait3A_39] : memref<401408x8xf32, #tpu.memory_space<hbm>> -> memref<401408x8xf32, #tpu.memory_space<hbm>>
      tpu.wait_indirect_dma semaphore(%arg14 : memref<!tpu.dma_semaphore, #tpu.memory_space<semaphore_mem>>) src(%dma_wait3A_40 : memref<401408x8xf32, #tpu.memory_space<hbm>>) dst(%arg9 : memref<128x8xf32, #tpu.memory_space<vmem>>)
      %add3A_41 = arith.constant 1 : i32
      %add3A_42 = arith.addi %mul3A_34, %add3A_41 : i32
      %dma_start3A_43 = arith.constant 0 : i32
      %dma_start3A_44 = tpu.memref_slice %arg7[%add3A_42, %dma_start3A_43] : memref<394x128xi32, #tpu.memory_space<vmem>> -> memref<1x128xi32, #tpu.memory_space<vmem>>
      %dma_start3A_45 = tpu.memref_squeeze %dma_start3A_44 : memref<1x128xi32, #tpu.memory_space<vmem>> -> memref<128xi32, #tpu.memory_space<vmem>>
      %dma_start3A_46 = arith.constant 0 : i32
      %dma_start3A_47 = arith.constant 0 : i32
      %dma_start3A_48 = tpu.memref_slice %arg2[%dma_start3A_46, %dma_start3A_47] : memref<401408x8xf32, #tpu.memory_space<hbm>> -> memref<401408x8xf32, #tpu.memory_space<hbm>>
      tpu.enqueue_indirect_dma source(%dma_start3A_48 : memref<401408x8xf32, #tpu.memory_space<hbm>>) target(%arg10 : memref<128x8xf32, #tpu.memory_space<vmem>>) offsets(%dma_start3A_45 : memref<128xi32, #tpu.memory_space<vmem>>) semaphore(%arg15 : memref<!tpu.dma_semaphore, #tpu.memory_space<semaphore_mem>>)
      "tpu.region"() ({
        %run_scoped3A = tpu.sem_alloc : memref<!tpu.dma_semaphore, #tpu.memory_space<semaphore_mem>>
        %dma_start3A_67 = arith.constant 0 : i32
        %dma_start3A_68 = tpu.memref_slice %arg8[%mul3A_34, %dma_start3A_67] : memref<392x128xi32, #tpu.memory_space<vmem>> -> memref<1x128xi32, #tpu.memory_space<vmem>>
        %dma_start3A_69 = tpu.memref_squeeze %dma_start3A_68 : memref<1x128xi32, #tpu.memory_space<vmem>> -> memref<128xi32, #tpu.memory_space<vmem>>
        %dma_start3A_70 = arith.constant 0 : i32
        %dma_start3A_71 = arith.constant 0 : i32
        %dma_start3A_72 = tpu.memref_slice %arg13[%dma_start3A_70, %dma_start3A_71] : memref<50048x8xf32, #tpu.memory_space<vmem_shared>> -> memref<50048x8xf32, #tpu.memory_space<vmem_shared>>
        tpu.enqueue_indirect_dma source(%arg9 : memref<128x8xf32, #tpu.memory_space<vmem>>) target(%dma_start3A_72 : memref<50048x8xf32, #tpu.memory_space<vmem_shared>>) offsets(%dma_start3A_69 : memref<128xi32, #tpu.memory_space<vmem>>) semaphore(%run_scoped3A : memref<!tpu.dma_semaphore, #tpu.memory_space<semaphore_mem>>) {add = true}
        %dma_wait3A_73 = arith.constant 0 : i32
        %dma_wait3A_74 = tpu.memref_slice %arg8[%mul3A_34, %dma_wait3A_73] : memref<392x128xi32, #tpu.memory_space<vmem>> -> memref<1x128xi32, #tpu.memory_space<vmem>>
        %dma_wait3A_75 = tpu.memref_squeeze %dma_wait3A_74 : memref<1x128xi32, #tpu.memory_space<vmem>> -> memref<128xi32, #tpu.memory_space<vmem>>
        %dma_wait3A_76 = arith.constant 0 : i32
        %dma_wait3A_77 = arith.constant 0 : i32
        %dma_wait3A_78 = tpu.memref_slice %arg13[%dma_wait3A_76, %dma_wait3A_77] : memref<50048x8xf32, #tpu.memory_space<vmem_shared>> -> memref<50048x8xf32, #tpu.memory_space<vmem_shared>>
        tpu.wait_indirect_dma semaphore(%run_scoped3A : memref<!tpu.dma_semaphore, #tpu.memory_space<semaphore_mem>>) src(%arg9 : memref<128x8xf32, #tpu.memory_space<vmem>>) dst(%dma_wait3A_78 : memref<50048x8xf32, #tpu.memory_space<vmem_shared>>)
        tpu.yield
      }) : () -> ()
      %add3A_49 = arith.constant 2 : i32
      %add3A_50 = arith.addi %mul3A_34, %add3A_49 : i32
      %dma_start3A_51 = arith.constant 0 : i32
      %dma_start3A_52 = tpu.memref_slice %arg7[%add3A_50, %dma_start3A_51] : memref<394x128xi32, #tpu.memory_space<vmem>> -> memref<1x128xi32, #tpu.memory_space<vmem>>
      %dma_start3A_53 = tpu.memref_squeeze %dma_start3A_52 : memref<1x128xi32, #tpu.memory_space<vmem>> -> memref<128xi32, #tpu.memory_space<vmem>>
      %dma_start3A_54 = arith.constant 0 : i32
      %dma_start3A_55 = arith.constant 0 : i32
      %dma_start3A_56 = tpu.memref_slice %arg2[%dma_start3A_54, %dma_start3A_55] : memref<401408x8xf32, #tpu.memory_space<hbm>> -> memref<401408x8xf32, #tpu.memory_space<hbm>>
      tpu.enqueue_indirect_dma source(%dma_start3A_56 : memref<401408x8xf32, #tpu.memory_space<hbm>>) target(%arg9 : memref<128x8xf32, #tpu.memory_space<vmem>>) offsets(%dma_start3A_53 : memref<128xi32, #tpu.memory_space<vmem>>) semaphore(%arg14 : memref<!tpu.dma_semaphore, #tpu.memory_space<semaphore_mem>>)
      %add3A_57 = arith.constant 1 : i32
      %add3A_58 = arith.addi %mul3A_34, %add3A_57 : i32
      %dma_wait3A_59 = arith.constant 0 : i32
      %dma_wait3A_60 = tpu.memref_slice %arg7[%add3A_58, %dma_wait3A_59] : memref<394x128xi32, #tpu.memory_space<vmem>> -> memref<1x128xi32, #tpu.memory_space<vmem>>
      %dma_wait3A_61 = tpu.memref_squeeze %dma_wait3A_60 : memref<1x128xi32, #tpu.memory_space<vmem>> -> memref<128xi32, #tpu.memory_space<vmem>>
      %dma_wait3A_62 = arith.constant 0 : i32
      %dma_wait3A_63 = arith.constant 0 : i32
      %dma_wait3A_64 = tpu.memref_slice %arg2[%dma_wait3A_62, %dma_wait3A_63] : memref<401408x8xf32, #tpu.memory_space<hbm>> -> memref<401408x8xf32, #tpu.memory_space<hbm>>
      tpu.wait_indirect_dma semaphore(%arg15 : memref<!tpu.dma_semaphore, #tpu.memory_space<semaphore_mem>>) src(%dma_wait3A_64 : memref<401408x8xf32, #tpu.memory_space<hbm>>) dst(%arg10 : memref<128x8xf32, #tpu.memory_space<vmem>>)
      %add3A_65 = arith.constant 1 : i32
      %add3A_66 = arith.addi %mul3A_34, %add3A_65 : i32
      "tpu.region"() ({
        %run_scoped3A = tpu.sem_alloc : memref<!tpu.dma_semaphore, #tpu.memory_space<semaphore_mem>>
        %dma_start3A_67 = arith.constant 0 : i32
        %dma_start3A_68 = tpu.memref_slice %arg8[%add3A_66, %dma_start3A_67] : memref<392x128xi32, #tpu.memory_space<vmem>> -> memref<1x128xi32, #tpu.memory_space<vmem>>
        %dma_start3A_69 = tpu.memref_squeeze %dma_start3A_68 : memref<1x128xi32, #tpu.memory_space<vmem>> -> memref<128xi32, #tpu.memory_space<vmem>>
        %dma_start3A_70 = arith.constant 0 : i32
        %dma_start3A_71 = arith.constant 0 : i32
        %dma_start3A_72 = tpu.memref_slice %arg13[%dma_start3A_70, %dma_start3A_71] : memref<50048x8xf32, #tpu.memory_space<vmem_shared>> -> memref<50048x8xf32, #tpu.memory_space<vmem_shared>>
        tpu.enqueue_indirect_dma source(%arg10 : memref<128x8xf32, #tpu.memory_space<vmem>>) target(%dma_start3A_72 : memref<50048x8xf32, #tpu.memory_space<vmem_shared>>) offsets(%dma_start3A_69 : memref<128xi32, #tpu.memory_space<vmem>>) semaphore(%run_scoped3A : memref<!tpu.dma_semaphore, #tpu.memory_space<semaphore_mem>>) {add = true}
        %dma_wait3A_73 = arith.constant 0 : i32
        %dma_wait3A_74 = tpu.memref_slice %arg8[%add3A_66, %dma_wait3A_73] : memref<392x128xi32, #tpu.memory_space<vmem>> -> memref<1x128xi32, #tpu.memory_space<vmem>>
        %dma_wait3A_75 = tpu.memref_squeeze %dma_wait3A_74 : memref<1x128xi32, #tpu.memory_space<vmem>> -> memref<128xi32, #tpu.memory_space<vmem>>
        %dma_wait3A_76 = arith.constant 0 : i32
        %dma_wait3A_77 = arith.constant 0 : i32
        %dma_wait3A_78 = tpu.memref_slice %arg13[%dma_wait3A_76, %dma_wait3A_77] : memref<50048x8xf32, #tpu.memory_space<vmem_shared>> -> memref<50048x8xf32, #tpu.memory_space<vmem_shared>>
        tpu.wait_indirect_dma semaphore(%run_scoped3A : memref<!tpu.dma_semaphore, #tpu.memory_space<semaphore_mem>>) src(%arg10 : memref<128x8xf32, #tpu.memory_space<vmem>>) dst(%dma_wait3A_78 : memref<50048x8xf32, #tpu.memory_space<vmem_shared>>)
        tpu.yield
      }) : () -> ()
    }
    %scan3A_17 = arith.constant 196 : i32
    %dma_wait3A = arith.constant 392 : i32
    %dma_wait3A_18 = arith.constant 0 : i32
    %dma_wait3A_19 = tpu.memref_slice %arg7[%dma_wait3A, %dma_wait3A_18] : memref<394x128xi32, #tpu.memory_space<vmem>> -> memref<1x128xi32, #tpu.memory_space<vmem>>
    %dma_wait3A_20 = tpu.memref_squeeze %dma_wait3A_19 : memref<1x128xi32, #tpu.memory_space<vmem>> -> memref<128xi32, #tpu.memory_space<vmem>>
    %dma_wait3A_21 = arith.constant 0 : i32
    %dma_wait3A_22 = arith.constant 0 : i32
    %dma_wait3A_23 = tpu.memref_slice %arg2[%dma_wait3A_21, %dma_wait3A_22] : memref<401408x8xf32, #tpu.memory_space<hbm>> -> memref<401408x8xf32, #tpu.memory_space<hbm>>
    tpu.wait_indirect_dma semaphore(%arg14 : memref<!tpu.dma_semaphore, #tpu.memory_space<semaphore_mem>>) src(%dma_wait3A_23 : memref<401408x8xf32, #tpu.memory_space<hbm>>) dst(%arg9 : memref<128x8xf32, #tpu.memory_space<vmem>>)
    %barrier3A_24 = arith.constant 0 : index
    tpu.barrier barrier_id(%barrier3A_24)
    %add3A = arith.constant 0 : i32
    %add3A_25 = arith.addi %add3A, %arg0 : i32
    %scan3A_26 = arith.constant 0 : i32
    %scan3A_27 = arith.constant 0 : i32
    %scan3A_28 = arith.constant 23 : i32
    %scan3A_29 = arith.addi %scan3A_27, %scan3A_28 : i32
    %scan3A_30 = arith.constant 1 : i32
    scf.for %scan3A_32 = %scan3A_27 to %scan3A_29 step %scan3A_30  : i32 {
      %mul3A_33 = arith.constant 136 : i32
      %mul3A_34 = arith.muli %scan3A_32, %mul3A_33 : i32
      %add3A_35 = arith.addi %mul3A_0, %mul3A_34 : i32
      "tpu.region"() ({
        %run_scoped3A = tpu.sem_alloc : memref<!tpu.dma_semaphore, #tpu.memory_space<semaphore_mem>>
        %dma_start3A_39 = arith.constant 0 : i32
        %dma_start3A_40 = tpu.memref_slice %arg13[%add3A_35, %dma_start3A_39] : memref<50048x8xf32, #tpu.memory_space<vmem_shared>> -> memref<136x8xf32, #tpu.memory_space<vmem_shared>>
        %dma_start3A_41 = arith.constant 0 : i32
        %dma_start3A_42 = tpu.memref_slice %arg13[%add3A_35, %dma_start3A_41] : memref<50048x8xf32, #tpu.memory_space<vmem_shared>> -> memref<136x8xf32, #tpu.memory_space<vmem_shared>>
        tpu.enqueue_dma source(%dma_start3A_42 : memref<136x8xf32, #tpu.memory_space<vmem_shared>>) target(%arg12 : memref<136x8xf32, #tpu.memory_space<vmem>>) target_semaphore(%run_scoped3A : memref<!tpu.dma_semaphore, #tpu.memory_space<semaphore_mem>>)
        %dma_wait3A_43 = arith.constant 0 : i32
        %dma_wait3A_44 = tpu.memref_slice %arg13[%add3A_35, %dma_wait3A_43] : memref<50048x8xf32, #tpu.memory_space<vmem_shared>> -> memref<136x8xf32, #tpu.memory_space<vmem_shared>>
        %dma_wait3A_45 = arith.constant 0 : i32
        %dma_wait3A_46 = tpu.memref_slice %arg13[%add3A_35, %dma_wait3A_45] : memref<50048x8xf32, #tpu.memory_space<vmem_shared>> -> memref<136x8xf32, #tpu.memory_space<vmem_shared>>
        tpu.wait_dma2 semaphore(%run_scoped3A : memref<!tpu.dma_semaphore, #tpu.memory_space<semaphore_mem>>) src(%dma_wait3A_46 : memref<136x8xf32, #tpu.memory_space<vmem_shared>>) dst(%arg12 : memref<136x8xf32, #tpu.memory_space<vmem>>)
        tpu.yield
      }) : () -> ()
      %mul3A_36 = arith.constant 136 : i32
      %mul3A_37 = arith.muli %scan3A_32, %mul3A_36 : i32
      %add3A_38 = arith.addi %mul3A_0, %mul3A_37 : i32
      "tpu.region"() ({
        %run_scoped3A = tpu.sem_alloc : memref<!tpu.dma_semaphore, #tpu.memory_space<semaphore_mem>>
        %dma_start3A_39 = arith.constant 0 : i32
        %dma_start3A_40 = tpu.memref_slice %arg6[%add3A_38, %add3A_25, %dma_start3A_39] : memref<50176x8x8xf32, #tpu.memory_space<hbm>> -> memref<136x1x8xf32, #tpu.memory_space<hbm>>
        %dma_start3A_41 = tpu.memref_squeeze %dma_start3A_40 : memref<136x1x8xf32, #tpu.memory_space<hbm>> -> memref<136x8xf32, #tpu.memory_space<hbm>>
        %dma_start3A_42 = arith.constant 0 : i32
        %dma_start3A_43 = tpu.memref_slice %arg6[%add3A_38, %add3A_25, %dma_start3A_42] : memref<50176x8x8xf32, #tpu.memory_space<hbm>> -> memref<136x1x8xf32, #tpu.memory_space<hbm>>
        %dma_start3A_44 = tpu.memref_squeeze %dma_start3A_43 : memref<136x1x8xf32, #tpu.memory_space<hbm>> -> memref<136x8xf32, #tpu.memory_space<hbm>>
        tpu.enqueue_dma source(%arg12 : memref<136x8xf32, #tpu.memory_space<vmem>>) target(%dma_start3A_44 : memref<136x8xf32, #tpu.memory_space<hbm>>) target_semaphore(%run_scoped3A : memref<!tpu.dma_semaphore, #tpu.memory_space<semaphore_mem>>)
        %dma_wait3A_45 = arith.constant 0 : i32
        %dma_wait3A_46 = tpu.memref_slice %arg6[%add3A_38, %add3A_25, %dma_wait3A_45] : memref<50176x8x8xf32, #tpu.memory_space<hbm>> -> memref<136x1x8xf32, #tpu.memory_space<hbm>>
        %dma_wait3A_47 = tpu.memref_squeeze %dma_wait3A_46 : memref<136x1x8xf32, #tpu.memory_space<hbm>> -> memref<136x8xf32, #tpu.memory_space<hbm>>
        %dma_wait3A_48 = arith.constant 0 : i32
        %dma_wait3A_49 = tpu.memref_slice %arg6[%add3A_38, %add3A_25, %dma_wait3A_48] : memref<50176x8x8xf32, #tpu.memory_space<hbm>> -> memref<136x1x8xf32, #tpu.memory_space<hbm>>
        %dma_wait3A_50 = tpu.memref_squeeze %dma_wait3A_49 : memref<136x1x8xf32, #tpu.memory_space<hbm>> -> memref<136x8xf32, #tpu.memory_space<hbm>>
        tpu.wait_dma2 semaphore(%run_scoped3A : memref<!tpu.dma_semaphore, #tpu.memory_space<semaphore_mem>>) src(%arg12 : memref<136x8xf32, #tpu.memory_space<vmem>>) dst(%dma_wait3A_50 : memref<136x8xf32, #tpu.memory_space<hbm>>)
        tpu.yield
      }) : () -> ()
    }
    %scan3A_31 = arith.constant 23 : i32
    return
  }
}

#map = affine_map<(d0, d1) -> (0)>
#map1 = affine_map<(d0, d1) -> (0, 0, 0)>
module attributes {stable_mosaic.version = 14 : i64} {
  func.func @sc_deg(%arg0: i32, %arg1: i32, %arg2: memref<50176xf32, #tpu.memory_space<hbm>>, %arg3: memref<16x392x128xi32, #tpu.memory_space<hbm>>, %arg4: memref<224xf32, #tpu.memory_space<hbm>>, %arg5: memref<50176xf32, #tpu.memory_space<hbm>>, %arg6: memref<50176xf32, #tpu.memory_space<hbm>>, %arg7: memref<392x128xi32, #tpu.memory_space<vmem>>, %arg8: memref<128xf32, #tpu.memory_space<vmem>>, %arg9: memref<224xf32, #tpu.memory_space<vmem>>, %arg10: memref<50176xf32, #tpu.memory_space<vmem_shared>>, %arg11: memref<!tpu.dma_semaphore, #tpu.memory_space<semaphore_mem>>) attributes {dimension_semantics = [#tpu.dimension_semantics<core_parallel>, #tpu.dimension_semantics<subcore_parallel>], iteration_bounds = array<i64: 2, 16>, scalar_prefetch = 0 : i64, scratch_operands = 5 : i64, tpu.core_type = #tpu.core_type<sc_vector_subcore>, window_params = [{transform_indices = #map}, {transform_indices = #map1}, {transform_indices = #map}, {transform_indices = #map}, {transform_indices = #map}]} {
    %mul3A = arith.constant 3136 : i32
    %mul3A_0 = arith.muli %arg1, %mul3A : i32
    "tpu.region"() ({
      %run_scoped3A = tpu.sem_alloc : memref<!tpu.dma_semaphore, #tpu.memory_space<semaphore_mem>>
      tpu.enqueue_dma source(%arg4 : memref<224xf32, #tpu.memory_space<hbm>>) target(%arg9 : memref<224xf32, #tpu.memory_space<vmem>>) target_semaphore(%run_scoped3A : memref<!tpu.dma_semaphore, #tpu.memory_space<semaphore_mem>>)
      tpu.wait_dma2 semaphore(%run_scoped3A : memref<!tpu.dma_semaphore, #tpu.memory_space<semaphore_mem>>) src(%arg4 : memref<224xf32, #tpu.memory_space<hbm>>) dst(%arg9 : memref<224xf32, #tpu.memory_space<vmem>>)
      tpu.yield
    }) : () -> ()
    "tpu.region"() ({
      %run_scoped3A = tpu.sem_alloc : memref<!tpu.dma_semaphore, #tpu.memory_space<semaphore_mem>>
      %dma_start3A = arith.constant 0 : i32
      %dma_start3A_20 = tpu.memref_slice %arg2[%dma_start3A] : memref<50176xf32, #tpu.memory_space<hbm>> -> memref<128xf32, #tpu.memory_space<hbm>>
      %dma_start3A_21 = arith.constant 0 : i32
      %dma_start3A_22 = tpu.memref_slice %arg2[%dma_start3A_21] : memref<50176xf32, #tpu.memory_space<hbm>> -> memref<128xf32, #tpu.memory_space<hbm>>
      tpu.enqueue_dma source(%dma_start3A_22 : memref<128xf32, #tpu.memory_space<hbm>>) target(%arg8 : memref<128xf32, #tpu.memory_space<vmem>>) target_semaphore(%run_scoped3A : memref<!tpu.dma_semaphore, #tpu.memory_space<semaphore_mem>>)
      %dma_wait3A = arith.constant 0 : i32
      %dma_wait3A_23 = tpu.memref_slice %arg2[%dma_wait3A] : memref<50176xf32, #tpu.memory_space<hbm>> -> memref<128xf32, #tpu.memory_space<hbm>>
      %dma_wait3A_24 = arith.constant 0 : i32
      %dma_wait3A_25 = tpu.memref_slice %arg2[%dma_wait3A_24] : memref<50176xf32, #tpu.memory_space<hbm>> -> memref<128xf32, #tpu.memory_space<hbm>>
      tpu.wait_dma2 semaphore(%run_scoped3A : memref<!tpu.dma_semaphore, #tpu.memory_space<semaphore_mem>>) src(%dma_wait3A_25 : memref<128xf32, #tpu.memory_space<hbm>>) dst(%arg8 : memref<128xf32, #tpu.memory_space<vmem>>)
      tpu.yield
    }) : () -> ()
    "tpu.region"() ({
      %run_scoped3A = tpu.sem_alloc : memref<!tpu.dma_semaphore, #tpu.memory_space<semaphore_mem>>
      %dma_start3A = arith.constant 0 : i32
      %dma_start3A_20 = arith.constant 0 : i32
      %dma_start3A_21 = tpu.memref_slice %arg3[%arg1, %dma_start3A, %dma_start3A_20] : memref<16x392x128xi32, #tpu.memory_space<hbm>> -> memref<1x392x128xi32, #tpu.memory_space<hbm>>
      %dma_start3A_22 = tpu.memref_squeeze %dma_start3A_21 : memref<1x392x128xi32, #tpu.memory_space<hbm>> -> memref<392x128xi32, #tpu.memory_space<hbm>>
      %dma_start3A_23 = arith.constant 0 : i32
      %dma_start3A_24 = arith.constant 0 : i32
      %dma_start3A_25 = tpu.memref_slice %arg3[%arg1, %dma_start3A_23, %dma_start3A_24] : memref<16x392x128xi32, #tpu.memory_space<hbm>> -> memref<1x392x128xi32, #tpu.memory_space<hbm>>
      %dma_start3A_26 = tpu.memref_squeeze %dma_start3A_25 : memref<1x392x128xi32, #tpu.memory_space<hbm>> -> memref<392x128xi32, #tpu.memory_space<hbm>>
      tpu.enqueue_dma source(%dma_start3A_26 : memref<392x128xi32, #tpu.memory_space<hbm>>) target(%arg7 : memref<392x128xi32, #tpu.memory_space<vmem>>) target_semaphore(%run_scoped3A : memref<!tpu.dma_semaphore, #tpu.memory_space<semaphore_mem>>)
      %dma_wait3A = arith.constant 0 : i32
      %dma_wait3A_27 = arith.constant 0 : i32
      %dma_wait3A_28 = tpu.memref_slice %arg3[%arg1, %dma_wait3A, %dma_wait3A_27] : memref<16x392x128xi32, #tpu.memory_space<hbm>> -> memref<1x392x128xi32, #tpu.memory_space<hbm>>
      %dma_wait3A_29 = tpu.memref_squeeze %dma_wait3A_28 : memref<1x392x128xi32, #tpu.memory_space<hbm>> -> memref<392x128xi32, #tpu.memory_space<hbm>>
      %dma_wait3A_30 = arith.constant 0 : i32
      %dma_wait3A_31 = arith.constant 0 : i32
      %dma_wait3A_32 = tpu.memref_slice %arg3[%arg1, %dma_wait3A_30, %dma_wait3A_31] : memref<16x392x128xi32, #tpu.memory_space<hbm>> -> memref<1x392x128xi32, #tpu.memory_space<hbm>>
      %dma_wait3A_33 = tpu.memref_squeeze %dma_wait3A_32 : memref<1x392x128xi32, #tpu.memory_space<hbm>> -> memref<392x128xi32, #tpu.memory_space<hbm>>
      tpu.wait_dma2 semaphore(%run_scoped3A : memref<!tpu.dma_semaphore, #tpu.memory_space<semaphore_mem>>) src(%dma_wait3A_33 : memref<392x128xi32, #tpu.memory_space<hbm>>) dst(%arg7 : memref<392x128xi32, #tpu.memory_space<vmem>>)
      tpu.yield
    }) : () -> ()
    %scan3A = arith.constant 0 : i32
    %scan3A_1 = arith.constant 0 : i32
    %scan3A_2 = arith.constant 14 : i32
    %scan3A_3 = arith.addi %scan3A_1, %scan3A_2 : i32
    %scan3A_4 = arith.constant 1 : i32
    scf.for %scan3A_20 = %scan3A_1 to %scan3A_3 step %scan3A_4  : i32 {
      %mul3A_21 = arith.constant 224 : i32
      %mul3A_22 = arith.muli %scan3A_20, %mul3A_21 : i32
      %add3A = arith.addi %mul3A_0, %mul3A_22 : i32
      "tpu.region"() ({
        %run_scoped3A = tpu.sem_alloc : memref<!tpu.dma_semaphore, #tpu.memory_space<semaphore_mem>>
        %dma_start3A = tpu.memref_slice %arg10[%add3A] : memref<50176xf32, #tpu.memory_space<vmem_shared>> -> memref<224xf32, #tpu.memory_space<vmem_shared>>
        %dma_start3A_23 = tpu.memref_slice %arg10[%add3A] : memref<50176xf32, #tpu.memory_space<vmem_shared>> -> memref<224xf32, #tpu.memory_space<vmem_shared>>
        tpu.enqueue_dma source(%arg9 : memref<224xf32, #tpu.memory_space<vmem>>) target(%dma_start3A_23 : memref<224xf32, #tpu.memory_space<vmem_shared>>) target_semaphore(%run_scoped3A : memref<!tpu.dma_semaphore, #tpu.memory_space<semaphore_mem>>)
        %dma_wait3A = tpu.memref_slice %arg10[%add3A] : memref<50176xf32, #tpu.memory_space<vmem_shared>> -> memref<224xf32, #tpu.memory_space<vmem_shared>>
        %dma_wait3A_24 = tpu.memref_slice %arg10[%add3A] : memref<50176xf32, #tpu.memory_space<vmem_shared>> -> memref<224xf32, #tpu.memory_space<vmem_shared>>
        tpu.wait_dma2 semaphore(%run_scoped3A : memref<!tpu.dma_semaphore, #tpu.memory_space<semaphore_mem>>) src(%arg9 : memref<224xf32, #tpu.memory_space<vmem>>) dst(%dma_wait3A_24 : memref<224xf32, #tpu.memory_space<vmem_shared>>)
        tpu.yield
      }) : () -> ()
    }
    %scan3A_5 = arith.constant 14 : i32
    %barrier3A = arith.constant 0 : index
    tpu.barrier barrier_id(%barrier3A)
    %scan3A_6 = arith.constant 0 : i32
    %scan3A_7 = arith.constant 0 : i32
    %scan3A_8 = arith.constant 196 : i32
    %scan3A_9 = arith.addi %scan3A_7, %scan3A_8 : i32
    %scan3A_10 = arith.constant 1 : i32
    scf.for %scan3A_20 = %scan3A_7 to %scan3A_9 step %scan3A_10  : i32 {
      %mul3A_21 = arith.constant 2 : i32
      %mul3A_22 = arith.muli %mul3A_21, %scan3A_20 : i32
      %add3A = arith.addi %mul3A_22, %arg0 : i32
      "tpu.region"() ({
        %run_scoped3A = tpu.sem_alloc : memref<!tpu.dma_semaphore, #tpu.memory_space<semaphore_mem>>
        %dma_start3A = arith.constant 0 : i32
        %dma_start3A_23 = tpu.memref_slice %arg7[%add3A, %dma_start3A] : memref<392x128xi32, #tpu.memory_space<vmem>> -> memref<1x128xi32, #tpu.memory_space<vmem>>
        %dma_start3A_24 = tpu.memref_squeeze %dma_start3A_23 : memref<1x128xi32, #tpu.memory_space<vmem>> -> memref<128xi32, #tpu.memory_space<vmem>>
        %dma_start3A_25 = arith.constant 0 : i32
        %dma_start3A_26 = tpu.memref_slice %arg10[%dma_start3A_25] : memref<50176xf32, #tpu.memory_space<vmem_shared>> -> memref<50176xf32, #tpu.memory_space<vmem_shared>>
        tpu.enqueue_indirect_dma source(%arg8 : memref<128xf32, #tpu.memory_space<vmem>>) target(%dma_start3A_26 : memref<50176xf32, #tpu.memory_space<vmem_shared>>) offsets(%dma_start3A_24 : memref<128xi32, #tpu.memory_space<vmem>>) semaphore(%run_scoped3A : memref<!tpu.dma_semaphore, #tpu.memory_space<semaphore_mem>>) {add = true}
        %dma_wait3A = arith.constant 0 : i32
        %dma_wait3A_27 = tpu.memref_slice %arg7[%add3A, %dma_wait3A] : memref<392x128xi32, #tpu.memory_space<vmem>> -> memref<1x128xi32, #tpu.memory_space<vmem>>
        %dma_wait3A_28 = tpu.memref_squeeze %dma_wait3A_27 : memref<1x128xi32, #tpu.memory_space<vmem>> -> memref<128xi32, #tpu.memory_space<vmem>>
        %dma_wait3A_29 = arith.constant 0 : i32
        %dma_wait3A_30 = tpu.memref_slice %arg10[%dma_wait3A_29] : memref<50176xf32, #tpu.memory_space<vmem_shared>> -> memref<50176xf32, #tpu.memory_space<vmem_shared>>
        tpu.wait_indirect_dma semaphore(%run_scoped3A : memref<!tpu.dma_semaphore, #tpu.memory_space<semaphore_mem>>) src(%arg8 : memref<128xf32, #tpu.memory_space<vmem>>) dst(%dma_wait3A_30 : memref<50176xf32, #tpu.memory_space<vmem_shared>>)
        tpu.yield
      }) : () -> ()
    }
    %scan3A_11 = arith.constant 196 : i32
    %barrier3A_12 = arith.constant 0 : index
    tpu.barrier barrier_id(%barrier3A_12)
    %eq3A = arith.constant 0 : i32
    %eq3A_13 = arith.cmpi eq, %arg0, %eq3A : i32
    %convert_element_type3A = arith.extui %eq3A_13 : i1 to i32
    %cond3A = arith.constant 0 : i32
    %cond3A_14 = arith.cmpi ne, %convert_element_type3A, %cond3A : i32
    scf.if %cond3A_14 {
      %scan3A_20 = arith.constant 0 : i32
      %scan3A_21 = arith.constant 0 : i32
      %scan3A_22 = arith.constant 14 : i32
      %scan3A_23 = arith.addi %scan3A_21, %scan3A_22 : i32
      %scan3A_24 = arith.constant 1 : i32
      scf.for %scan3A_26 = %scan3A_21 to %scan3A_23 step %scan3A_24  : i32 {
        %mul3A_27 = arith.constant 224 : i32
        %mul3A_28 = arith.muli %scan3A_26, %mul3A_27 : i32
        %add3A = arith.addi %mul3A_0, %mul3A_28 : i32
        "tpu.region"() ({
          %run_scoped3A = tpu.sem_alloc : memref<!tpu.dma_semaphore, #tpu.memory_space<semaphore_mem>>
          %dma_start3A = tpu.memref_slice %arg10[%add3A] : memref<50176xf32, #tpu.memory_space<vmem_shared>> -> memref<224xf32, #tpu.memory_space<vmem_shared>>
          %dma_start3A_32 = tpu.memref_slice %arg10[%add3A] : memref<50176xf32, #tpu.memory_space<vmem_shared>> -> memref<224xf32, #tpu.memory_space<vmem_shared>>
          tpu.enqueue_dma source(%dma_start3A_32 : memref<224xf32, #tpu.memory_space<vmem_shared>>) target(%arg9 : memref<224xf32, #tpu.memory_space<vmem>>) target_semaphore(%run_scoped3A : memref<!tpu.dma_semaphore, #tpu.memory_space<semaphore_mem>>)
          %dma_wait3A = tpu.memref_slice %arg10[%add3A] : memref<50176xf32, #tpu.memory_space<vmem_shared>> -> memref<224xf32, #tpu.memory_space<vmem_shared>>
          %dma_wait3A_33 = tpu.memref_slice %arg10[%add3A] : memref<50176xf32, #tpu.memory_space<vmem_shared>> -> memref<224xf32, #tpu.memory_space<vmem_shared>>
          tpu.wait_dma2 semaphore(%run_scoped3A : memref<!tpu.dma_semaphore, #tpu.memory_space<semaphore_mem>>) src(%dma_wait3A_33 : memref<224xf32, #tpu.memory_space<vmem_shared>>) dst(%arg9 : memref<224xf32, #tpu.memory_space<vmem>>)
          tpu.yield
        }) : () -> ()
        %mul3A_29 = arith.constant 224 : i32
        %mul3A_30 = arith.muli %scan3A_26, %mul3A_29 : i32
        %add3A_31 = arith.addi %mul3A_0, %mul3A_30 : i32
        "tpu.region"() ({
          %run_scoped3A = tpu.sem_alloc : memref<!tpu.dma_semaphore, #tpu.memory_space<semaphore_mem>>
          %dma_start3A = tpu.memref_slice %arg5[%add3A_31] : memref<50176xf32, #tpu.memory_space<hbm>> -> memref<224xf32, #tpu.memory_space<hbm>>
          %dma_start3A_32 = tpu.memref_slice %arg5[%add3A_31] : memref<50176xf32, #tpu.memory_space<hbm>> -> memref<224xf32, #tpu.memory_space<hbm>>
          tpu.enqueue_dma source(%arg9 : memref<224xf32, #tpu.memory_space<vmem>>) target(%dma_start3A_32 : memref<224xf32, #tpu.memory_space<hbm>>) target_semaphore(%run_scoped3A : memref<!tpu.dma_semaphore, #tpu.memory_space<semaphore_mem>>)
          %dma_wait3A = tpu.memref_slice %arg5[%add3A_31] : memref<50176xf32, #tpu.memory_space<hbm>> -> memref<224xf32, #tpu.memory_space<hbm>>
          %dma_wait3A_33 = tpu.memref_slice %arg5[%add3A_31] : memref<50176xf32, #tpu.memory_space<hbm>> -> memref<224xf32, #tpu.memory_space<hbm>>
          tpu.wait_dma2 semaphore(%run_scoped3A : memref<!tpu.dma_semaphore, #tpu.memory_space<semaphore_mem>>) src(%arg9 : memref<224xf32, #tpu.memory_space<vmem>>) dst(%dma_wait3A_33 : memref<224xf32, #tpu.memory_space<hbm>>)
          tpu.yield
        }) : () -> ()
      }
      %scan3A_25 = arith.constant 14 : i32
    } else {
    }
    %eq3A_15 = arith.constant 1 : i32
    %eq3A_16 = arith.cmpi eq, %arg0, %eq3A_15 : i32
    %convert_element_type3A_17 = arith.extui %eq3A_16 : i1 to i32
    %cond3A_18 = arith.constant 0 : i32
    %cond3A_19 = arith.cmpi ne, %convert_element_type3A_17, %cond3A_18 : i32
    scf.if %cond3A_19 {
      %scan3A_20 = arith.constant 0 : i32
      %scan3A_21 = arith.constant 0 : i32
      %scan3A_22 = arith.constant 14 : i32
      %scan3A_23 = arith.addi %scan3A_21, %scan3A_22 : i32
      %scan3A_24 = arith.constant 1 : i32
      scf.for %scan3A_26 = %scan3A_21 to %scan3A_23 step %scan3A_24  : i32 {
        %mul3A_27 = arith.constant 224 : i32
        %mul3A_28 = arith.muli %scan3A_26, %mul3A_27 : i32
        %add3A = arith.addi %mul3A_0, %mul3A_28 : i32
        "tpu.region"() ({
          %run_scoped3A = tpu.sem_alloc : memref<!tpu.dma_semaphore, #tpu.memory_space<semaphore_mem>>
          %dma_start3A = tpu.memref_slice %arg10[%add3A] : memref<50176xf32, #tpu.memory_space<vmem_shared>> -> memref<224xf32, #tpu.memory_space<vmem_shared>>
          %dma_start3A_32 = tpu.memref_slice %arg10[%add3A] : memref<50176xf32, #tpu.memory_space<vmem_shared>> -> memref<224xf32, #tpu.memory_space<vmem_shared>>
          tpu.enqueue_dma source(%dma_start3A_32 : memref<224xf32, #tpu.memory_space<vmem_shared>>) target(%arg9 : memref<224xf32, #tpu.memory_space<vmem>>) target_semaphore(%run_scoped3A : memref<!tpu.dma_semaphore, #tpu.memory_space<semaphore_mem>>)
          %dma_wait3A = tpu.memref_slice %arg10[%add3A] : memref<50176xf32, #tpu.memory_space<vmem_shared>> -> memref<224xf32, #tpu.memory_space<vmem_shared>>
          %dma_wait3A_33 = tpu.memref_slice %arg10[%add3A] : memref<50176xf32, #tpu.memory_space<vmem_shared>> -> memref<224xf32, #tpu.memory_space<vmem_shared>>
          tpu.wait_dma2 semaphore(%run_scoped3A : memref<!tpu.dma_semaphore, #tpu.memory_space<semaphore_mem>>) src(%dma_wait3A_33 : memref<224xf32, #tpu.memory_space<vmem_shared>>) dst(%arg9 : memref<224xf32, #tpu.memory_space<vmem>>)
          tpu.yield
        }) : () -> ()
        %mul3A_29 = arith.constant 224 : i32
        %mul3A_30 = arith.muli %scan3A_26, %mul3A_29 : i32
        %add3A_31 = arith.addi %mul3A_0, %mul3A_30 : i32
        "tpu.region"() ({
          %run_scoped3A = tpu.sem_alloc : memref<!tpu.dma_semaphore, #tpu.memory_space<semaphore_mem>>
          %dma_start3A = tpu.memref_slice %arg6[%add3A_31] : memref<50176xf32, #tpu.memory_space<hbm>> -> memref<224xf32, #tpu.memory_space<hbm>>
          %dma_start3A_32 = tpu.memref_slice %arg6[%add3A_31] : memref<50176xf32, #tpu.memory_space<hbm>> -> memref<224xf32, #tpu.memory_space<hbm>>
          tpu.enqueue_dma source(%arg9 : memref<224xf32, #tpu.memory_space<vmem>>) target(%dma_start3A_32 : memref<224xf32, #tpu.memory_space<hbm>>) target_semaphore(%run_scoped3A : memref<!tpu.dma_semaphore, #tpu.memory_space<semaphore_mem>>)
          %dma_wait3A = tpu.memref_slice %arg6[%add3A_31] : memref<50176xf32, #tpu.memory_space<hbm>> -> memref<224xf32, #tpu.memory_space<hbm>>
          %dma_wait3A_33 = tpu.memref_slice %arg6[%add3A_31] : memref<50176xf32, #tpu.memory_space<hbm>> -> memref<224xf32, #tpu.memory_space<hbm>>
          tpu.wait_dma2 semaphore(%run_scoped3A : memref<!tpu.dma_semaphore, #tpu.memory_space<semaphore_mem>>) src(%arg9 : memref<224xf32, #tpu.memory_space<vmem>>) dst(%dma_wait3A_33 : memref<224xf32, #tpu.memory_space<hbm>>)
          tpu.yield
        }) : () -> ()
      }
      %scan3A_25 = arith.constant 14 : i32
    } else {
    }
    return
  }
}

#map = affine_map<(d0, d1) -> (0, 0)>
#map1 = affine_map<(d0, d1) -> (0, 0, 0, 0)>
#map2 = affine_map<(d0, d1) -> (0, 0, 0)>
module attributes {stable_mosaic.version = 14 : i64} {
  func.func @sc_q(%arg0: i32, %arg1: i32, %arg2: memref<401408x8xf32, #tpu.memory_space<hbm>>, %arg3: memref<2x16x394x128xi32, #tpu.memory_space<hbm>>, %arg4: memref<16x392x128xi32, #tpu.memory_space<hbm>>, %arg5: memref<136x8xf32, #tpu.memory_space<hbm>>, %arg6: memref<50176x8x8xf32, #tpu.memory_space<hbm>>, %arg7: memref<394x128xi32, #tpu.memory_space<vmem>>, %arg8: memref<392x128xi32, #tpu.memory_space<vmem>>, %arg9: memref<128x8xf32, #tpu.memory_space<vmem>>, %arg10: memref<128x8xf32, #tpu.memory_space<vmem>>, %arg11: memref<136x8xf32, #tpu.memory_space<vmem>>, %arg12: memref<136x8xf32, #tpu.memory_space<vmem>>, %arg13: memref<50048x8xf32, #tpu.memory_space<vmem_shared>>, %arg14: memref<!tpu.dma_semaphore, #tpu.memory_space<semaphore_mem>>, %arg15: memref<!tpu.dma_semaphore, #tpu.memory_space<semaphore_mem>>) attributes {dimension_semantics = [#tpu.dimension_semantics<core_parallel>, #tpu.dimension_semantics<subcore_parallel>], iteration_bounds = array<i64: 2, 16>, scalar_prefetch = 0 : i64, scratch_operands = 9 : i64, tpu.core_type = #tpu.core_type<sc_vector_subcore>, window_params = [{transform_indices = #map}, {transform_indices = #map1}, {transform_indices = #map2}, {transform_indices = #map}, {transform_indices = #map2}]} {
    %mul3A = arith.constant 3128 : i32
    %mul3A_0 = arith.muli %arg1, %mul3A : i32
    "tpu.region"() ({
      %run_scoped3A = tpu.sem_alloc : memref<!tpu.dma_semaphore, #tpu.memory_space<semaphore_mem>>
      tpu.enqueue_dma source(%arg5 : memref<136x8xf32, #tpu.memory_space<hbm>>) target(%arg11 : memref<136x8xf32, #tpu.memory_space<vmem>>) target_semaphore(%run_scoped3A : memref<!tpu.dma_semaphore, #tpu.memory_space<semaphore_mem>>)
      tpu.wait_dma2 semaphore(%run_scoped3A : memref<!tpu.dma_semaphore, #tpu.memory_space<semaphore_mem>>) src(%arg5 : memref<136x8xf32, #tpu.memory_space<hbm>>) dst(%arg11 : memref<136x8xf32, #tpu.memory_space<vmem>>)
      tpu.yield
    }) : () -> ()
    "tpu.region"() ({
      %run_scoped3A = tpu.sem_alloc : memref<!tpu.dma_semaphore, #tpu.memory_space<semaphore_mem>>
      %dma_start3A_32 = arith.constant 0 : i32
      %dma_start3A_33 = arith.constant 0 : i32
      %dma_start3A_34 = tpu.memref_slice %arg3[%arg0, %arg1, %dma_start3A_32, %dma_start3A_33] : memref<2x16x394x128xi32, #tpu.memory_space<hbm>> -> memref<1x1x394x128xi32, #tpu.memory_space<hbm>>
      %dma_start3A_35 = tpu.memref_squeeze %dma_start3A_34 : memref<1x1x394x128xi32, #tpu.memory_space<hbm>> -> memref<394x128xi32, #tpu.memory_space<hbm>>
      %dma_start3A_36 = arith.constant 0 : i32
      %dma_start3A_37 = arith.constant 0 : i32
      %dma_start3A_38 = tpu.memref_slice %arg3[%arg0, %arg1, %dma_start3A_36, %dma_start3A_37] : memref<2x16x394x128xi32, #tpu.memory_space<hbm>> -> memref<1x1x394x128xi32, #tpu.memory_space<hbm>>
      %dma_start3A_39 = tpu.memref_squeeze %dma_start3A_38 : memref<1x1x394x128xi32, #tpu.memory_space<hbm>> -> memref<394x128xi32, #tpu.memory_space<hbm>>
      tpu.enqueue_dma source(%dma_start3A_39 : memref<394x128xi32, #tpu.memory_space<hbm>>) target(%arg7 : memref<394x128xi32, #tpu.memory_space<vmem>>) target_semaphore(%run_scoped3A : memref<!tpu.dma_semaphore, #tpu.memory_space<semaphore_mem>>)
      %dma_wait3A_40 = arith.constant 0 : i32
      %dma_wait3A_41 = arith.constant 0 : i32
      %dma_wait3A_42 = tpu.memref_slice %arg3[%arg0, %arg1, %dma_wait3A_40, %dma_wait3A_41] : memref<2x16x394x128xi32, #tpu.memory_space<hbm>> -> memref<1x1x394x128xi32, #tpu.memory_space<hbm>>
      %dma_wait3A_43 = tpu.memref_squeeze %dma_wait3A_42 : memref<1x1x394x128xi32, #tpu.memory_space<hbm>> -> memref<394x128xi32, #tpu.memory_space<hbm>>
      %dma_wait3A_44 = arith.constant 0 : i32
      %dma_wait3A_45 = arith.constant 0 : i32
      %dma_wait3A_46 = tpu.memref_slice %arg3[%arg0, %arg1, %dma_wait3A_44, %dma_wait3A_45] : memref<2x16x394x128xi32, #tpu.memory_space<hbm>> -> memref<1x1x394x128xi32, #tpu.memory_space<hbm>>
      %dma_wait3A_47 = tpu.memref_squeeze %dma_wait3A_46 : memref<1x1x394x128xi32, #tpu.memory_space<hbm>> -> memref<394x128xi32, #tpu.memory_space<hbm>>
      tpu.wait_dma2 semaphore(%run_scoped3A : memref<!tpu.dma_semaphore, #tpu.memory_space<semaphore_mem>>) src(%dma_wait3A_47 : memref<394x128xi32, #tpu.memory_space<hbm>>) dst(%arg7 : memref<394x128xi32, #tpu.memory_space<vmem>>)
      tpu.yield
    }) : () -> ()
    "tpu.region"() ({
      %run_scoped3A = tpu.sem_alloc : memref<!tpu.dma_semaphore, #tpu.memory_space<semaphore_mem>>
      %dma_start3A_32 = arith.constant 0 : i32
      %dma_start3A_33 = arith.constant 0 : i32
      %dma_start3A_34 = tpu.memref_slice %arg4[%arg1, %dma_start3A_32, %dma_start3A_33] : memref<16x392x128xi32, #tpu.memory_space<hbm>> -> memref<1x392x128xi32, #tpu.memory_space<hbm>>
      %dma_start3A_35 = tpu.memref_squeeze %dma_start3A_34 : memref<1x392x128xi32, #tpu.memory_space<hbm>> -> memref<392x128xi32, #tpu.memory_space<hbm>>
      %dma_start3A_36 = arith.constant 0 : i32
      %dma_start3A_37 = arith.constant 0 : i32
      %dma_start3A_38 = tpu.memref_slice %arg4[%arg1, %dma_start3A_36, %dma_start3A_37] : memref<16x392x128xi32, #tpu.memory_space<hbm>> -> memref<1x392x128xi32, #tpu.memory_space<hbm>>
      %dma_start3A_39 = tpu.memref_squeeze %dma_start3A_38 : memref<1x392x128xi32, #tpu.memory_space<hbm>> -> memref<392x128xi32, #tpu.memory_space<hbm>>
      tpu.enqueue_dma source(%dma_start3A_39 : memref<392x128xi32, #tpu.memory_space<hbm>>) target(%arg8 : memref<392x128xi32, #tpu.memory_space<vmem>>) target_semaphore(%run_scoped3A : memref<!tpu.dma_semaphore, #tpu.memory_space<semaphore_mem>>)
      %dma_wait3A_40 = arith.constant 0 : i32
      %dma_wait3A_41 = arith.constant 0 : i32
      %dma_wait3A_42 = tpu.memref_slice %arg4[%arg1, %dma_wait3A_40, %dma_wait3A_41] : memref<16x392x128xi32, #tpu.memory_space<hbm>> -> memref<1x392x128xi32, #tpu.memory_space<hbm>>
      %dma_wait3A_43 = tpu.memref_squeeze %dma_wait3A_42 : memref<1x392x128xi32, #tpu.memory_space<hbm>> -> memref<392x128xi32, #tpu.memory_space<hbm>>
      %dma_wait3A_44 = arith.constant 0 : i32
      %dma_wait3A_45 = arith.constant 0 : i32
      %dma_wait3A_46 = tpu.memref_slice %arg4[%arg1, %dma_wait3A_44, %dma_wait3A_45] : memref<16x392x128xi32, #tpu.memory_space<hbm>> -> memref<1x392x128xi32, #tpu.memory_space<hbm>>
      %dma_wait3A_47 = tpu.memref_squeeze %dma_wait3A_46 : memref<1x392x128xi32, #tpu.memory_space<hbm>> -> memref<392x128xi32, #tpu.memory_space<hbm>>
      tpu.wait_dma2 semaphore(%run_scoped3A : memref<!tpu.dma_semaphore, #tpu.memory_space<semaphore_mem>>) src(%dma_wait3A_47 : memref<392x128xi32, #tpu.memory_space<hbm>>) dst(%arg8 : memref<392x128xi32, #tpu.memory_space<vmem>>)
      tpu.yield
    }) : () -> ()
    %scan3A = arith.constant 0 : i32
    %scan3A_1 = arith.constant 0 : i32
    %scan3A_2 = arith.constant 23 : i32
    %scan3A_3 = arith.addi %scan3A_1, %scan3A_2 : i32
    %scan3A_4 = arith.constant 1 : i32
    scf.for %scan3A_32 = %scan3A_1 to %scan3A_3 step %scan3A_4  : i32 {
      %mul3A_33 = arith.constant 136 : i32
      %mul3A_34 = arith.muli %scan3A_32, %mul3A_33 : i32
      %add3A_35 = arith.addi %mul3A_0, %mul3A_34 : i32
      "tpu.region"() ({
        %run_scoped3A = tpu.sem_alloc : memref<!tpu.dma_semaphore, #tpu.memory_space<semaphore_mem>>
        %dma_start3A_36 = arith.constant 0 : i32
        %dma_start3A_37 = tpu.memref_slice %arg13[%add3A_35, %dma_start3A_36] : memref<50048x8xf32, #tpu.memory_space<vmem_shared>> -> memref<136x8xf32, #tpu.memory_space<vmem_shared>>
        %dma_start3A_38 = arith.constant 0 : i32
        %dma_start3A_39 = tpu.memref_slice %arg13[%add3A_35, %dma_start3A_38] : memref<50048x8xf32, #tpu.memory_space<vmem_shared>> -> memref<136x8xf32, #tpu.memory_space<vmem_shared>>
        tpu.enqueue_dma source(%arg11 : memref<136x8xf32, #tpu.memory_space<vmem>>) target(%dma_start3A_39 : memref<136x8xf32, #tpu.memory_space<vmem_shared>>) target_semaphore(%run_scoped3A : memref<!tpu.dma_semaphore, #tpu.memory_space<semaphore_mem>>)
        %dma_wait3A_40 = arith.constant 0 : i32
        %dma_wait3A_41 = tpu.memref_slice %arg13[%add3A_35, %dma_wait3A_40] : memref<50048x8xf32, #tpu.memory_space<vmem_shared>> -> memref<136x8xf32, #tpu.memory_space<vmem_shared>>
        %dma_wait3A_42 = arith.constant 0 : i32
        %dma_wait3A_43 = tpu.memref_slice %arg13[%add3A_35, %dma_wait3A_42] : memref<50048x8xf32, #tpu.memory_space<vmem_shared>> -> memref<136x8xf32, #tpu.memory_space<vmem_shared>>
        tpu.wait_dma2 semaphore(%run_scoped3A : memref<!tpu.dma_semaphore, #tpu.memory_space<semaphore_mem>>) src(%arg11 : memref<136x8xf32, #tpu.memory_space<vmem>>) dst(%dma_wait3A_43 : memref<136x8xf32, #tpu.memory_space<vmem_shared>>)
        tpu.yield
      }) : () -> ()
    }
    %scan3A_5 = arith.constant 23 : i32
    %barrier3A = arith.constant 0 : index
    tpu.barrier barrier_id(%barrier3A)
    %dma_start3A = arith.constant 0 : i32
    %dma_start3A_6 = arith.constant 0 : i32
    %dma_start3A_7 = tpu.memref_slice %arg7[%dma_start3A, %dma_start3A_6] : memref<394x128xi32, #tpu.memory_space<vmem>> -> memref<1x128xi32, #tpu.memory_space<vmem>>
    %dma_start3A_8 = tpu.memref_squeeze %dma_start3A_7 : memref<1x128xi32, #tpu.memory_space<vmem>> -> memref<128xi32, #tpu.memory_space<vmem>>
    %dma_start3A_9 = arith.constant 0 : i32
    %dma_start3A_10 = arith.constant 0 : i32
    %dma_start3A_11 = tpu.memref_slice %arg2[%dma_start3A_9, %dma_start3A_10] : memref<401408x8xf32, #tpu.memory_space<hbm>> -> memref<401408x8xf32, #tpu.memory_space<hbm>>
    tpu.enqueue_indirect_dma source(%dma_start3A_11 : memref<401408x8xf32, #tpu.memory_space<hbm>>) target(%arg9 : memref<128x8xf32, #tpu.memory_space<vmem>>) offsets(%dma_start3A_8 : memref<128xi32, #tpu.memory_space<vmem>>) semaphore(%arg14 : memref<!tpu.dma_semaphore, #tpu.memory_space<semaphore_mem>>)
    %scan3A_12 = arith.constant 0 : i32
    %scan3A_13 = arith.constant 0 : i32
    %scan3A_14 = arith.constant 196 : i32
    %scan3A_15 = arith.addi %scan3A_13, %scan3A_14 : i32
    %scan3A_16 = arith.constant 1 : i32
    scf.for %scan3A_32 = %scan3A_13 to %scan3A_15 step %scan3A_16  : i32 {
      %mul3A_33 = arith.constant 2 : i32
      %mul3A_34 = arith.muli %mul3A_33, %scan3A_32 : i32
      %dma_wait3A_35 = arith.constant 0 : i32
      %dma_wait3A_36 = tpu.memref_slice %arg7[%mul3A_34, %dma_wait3A_35] : memref<394x128xi32, #tpu.memory_space<vmem>> -> memref<1x128xi32, #tpu.memory_space<vmem>>
      %dma_wait3A_37 = tpu.memref_squeeze %dma_wait3A_36 : memref<1x128xi32, #tpu.memory_space<vmem>> -> memref<128xi32, #tpu.memory_space<vmem>>
      %dma_wait3A_38 = arith.constant 0 : i32
      %dma_wait3A_39 = arith.constant 0 : i32
      %dma_wait3A_40 = tpu.memref_slice %arg2[%dma_wait3A_38, %dma_wait3A_39] : memref<401408x8xf32, #tpu.memory_space<hbm>> -> memref<401408x8xf32, #tpu.memory_space<hbm>>
      tpu.wait_indirect_dma semaphore(%arg14 : memref<!tpu.dma_semaphore, #tpu.memory_space<semaphore_mem>>) src(%dma_wait3A_40 : memref<401408x8xf32, #tpu.memory_space<hbm>>) dst(%arg9 : memref<128x8xf32, #tpu.memory_space<vmem>>)
      %add3A_41 = arith.constant 1 : i32
      %add3A_42 = arith.addi %mul3A_34, %add3A_41 : i32
      %dma_start3A_43 = arith.constant 0 : i32
      %dma_start3A_44 = tpu.memref_slice %arg7[%add3A_42, %dma_start3A_43] : memref<394x128xi32, #tpu.memory_space<vmem>> -> memref<1x128xi32, #tpu.memory_space<vmem>>
      %dma_start3A_45 = tpu.memref_squeeze %dma_start3A_44 : memref<1x128xi32, #tpu.memory_space<vmem>> -> memref<128xi32, #tpu.memory_space<vmem>>
      %dma_start3A_46 = arith.constant 0 : i32
      %dma_start3A_47 = arith.constant 0 : i32
      %dma_start3A_48 = tpu.memref_slice %arg2[%dma_start3A_46, %dma_start3A_47] : memref<401408x8xf32, #tpu.memory_space<hbm>> -> memref<401408x8xf32, #tpu.memory_space<hbm>>
      tpu.enqueue_indirect_dma source(%dma_start3A_48 : memref<401408x8xf32, #tpu.memory_space<hbm>>) target(%arg10 : memref<128x8xf32, #tpu.memory_space<vmem>>) offsets(%dma_start3A_45 : memref<128xi32, #tpu.memory_space<vmem>>) semaphore(%arg15 : memref<!tpu.dma_semaphore, #tpu.memory_space<semaphore_mem>>)
      "tpu.region"() ({
        %run_scoped3A = tpu.sem_alloc : memref<!tpu.dma_semaphore, #tpu.memory_space<semaphore_mem>>
        %dma_start3A_67 = arith.constant 0 : i32
        %dma_start3A_68 = tpu.memref_slice %arg8[%mul3A_34, %dma_start3A_67] : memref<392x128xi32, #tpu.memory_space<vmem>> -> memref<1x128xi32, #tpu.memory_space<vmem>>
        %dma_start3A_69 = tpu.memref_squeeze %dma_start3A_68 : memref<1x128xi32, #tpu.memory_space<vmem>> -> memref<128xi32, #tpu.memory_space<vmem>>
        %dma_start3A_70 = arith.constant 0 : i32
        %dma_start3A_71 = arith.constant 0 : i32
        %dma_start3A_72 = tpu.memref_slice %arg13[%dma_start3A_70, %dma_start3A_71] : memref<50048x8xf32, #tpu.memory_space<vmem_shared>> -> memref<50048x8xf32, #tpu.memory_space<vmem_shared>>
        tpu.enqueue_indirect_dma source(%arg9 : memref<128x8xf32, #tpu.memory_space<vmem>>) target(%dma_start3A_72 : memref<50048x8xf32, #tpu.memory_space<vmem_shared>>) offsets(%dma_start3A_69 : memref<128xi32, #tpu.memory_space<vmem>>) semaphore(%run_scoped3A : memref<!tpu.dma_semaphore, #tpu.memory_space<semaphore_mem>>) {add = true}
        %dma_wait3A_73 = arith.constant 0 : i32
        %dma_wait3A_74 = tpu.memref_slice %arg8[%mul3A_34, %dma_wait3A_73] : memref<392x128xi32, #tpu.memory_space<vmem>> -> memref<1x128xi32, #tpu.memory_space<vmem>>
        %dma_wait3A_75 = tpu.memref_squeeze %dma_wait3A_74 : memref<1x128xi32, #tpu.memory_space<vmem>> -> memref<128xi32, #tpu.memory_space<vmem>>
        %dma_wait3A_76 = arith.constant 0 : i32
        %dma_wait3A_77 = arith.constant 0 : i32
        %dma_wait3A_78 = tpu.memref_slice %arg13[%dma_wait3A_76, %dma_wait3A_77] : memref<50048x8xf32, #tpu.memory_space<vmem_shared>> -> memref<50048x8xf32, #tpu.memory_space<vmem_shared>>
        tpu.wait_indirect_dma semaphore(%run_scoped3A : memref<!tpu.dma_semaphore, #tpu.memory_space<semaphore_mem>>) src(%arg9 : memref<128x8xf32, #tpu.memory_space<vmem>>) dst(%dma_wait3A_78 : memref<50048x8xf32, #tpu.memory_space<vmem_shared>>)
        tpu.yield
      }) : () -> ()
      %add3A_49 = arith.constant 2 : i32
      %add3A_50 = arith.addi %mul3A_34, %add3A_49 : i32
      %dma_start3A_51 = arith.constant 0 : i32
      %dma_start3A_52 = tpu.memref_slice %arg7[%add3A_50, %dma_start3A_51] : memref<394x128xi32, #tpu.memory_space<vmem>> -> memref<1x128xi32, #tpu.memory_space<vmem>>
      %dma_start3A_53 = tpu.memref_squeeze %dma_start3A_52 : memref<1x128xi32, #tpu.memory_space<vmem>> -> memref<128xi32, #tpu.memory_space<vmem>>
      %dma_start3A_54 = arith.constant 0 : i32
      %dma_start3A_55 = arith.constant 0 : i32
      %dma_start3A_56 = tpu.memref_slice %arg2[%dma_start3A_54, %dma_start3A_55] : memref<401408x8xf32, #tpu.memory_space<hbm>> -> memref<401408x8xf32, #tpu.memory_space<hbm>>
      tpu.enqueue_indirect_dma source(%dma_start3A_56 : memref<401408x8xf32, #tpu.memory_space<hbm>>) target(%arg9 : memref<128x8xf32, #tpu.memory_space<vmem>>) offsets(%dma_start3A_53 : memref<128xi32, #tpu.memory_space<vmem>>) semaphore(%arg14 : memref<!tpu.dma_semaphore, #tpu.memory_space<semaphore_mem>>)
      %add3A_57 = arith.constant 1 : i32
      %add3A_58 = arith.addi %mul3A_34, %add3A_57 : i32
      %dma_wait3A_59 = arith.constant 0 : i32
      %dma_wait3A_60 = tpu.memref_slice %arg7[%add3A_58, %dma_wait3A_59] : memref<394x128xi32, #tpu.memory_space<vmem>> -> memref<1x128xi32, #tpu.memory_space<vmem>>
      %dma_wait3A_61 = tpu.memref_squeeze %dma_wait3A_60 : memref<1x128xi32, #tpu.memory_space<vmem>> -> memref<128xi32, #tpu.memory_space<vmem>>
      %dma_wait3A_62 = arith.constant 0 : i32
      %dma_wait3A_63 = arith.constant 0 : i32
      %dma_wait3A_64 = tpu.memref_slice %arg2[%dma_wait3A_62, %dma_wait3A_63] : memref<401408x8xf32, #tpu.memory_space<hbm>> -> memref<401408x8xf32, #tpu.memory_space<hbm>>
      tpu.wait_indirect_dma semaphore(%arg15 : memref<!tpu.dma_semaphore, #tpu.memory_space<semaphore_mem>>) src(%dma_wait3A_64 : memref<401408x8xf32, #tpu.memory_space<hbm>>) dst(%arg10 : memref<128x8xf32, #tpu.memory_space<vmem>>)
      %add3A_65 = arith.constant 1 : i32
      %add3A_66 = arith.addi %mul3A_34, %add3A_65 : i32
      "tpu.region"() ({
        %run_scoped3A = tpu.sem_alloc : memref<!tpu.dma_semaphore, #tpu.memory_space<semaphore_mem>>
        %dma_start3A_67 = arith.constant 0 : i32
        %dma_start3A_68 = tpu.memref_slice %arg8[%add3A_66, %dma_start3A_67] : memref<392x128xi32, #tpu.memory_space<vmem>> -> memref<1x128xi32, #tpu.memory_space<vmem>>
        %dma_start3A_69 = tpu.memref_squeeze %dma_start3A_68 : memref<1x128xi32, #tpu.memory_space<vmem>> -> memref<128xi32, #tpu.memory_space<vmem>>
        %dma_start3A_70 = arith.constant 0 : i32
        %dma_start3A_71 = arith.constant 0 : i32
        %dma_start3A_72 = tpu.memref_slice %arg13[%dma_start3A_70, %dma_start3A_71] : memref<50048x8xf32, #tpu.memory_space<vmem_shared>> -> memref<50048x8xf32, #tpu.memory_space<vmem_shared>>
        tpu.enqueue_indirect_dma source(%arg10 : memref<128x8xf32, #tpu.memory_space<vmem>>) target(%dma_start3A_72 : memref<50048x8xf32, #tpu.memory_space<vmem_shared>>) offsets(%dma_start3A_69 : memref<128xi32, #tpu.memory_space<vmem>>) semaphore(%run_scoped3A : memref<!tpu.dma_semaphore, #tpu.memory_space<semaphore_mem>>) {add = true}
        %dma_wait3A_73 = arith.constant 0 : i32
        %dma_wait3A_74 = tpu.memref_slice %arg8[%add3A_66, %dma_wait3A_73] : memref<392x128xi32, #tpu.memory_space<vmem>> -> memref<1x128xi32, #tpu.memory_space<vmem>>
        %dma_wait3A_75 = tpu.memref_squeeze %dma_wait3A_74 : memref<1x128xi32, #tpu.memory_space<vmem>> -> memref<128xi32, #tpu.memory_space<vmem>>
        %dma_wait3A_76 = arith.constant 0 : i32
        %dma_wait3A_77 = arith.constant 0 : i32
        %dma_wait3A_78 = tpu.memref_slice %arg13[%dma_wait3A_76, %dma_wait3A_77] : memref<50048x8xf32, #tpu.memory_space<vmem_shared>> -> memref<50048x8xf32, #tpu.memory_space<vmem_shared>>
        tpu.wait_indirect_dma semaphore(%run_scoped3A : memref<!tpu.dma_semaphore, #tpu.memory_space<semaphore_mem>>) src(%arg10 : memref<128x8xf32, #tpu.memory_space<vmem>>) dst(%dma_wait3A_78 : memref<50048x8xf32, #tpu.memory_space<vmem_shared>>)
        tpu.yield
      }) : () -> ()
    }
    %scan3A_17 = arith.constant 196 : i32
    %dma_wait3A = arith.constant 392 : i32
    %dma_wait3A_18 = arith.constant 0 : i32
    %dma_wait3A_19 = tpu.memref_slice %arg7[%dma_wait3A, %dma_wait3A_18] : memref<394x128xi32, #tpu.memory_space<vmem>> -> memref<1x128xi32, #tpu.memory_space<vmem>>
    %dma_wait3A_20 = tpu.memref_squeeze %dma_wait3A_19 : memref<1x128xi32, #tpu.memory_space<vmem>> -> memref<128xi32, #tpu.memory_space<vmem>>
    %dma_wait3A_21 = arith.constant 0 : i32
    %dma_wait3A_22 = arith.constant 0 : i32
    %dma_wait3A_23 = tpu.memref_slice %arg2[%dma_wait3A_21, %dma_wait3A_22] : memref<401408x8xf32, #tpu.memory_space<hbm>> -> memref<401408x8xf32, #tpu.memory_space<hbm>>
    tpu.wait_indirect_dma semaphore(%arg14 : memref<!tpu.dma_semaphore, #tpu.memory_space<semaphore_mem>>) src(%dma_wait3A_23 : memref<401408x8xf32, #tpu.memory_space<hbm>>) dst(%arg9 : memref<128x8xf32, #tpu.memory_space<vmem>>)
    %barrier3A_24 = arith.constant 0 : index
    tpu.barrier barrier_id(%barrier3A_24)
    %add3A = arith.constant 4 : i32
    %add3A_25 = arith.addi %add3A, %arg0 : i32
    %scan3A_26 = arith.constant 0 : i32
    %scan3A_27 = arith.constant 0 : i32
    %scan3A_28 = arith.constant 23 : i32
    %scan3A_29 = arith.addi %scan3A_27, %scan3A_28 : i32
    %scan3A_30 = arith.constant 1 : i32
    scf.for %scan3A_32 = %scan3A_27 to %scan3A_29 step %scan3A_30  : i32 {
      %mul3A_33 = arith.constant 136 : i32
      %mul3A_34 = arith.muli %scan3A_32, %mul3A_33 : i32
      %add3A_35 = arith.addi %mul3A_0, %mul3A_34 : i32
      "tpu.region"() ({
        %run_scoped3A = tpu.sem_alloc : memref<!tpu.dma_semaphore, #tpu.memory_space<semaphore_mem>>
        %dma_start3A_39 = arith.constant 0 : i32
        %dma_start3A_40 = tpu.memref_slice %arg13[%add3A_35, %dma_start3A_39] : memref<50048x8xf32, #tpu.memory_space<vmem_shared>> -> memref<136x8xf32, #tpu.memory_space<vmem_shared>>
        %dma_start3A_41 = arith.constant 0 : i32
        %dma_start3A_42 = tpu.memref_slice %arg13[%add3A_35, %dma_start3A_41] : memref<50048x8xf32, #tpu.memory_space<vmem_shared>> -> memref<136x8xf32, #tpu.memory_space<vmem_shared>>
        tpu.enqueue_dma source(%dma_start3A_42 : memref<136x8xf32, #tpu.memory_space<vmem_shared>>) target(%arg12 : memref<136x8xf32, #tpu.memory_space<vmem>>) target_semaphore(%run_scoped3A : memref<!tpu.dma_semaphore, #tpu.memory_space<semaphore_mem>>)
        %dma_wait3A_43 = arith.constant 0 : i32
        %dma_wait3A_44 = tpu.memref_slice %arg13[%add3A_35, %dma_wait3A_43] : memref<50048x8xf32, #tpu.memory_space<vmem_shared>> -> memref<136x8xf32, #tpu.memory_space<vmem_shared>>
        %dma_wait3A_45 = arith.constant 0 : i32
        %dma_wait3A_46 = tpu.memref_slice %arg13[%add3A_35, %dma_wait3A_45] : memref<50048x8xf32, #tpu.memory_space<vmem_shared>> -> memref<136x8xf32, #tpu.memory_space<vmem_shared>>
        tpu.wait_dma2 semaphore(%run_scoped3A : memref<!tpu.dma_semaphore, #tpu.memory_space<semaphore_mem>>) src(%dma_wait3A_46 : memref<136x8xf32, #tpu.memory_space<vmem_shared>>) dst(%arg12 : memref<136x8xf32, #tpu.memory_space<vmem>>)
        tpu.yield
      }) : () -> ()
      %mul3A_36 = arith.constant 136 : i32
      %mul3A_37 = arith.muli %scan3A_32, %mul3A_36 : i32
      %add3A_38 = arith.addi %mul3A_0, %mul3A_37 : i32
      "tpu.region"() ({
        %run_scoped3A = tpu.sem_alloc : memref<!tpu.dma_semaphore, #tpu.memory_space<semaphore_mem>>
        %dma_start3A_39 = arith.constant 0 : i32
        %dma_start3A_40 = tpu.memref_slice %arg6[%add3A_38, %add3A_25, %dma_start3A_39] : memref<50176x8x8xf32, #tpu.memory_space<hbm>> -> memref<136x1x8xf32, #tpu.memory_space<hbm>>
        %dma_start3A_41 = tpu.memref_squeeze %dma_start3A_40 : memref<136x1x8xf32, #tpu.memory_space<hbm>> -> memref<136x8xf32, #tpu.memory_space<hbm>>
        %dma_start3A_42 = arith.constant 0 : i32
        %dma_start3A_43 = tpu.memref_slice %arg6[%add3A_38, %add3A_25, %dma_start3A_42] : memref<50176x8x8xf32, #tpu.memory_space<hbm>> -> memref<136x1x8xf32, #tpu.memory_space<hbm>>
        %dma_start3A_44 = tpu.memref_squeeze %dma_start3A_43 : memref<136x1x8xf32, #tpu.memory_space<hbm>> -> memref<136x8xf32, #tpu.memory_space<hbm>>
        tpu.enqueue_dma source(%arg12 : memref<136x8xf32, #tpu.memory_space<vmem>>) target(%dma_start3A_44 : memref<136x8xf32, #tpu.memory_space<hbm>>) target_semaphore(%run_scoped3A : memref<!tpu.dma_semaphore, #tpu.memory_space<semaphore_mem>>)
        %dma_wait3A_45 = arith.constant 0 : i32
        %dma_wait3A_46 = tpu.memref_slice %arg6[%add3A_38, %add3A_25, %dma_wait3A_45] : memref<50176x8x8xf32, #tpu.memory_space<hbm>> -> memref<136x1x8xf32, #tpu.memory_space<hbm>>
        %dma_wait3A_47 = tpu.memref_squeeze %dma_wait3A_46 : memref<136x1x8xf32, #tpu.memory_space<hbm>> -> memref<136x8xf32, #tpu.memory_space<hbm>>
        %dma_wait3A_48 = arith.constant 0 : i32
        %dma_wait3A_49 = tpu.memref_slice %arg6[%add3A_38, %add3A_25, %dma_wait3A_48] : memref<50176x8x8xf32, #tpu.memory_space<hbm>> -> memref<136x1x8xf32, #tpu.memory_space<hbm>>
        %dma_wait3A_50 = tpu.memref_squeeze %dma_wait3A_49 : memref<136x1x8xf32, #tpu.memory_space<hbm>> -> memref<136x8xf32, #tpu.memory_space<hbm>>
        tpu.wait_dma2 semaphore(%run_scoped3A : memref<!tpu.dma_semaphore, #tpu.memory_space<semaphore_mem>>) src(%arg12 : memref<136x8xf32, #tpu.memory_space<vmem>>) dst(%dma_wait3A_50 : memref<136x8xf32, #tpu.memory_space<hbm>>)
        tpu.yield
      }) : () -> ()
    }
    %scan3A_31 = arith.constant 23 : i32
    return
  }
}

#map = affine_map<(d0, d1) -> (0, 0)>
#map1 = affine_map<(d0, d1) -> (0, 0, 0, 0)>
#map2 = affine_map<(d0, d1) -> (0, 0, 0)>
module attributes {stable_mosaic.version = 14 : i64} {
  func.func @sc_q(%arg0: i32, %arg1: i32, %arg2: memref<401408x8xf32, #tpu.memory_space<hbm>>, %arg3: memref<2x16x394x128xi32, #tpu.memory_space<hbm>>, %arg4: memref<16x392x128xi32, #tpu.memory_space<hbm>>, %arg5: memref<136x8xf32, #tpu.memory_space<hbm>>, %arg6: memref<50176x8x8xf32, #tpu.memory_space<hbm>>, %arg7: memref<394x128xi32, #tpu.memory_space<vmem>>, %arg8: memref<392x128xi32, #tpu.memory_space<vmem>>, %arg9: memref<128x8xf32, #tpu.memory_space<vmem>>, %arg10: memref<128x8xf32, #tpu.memory_space<vmem>>, %arg11: memref<136x8xf32, #tpu.memory_space<vmem>>, %arg12: memref<136x8xf32, #tpu.memory_space<vmem>>, %arg13: memref<50048x8xf32, #tpu.memory_space<vmem_shared>>, %arg14: memref<!tpu.dma_semaphore, #tpu.memory_space<semaphore_mem>>, %arg15: memref<!tpu.dma_semaphore, #tpu.memory_space<semaphore_mem>>) attributes {dimension_semantics = [#tpu.dimension_semantics<core_parallel>, #tpu.dimension_semantics<subcore_parallel>], iteration_bounds = array<i64: 2, 16>, scalar_prefetch = 0 : i64, scratch_operands = 9 : i64, tpu.core_type = #tpu.core_type<sc_vector_subcore>, window_params = [{transform_indices = #map}, {transform_indices = #map1}, {transform_indices = #map2}, {transform_indices = #map}, {transform_indices = #map2}]} {
    %mul3A = arith.constant 3128 : i32
    %mul3A_0 = arith.muli %arg1, %mul3A : i32
    "tpu.region"() ({
      %run_scoped3A = tpu.sem_alloc : memref<!tpu.dma_semaphore, #tpu.memory_space<semaphore_mem>>
      tpu.enqueue_dma source(%arg5 : memref<136x8xf32, #tpu.memory_space<hbm>>) target(%arg11 : memref<136x8xf32, #tpu.memory_space<vmem>>) target_semaphore(%run_scoped3A : memref<!tpu.dma_semaphore, #tpu.memory_space<semaphore_mem>>)
      tpu.wait_dma2 semaphore(%run_scoped3A : memref<!tpu.dma_semaphore, #tpu.memory_space<semaphore_mem>>) src(%arg5 : memref<136x8xf32, #tpu.memory_space<hbm>>) dst(%arg11 : memref<136x8xf32, #tpu.memory_space<vmem>>)
      tpu.yield
    }) : () -> ()
    "tpu.region"() ({
      %run_scoped3A = tpu.sem_alloc : memref<!tpu.dma_semaphore, #tpu.memory_space<semaphore_mem>>
      %dma_start3A_32 = arith.constant 0 : i32
      %dma_start3A_33 = arith.constant 0 : i32
      %dma_start3A_34 = tpu.memref_slice %arg3[%arg0, %arg1, %dma_start3A_32, %dma_start3A_33] : memref<2x16x394x128xi32, #tpu.memory_space<hbm>> -> memref<1x1x394x128xi32, #tpu.memory_space<hbm>>
      %dma_start3A_35 = tpu.memref_squeeze %dma_start3A_34 : memref<1x1x394x128xi32, #tpu.memory_space<hbm>> -> memref<394x128xi32, #tpu.memory_space<hbm>>
      %dma_start3A_36 = arith.constant 0 : i32
      %dma_start3A_37 = arith.constant 0 : i32
      %dma_start3A_38 = tpu.memref_slice %arg3[%arg0, %arg1, %dma_start3A_36, %dma_start3A_37] : memref<2x16x394x128xi32, #tpu.memory_space<hbm>> -> memref<1x1x394x128xi32, #tpu.memory_space<hbm>>
      %dma_start3A_39 = tpu.memref_squeeze %dma_start3A_38 : memref<1x1x394x128xi32, #tpu.memory_space<hbm>> -> memref<394x128xi32, #tpu.memory_space<hbm>>
      tpu.enqueue_dma source(%dma_start3A_39 : memref<394x128xi32, #tpu.memory_space<hbm>>) target(%arg7 : memref<394x128xi32, #tpu.memory_space<vmem>>) target_semaphore(%run_scoped3A : memref<!tpu.dma_semaphore, #tpu.memory_space<semaphore_mem>>)
      %dma_wait3A_40 = arith.constant 0 : i32
      %dma_wait3A_41 = arith.constant 0 : i32
      %dma_wait3A_42 = tpu.memref_slice %arg3[%arg0, %arg1, %dma_wait3A_40, %dma_wait3A_41] : memref<2x16x394x128xi32, #tpu.memory_space<hbm>> -> memref<1x1x394x128xi32, #tpu.memory_space<hbm>>
      %dma_wait3A_43 = tpu.memref_squeeze %dma_wait3A_42 : memref<1x1x394x128xi32, #tpu.memory_space<hbm>> -> memref<394x128xi32, #tpu.memory_space<hbm>>
      %dma_wait3A_44 = arith.constant 0 : i32
      %dma_wait3A_45 = arith.constant 0 : i32
      %dma_wait3A_46 = tpu.memref_slice %arg3[%arg0, %arg1, %dma_wait3A_44, %dma_wait3A_45] : memref<2x16x394x128xi32, #tpu.memory_space<hbm>> -> memref<1x1x394x128xi32, #tpu.memory_space<hbm>>
      %dma_wait3A_47 = tpu.memref_squeeze %dma_wait3A_46 : memref<1x1x394x128xi32, #tpu.memory_space<hbm>> -> memref<394x128xi32, #tpu.memory_space<hbm>>
      tpu.wait_dma2 semaphore(%run_scoped3A : memref<!tpu.dma_semaphore, #tpu.memory_space<semaphore_mem>>) src(%dma_wait3A_47 : memref<394x128xi32, #tpu.memory_space<hbm>>) dst(%arg7 : memref<394x128xi32, #tpu.memory_space<vmem>>)
      tpu.yield
    }) : () -> ()
    "tpu.region"() ({
      %run_scoped3A = tpu.sem_alloc : memref<!tpu.dma_semaphore, #tpu.memory_space<semaphore_mem>>
      %dma_start3A_32 = arith.constant 0 : i32
      %dma_start3A_33 = arith.constant 0 : i32
      %dma_start3A_34 = tpu.memref_slice %arg4[%arg1, %dma_start3A_32, %dma_start3A_33] : memref<16x392x128xi32, #tpu.memory_space<hbm>> -> memref<1x392x128xi32, #tpu.memory_space<hbm>>
      %dma_start3A_35 = tpu.memref_squeeze %dma_start3A_34 : memref<1x392x128xi32, #tpu.memory_space<hbm>> -> memref<392x128xi32, #tpu.memory_space<hbm>>
      %dma_start3A_36 = arith.constant 0 : i32
      %dma_start3A_37 = arith.constant 0 : i32
      %dma_start3A_38 = tpu.memref_slice %arg4[%arg1, %dma_start3A_36, %dma_start3A_37] : memref<16x392x128xi32, #tpu.memory_space<hbm>> -> memref<1x392x128xi32, #tpu.memory_space<hbm>>
      %dma_start3A_39 = tpu.memref_squeeze %dma_start3A_38 : memref<1x392x128xi32, #tpu.memory_space<hbm>> -> memref<392x128xi32, #tpu.memory_space<hbm>>
      tpu.enqueue_dma source(%dma_start3A_39 : memref<392x128xi32, #tpu.memory_space<hbm>>) target(%arg8 : memref<392x128xi32, #tpu.memory_space<vmem>>) target_semaphore(%run_scoped3A : memref<!tpu.dma_semaphore, #tpu.memory_space<semaphore_mem>>)
      %dma_wait3A_40 = arith.constant 0 : i32
      %dma_wait3A_41 = arith.constant 0 : i32
      %dma_wait3A_42 = tpu.memref_slice %arg4[%arg1, %dma_wait3A_40, %dma_wait3A_41] : memref<16x392x128xi32, #tpu.memory_space<hbm>> -> memref<1x392x128xi32, #tpu.memory_space<hbm>>
      %dma_wait3A_43 = tpu.memref_squeeze %dma_wait3A_42 : memref<1x392x128xi32, #tpu.memory_space<hbm>> -> memref<392x128xi32, #tpu.memory_space<hbm>>
      %dma_wait3A_44 = arith.constant 0 : i32
      %dma_wait3A_45 = arith.constant 0 : i32
      %dma_wait3A_46 = tpu.memref_slice %arg4[%arg1, %dma_wait3A_44, %dma_wait3A_45] : memref<16x392x128xi32, #tpu.memory_space<hbm>> -> memref<1x392x128xi32, #tpu.memory_space<hbm>>
      %dma_wait3A_47 = tpu.memref_squeeze %dma_wait3A_46 : memref<1x392x128xi32, #tpu.memory_space<hbm>> -> memref<392x128xi32, #tpu.memory_space<hbm>>
      tpu.wait_dma2 semaphore(%run_scoped3A : memref<!tpu.dma_semaphore, #tpu.memory_space<semaphore_mem>>) src(%dma_wait3A_47 : memref<392x128xi32, #tpu.memory_space<hbm>>) dst(%arg8 : memref<392x128xi32, #tpu.memory_space<vmem>>)
      tpu.yield
    }) : () -> ()
    %scan3A = arith.constant 0 : i32
    %scan3A_1 = arith.constant 0 : i32
    %scan3A_2 = arith.constant 23 : i32
    %scan3A_3 = arith.addi %scan3A_1, %scan3A_2 : i32
    %scan3A_4 = arith.constant 1 : i32
    scf.for %scan3A_32 = %scan3A_1 to %scan3A_3 step %scan3A_4  : i32 {
      %mul3A_33 = arith.constant 136 : i32
      %mul3A_34 = arith.muli %scan3A_32, %mul3A_33 : i32
      %add3A_35 = arith.addi %mul3A_0, %mul3A_34 : i32
      "tpu.region"() ({
        %run_scoped3A = tpu.sem_alloc : memref<!tpu.dma_semaphore, #tpu.memory_space<semaphore_mem>>
        %dma_start3A_36 = arith.constant 0 : i32
        %dma_start3A_37 = tpu.memref_slice %arg13[%add3A_35, %dma_start3A_36] : memref<50048x8xf32, #tpu.memory_space<vmem_shared>> -> memref<136x8xf32, #tpu.memory_space<vmem_shared>>
        %dma_start3A_38 = arith.constant 0 : i32
        %dma_start3A_39 = tpu.memref_slice %arg13[%add3A_35, %dma_start3A_38] : memref<50048x8xf32, #tpu.memory_space<vmem_shared>> -> memref<136x8xf32, #tpu.memory_space<vmem_shared>>
        tpu.enqueue_dma source(%arg11 : memref<136x8xf32, #tpu.memory_space<vmem>>) target(%dma_start3A_39 : memref<136x8xf32, #tpu.memory_space<vmem_shared>>) target_semaphore(%run_scoped3A : memref<!tpu.dma_semaphore, #tpu.memory_space<semaphore_mem>>)
        %dma_wait3A_40 = arith.constant 0 : i32
        %dma_wait3A_41 = tpu.memref_slice %arg13[%add3A_35, %dma_wait3A_40] : memref<50048x8xf32, #tpu.memory_space<vmem_shared>> -> memref<136x8xf32, #tpu.memory_space<vmem_shared>>
        %dma_wait3A_42 = arith.constant 0 : i32
        %dma_wait3A_43 = tpu.memref_slice %arg13[%add3A_35, %dma_wait3A_42] : memref<50048x8xf32, #tpu.memory_space<vmem_shared>> -> memref<136x8xf32, #tpu.memory_space<vmem_shared>>
        tpu.wait_dma2 semaphore(%run_scoped3A : memref<!tpu.dma_semaphore, #tpu.memory_space<semaphore_mem>>) src(%arg11 : memref<136x8xf32, #tpu.memory_space<vmem>>) dst(%dma_wait3A_43 : memref<136x8xf32, #tpu.memory_space<vmem_shared>>)
        tpu.yield
      }) : () -> ()
    }
    %scan3A_5 = arith.constant 23 : i32
    %barrier3A = arith.constant 0 : index
    tpu.barrier barrier_id(%barrier3A)
    %dma_start3A = arith.constant 0 : i32
    %dma_start3A_6 = arith.constant 0 : i32
    %dma_start3A_7 = tpu.memref_slice %arg7[%dma_start3A, %dma_start3A_6] : memref<394x128xi32, #tpu.memory_space<vmem>> -> memref<1x128xi32, #tpu.memory_space<vmem>>
    %dma_start3A_8 = tpu.memref_squeeze %dma_start3A_7 : memref<1x128xi32, #tpu.memory_space<vmem>> -> memref<128xi32, #tpu.memory_space<vmem>>
    %dma_start3A_9 = arith.constant 0 : i32
    %dma_start3A_10 = arith.constant 0 : i32
    %dma_start3A_11 = tpu.memref_slice %arg2[%dma_start3A_9, %dma_start3A_10] : memref<401408x8xf32, #tpu.memory_space<hbm>> -> memref<401408x8xf32, #tpu.memory_space<hbm>>
    tpu.enqueue_indirect_dma source(%dma_start3A_11 : memref<401408x8xf32, #tpu.memory_space<hbm>>) target(%arg9 : memref<128x8xf32, #tpu.memory_space<vmem>>) offsets(%dma_start3A_8 : memref<128xi32, #tpu.memory_space<vmem>>) semaphore(%arg14 : memref<!tpu.dma_semaphore, #tpu.memory_space<semaphore_mem>>)
    %scan3A_12 = arith.constant 0 : i32
    %scan3A_13 = arith.constant 0 : i32
    %scan3A_14 = arith.constant 196 : i32
    %scan3A_15 = arith.addi %scan3A_13, %scan3A_14 : i32
    %scan3A_16 = arith.constant 1 : i32
    scf.for %scan3A_32 = %scan3A_13 to %scan3A_15 step %scan3A_16  : i32 {
      %mul3A_33 = arith.constant 2 : i32
      %mul3A_34 = arith.muli %mul3A_33, %scan3A_32 : i32
      %dma_wait3A_35 = arith.constant 0 : i32
      %dma_wait3A_36 = tpu.memref_slice %arg7[%mul3A_34, %dma_wait3A_35] : memref<394x128xi32, #tpu.memory_space<vmem>> -> memref<1x128xi32, #tpu.memory_space<vmem>>
      %dma_wait3A_37 = tpu.memref_squeeze %dma_wait3A_36 : memref<1x128xi32, #tpu.memory_space<vmem>> -> memref<128xi32, #tpu.memory_space<vmem>>
      %dma_wait3A_38 = arith.constant 0 : i32
      %dma_wait3A_39 = arith.constant 0 : i32
      %dma_wait3A_40 = tpu.memref_slice %arg2[%dma_wait3A_38, %dma_wait3A_39] : memref<401408x8xf32, #tpu.memory_space<hbm>> -> memref<401408x8xf32, #tpu.memory_space<hbm>>
      tpu.wait_indirect_dma semaphore(%arg14 : memref<!tpu.dma_semaphore, #tpu.memory_space<semaphore_mem>>) src(%dma_wait3A_40 : memref<401408x8xf32, #tpu.memory_space<hbm>>) dst(%arg9 : memref<128x8xf32, #tpu.memory_space<vmem>>)
      %add3A_41 = arith.constant 1 : i32
      %add3A_42 = arith.addi %mul3A_34, %add3A_41 : i32
      %dma_start3A_43 = arith.constant 0 : i32
      %dma_start3A_44 = tpu.memref_slice %arg7[%add3A_42, %dma_start3A_43] : memref<394x128xi32, #tpu.memory_space<vmem>> -> memref<1x128xi32, #tpu.memory_space<vmem>>
      %dma_start3A_45 = tpu.memref_squeeze %dma_start3A_44 : memref<1x128xi32, #tpu.memory_space<vmem>> -> memref<128xi32, #tpu.memory_space<vmem>>
      %dma_start3A_46 = arith.constant 0 : i32
      %dma_start3A_47 = arith.constant 0 : i32
      %dma_start3A_48 = tpu.memref_slice %arg2[%dma_start3A_46, %dma_start3A_47] : memref<401408x8xf32, #tpu.memory_space<hbm>> -> memref<401408x8xf32, #tpu.memory_space<hbm>>
      tpu.enqueue_indirect_dma source(%dma_start3A_48 : memref<401408x8xf32, #tpu.memory_space<hbm>>) target(%arg10 : memref<128x8xf32, #tpu.memory_space<vmem>>) offsets(%dma_start3A_45 : memref<128xi32, #tpu.memory_space<vmem>>) semaphore(%arg15 : memref<!tpu.dma_semaphore, #tpu.memory_space<semaphore_mem>>)
      "tpu.region"() ({
        %run_scoped3A = tpu.sem_alloc : memref<!tpu.dma_semaphore, #tpu.memory_space<semaphore_mem>>
        %dma_start3A_67 = arith.constant 0 : i32
        %dma_start3A_68 = tpu.memref_slice %arg8[%mul3A_34, %dma_start3A_67] : memref<392x128xi32, #tpu.memory_space<vmem>> -> memref<1x128xi32, #tpu.memory_space<vmem>>
        %dma_start3A_69 = tpu.memref_squeeze %dma_start3A_68 : memref<1x128xi32, #tpu.memory_space<vmem>> -> memref<128xi32, #tpu.memory_space<vmem>>
        %dma_start3A_70 = arith.constant 0 : i32
        %dma_start3A_71 = arith.constant 0 : i32
        %dma_start3A_72 = tpu.memref_slice %arg13[%dma_start3A_70, %dma_start3A_71] : memref<50048x8xf32, #tpu.memory_space<vmem_shared>> -> memref<50048x8xf32, #tpu.memory_space<vmem_shared>>
        tpu.enqueue_indirect_dma source(%arg9 : memref<128x8xf32, #tpu.memory_space<vmem>>) target(%dma_start3A_72 : memref<50048x8xf32, #tpu.memory_space<vmem_shared>>) offsets(%dma_start3A_69 : memref<128xi32, #tpu.memory_space<vmem>>) semaphore(%run_scoped3A : memref<!tpu.dma_semaphore, #tpu.memory_space<semaphore_mem>>) {add = true}
        %dma_wait3A_73 = arith.constant 0 : i32
        %dma_wait3A_74 = tpu.memref_slice %arg8[%mul3A_34, %dma_wait3A_73] : memref<392x128xi32, #tpu.memory_space<vmem>> -> memref<1x128xi32, #tpu.memory_space<vmem>>
        %dma_wait3A_75 = tpu.memref_squeeze %dma_wait3A_74 : memref<1x128xi32, #tpu.memory_space<vmem>> -> memref<128xi32, #tpu.memory_space<vmem>>
        %dma_wait3A_76 = arith.constant 0 : i32
        %dma_wait3A_77 = arith.constant 0 : i32
        %dma_wait3A_78 = tpu.memref_slice %arg13[%dma_wait3A_76, %dma_wait3A_77] : memref<50048x8xf32, #tpu.memory_space<vmem_shared>> -> memref<50048x8xf32, #tpu.memory_space<vmem_shared>>
        tpu.wait_indirect_dma semaphore(%run_scoped3A : memref<!tpu.dma_semaphore, #tpu.memory_space<semaphore_mem>>) src(%arg9 : memref<128x8xf32, #tpu.memory_space<vmem>>) dst(%dma_wait3A_78 : memref<50048x8xf32, #tpu.memory_space<vmem_shared>>)
        tpu.yield
      }) : () -> ()
      %add3A_49 = arith.constant 2 : i32
      %add3A_50 = arith.addi %mul3A_34, %add3A_49 : i32
      %dma_start3A_51 = arith.constant 0 : i32
      %dma_start3A_52 = tpu.memref_slice %arg7[%add3A_50, %dma_start3A_51] : memref<394x128xi32, #tpu.memory_space<vmem>> -> memref<1x128xi32, #tpu.memory_space<vmem>>
      %dma_start3A_53 = tpu.memref_squeeze %dma_start3A_52 : memref<1x128xi32, #tpu.memory_space<vmem>> -> memref<128xi32, #tpu.memory_space<vmem>>
      %dma_start3A_54 = arith.constant 0 : i32
      %dma_start3A_55 = arith.constant 0 : i32
      %dma_start3A_56 = tpu.memref_slice %arg2[%dma_start3A_54, %dma_start3A_55] : memref<401408x8xf32, #tpu.memory_space<hbm>> -> memref<401408x8xf32, #tpu.memory_space<hbm>>
      tpu.enqueue_indirect_dma source(%dma_start3A_56 : memref<401408x8xf32, #tpu.memory_space<hbm>>) target(%arg9 : memref<128x8xf32, #tpu.memory_space<vmem>>) offsets(%dma_start3A_53 : memref<128xi32, #tpu.memory_space<vmem>>) semaphore(%arg14 : memref<!tpu.dma_semaphore, #tpu.memory_space<semaphore_mem>>)
      %add3A_57 = arith.constant 1 : i32
      %add3A_58 = arith.addi %mul3A_34, %add3A_57 : i32
      %dma_wait3A_59 = arith.constant 0 : i32
      %dma_wait3A_60 = tpu.memref_slice %arg7[%add3A_58, %dma_wait3A_59] : memref<394x128xi32, #tpu.memory_space<vmem>> -> memref<1x128xi32, #tpu.memory_space<vmem>>
      %dma_wait3A_61 = tpu.memref_squeeze %dma_wait3A_60 : memref<1x128xi32, #tpu.memory_space<vmem>> -> memref<128xi32, #tpu.memory_space<vmem>>
      %dma_wait3A_62 = arith.constant 0 : i32
      %dma_wait3A_63 = arith.constant 0 : i32
      %dma_wait3A_64 = tpu.memref_slice %arg2[%dma_wait3A_62, %dma_wait3A_63] : memref<401408x8xf32, #tpu.memory_space<hbm>> -> memref<401408x8xf32, #tpu.memory_space<hbm>>
      tpu.wait_indirect_dma semaphore(%arg15 : memref<!tpu.dma_semaphore, #tpu.memory_space<semaphore_mem>>) src(%dma_wait3A_64 : memref<401408x8xf32, #tpu.memory_space<hbm>>) dst(%arg10 : memref<128x8xf32, #tpu.memory_space<vmem>>)
      %add3A_65 = arith.constant 1 : i32
      %add3A_66 = arith.addi %mul3A_34, %add3A_65 : i32
      "tpu.region"() ({
        %run_scoped3A = tpu.sem_alloc : memref<!tpu.dma_semaphore, #tpu.memory_space<semaphore_mem>>
        %dma_start3A_67 = arith.constant 0 : i32
        %dma_start3A_68 = tpu.memref_slice %arg8[%add3A_66, %dma_start3A_67] : memref<392x128xi32, #tpu.memory_space<vmem>> -> memref<1x128xi32, #tpu.memory_space<vmem>>
        %dma_start3A_69 = tpu.memref_squeeze %dma_start3A_68 : memref<1x128xi32, #tpu.memory_space<vmem>> -> memref<128xi32, #tpu.memory_space<vmem>>
        %dma_start3A_70 = arith.constant 0 : i32
        %dma_start3A_71 = arith.constant 0 : i32
        %dma_start3A_72 = tpu.memref_slice %arg13[%dma_start3A_70, %dma_start3A_71] : memref<50048x8xf32, #tpu.memory_space<vmem_shared>> -> memref<50048x8xf32, #tpu.memory_space<vmem_shared>>
        tpu.enqueue_indirect_dma source(%arg10 : memref<128x8xf32, #tpu.memory_space<vmem>>) target(%dma_start3A_72 : memref<50048x8xf32, #tpu.memory_space<vmem_shared>>) offsets(%dma_start3A_69 : memref<128xi32, #tpu.memory_space<vmem>>) semaphore(%run_scoped3A : memref<!tpu.dma_semaphore, #tpu.memory_space<semaphore_mem>>) {add = true}
        %dma_wait3A_73 = arith.constant 0 : i32
        %dma_wait3A_74 = tpu.memref_slice %arg8[%add3A_66, %dma_wait3A_73] : memref<392x128xi32, #tpu.memory_space<vmem>> -> memref<1x128xi32, #tpu.memory_space<vmem>>
        %dma_wait3A_75 = tpu.memref_squeeze %dma_wait3A_74 : memref<1x128xi32, #tpu.memory_space<vmem>> -> memref<128xi32, #tpu.memory_space<vmem>>
        %dma_wait3A_76 = arith.constant 0 : i32
        %dma_wait3A_77 = arith.constant 0 : i32
        %dma_wait3A_78 = tpu.memref_slice %arg13[%dma_wait3A_76, %dma_wait3A_77] : memref<50048x8xf32, #tpu.memory_space<vmem_shared>> -> memref<50048x8xf32, #tpu.memory_space<vmem_shared>>
        tpu.wait_indirect_dma semaphore(%run_scoped3A : memref<!tpu.dma_semaphore, #tpu.memory_space<semaphore_mem>>) src(%arg10 : memref<128x8xf32, #tpu.memory_space<vmem>>) dst(%dma_wait3A_78 : memref<50048x8xf32, #tpu.memory_space<vmem_shared>>)
        tpu.yield
      }) : () -> ()
    }
    %scan3A_17 = arith.constant 196 : i32
    %dma_wait3A = arith.constant 392 : i32
    %dma_wait3A_18 = arith.constant 0 : i32
    %dma_wait3A_19 = tpu.memref_slice %arg7[%dma_wait3A, %dma_wait3A_18] : memref<394x128xi32, #tpu.memory_space<vmem>> -> memref<1x128xi32, #tpu.memory_space<vmem>>
    %dma_wait3A_20 = tpu.memref_squeeze %dma_wait3A_19 : memref<1x128xi32, #tpu.memory_space<vmem>> -> memref<128xi32, #tpu.memory_space<vmem>>
    %dma_wait3A_21 = arith.constant 0 : i32
    %dma_wait3A_22 = arith.constant 0 : i32
    %dma_wait3A_23 = tpu.memref_slice %arg2[%dma_wait3A_21, %dma_wait3A_22] : memref<401408x8xf32, #tpu.memory_space<hbm>> -> memref<401408x8xf32, #tpu.memory_space<hbm>>
    tpu.wait_indirect_dma semaphore(%arg14 : memref<!tpu.dma_semaphore, #tpu.memory_space<semaphore_mem>>) src(%dma_wait3A_23 : memref<401408x8xf32, #tpu.memory_space<hbm>>) dst(%arg9 : memref<128x8xf32, #tpu.memory_space<vmem>>)
    %barrier3A_24 = arith.constant 0 : index
    tpu.barrier barrier_id(%barrier3A_24)
    %add3A = arith.constant 2 : i32
    %add3A_25 = arith.addi %add3A, %arg0 : i32
    %scan3A_26 = arith.constant 0 : i32
    %scan3A_27 = arith.constant 0 : i32
    %scan3A_28 = arith.constant 23 : i32
    %scan3A_29 = arith.addi %scan3A_27, %scan3A_28 : i32
    %scan3A_30 = arith.constant 1 : i32
    scf.for %scan3A_32 = %scan3A_27 to %scan3A_29 step %scan3A_30  : i32 {
      %mul3A_33 = arith.constant 136 : i32
      %mul3A_34 = arith.muli %scan3A_32, %mul3A_33 : i32
      %add3A_35 = arith.addi %mul3A_0, %mul3A_34 : i32
      "tpu.region"() ({
        %run_scoped3A = tpu.sem_alloc : memref<!tpu.dma_semaphore, #tpu.memory_space<semaphore_mem>>
        %dma_start3A_39 = arith.constant 0 : i32
        %dma_start3A_40 = tpu.memref_slice %arg13[%add3A_35, %dma_start3A_39] : memref<50048x8xf32, #tpu.memory_space<vmem_shared>> -> memref<136x8xf32, #tpu.memory_space<vmem_shared>>
        %dma_start3A_41 = arith.constant 0 : i32
        %dma_start3A_42 = tpu.memref_slice %arg13[%add3A_35, %dma_start3A_41] : memref<50048x8xf32, #tpu.memory_space<vmem_shared>> -> memref<136x8xf32, #tpu.memory_space<vmem_shared>>
        tpu.enqueue_dma source(%dma_start3A_42 : memref<136x8xf32, #tpu.memory_space<vmem_shared>>) target(%arg12 : memref<136x8xf32, #tpu.memory_space<vmem>>) target_semaphore(%run_scoped3A : memref<!tpu.dma_semaphore, #tpu.memory_space<semaphore_mem>>)
        %dma_wait3A_43 = arith.constant 0 : i32
        %dma_wait3A_44 = tpu.memref_slice %arg13[%add3A_35, %dma_wait3A_43] : memref<50048x8xf32, #tpu.memory_space<vmem_shared>> -> memref<136x8xf32, #tpu.memory_space<vmem_shared>>
        %dma_wait3A_45 = arith.constant 0 : i32
        %dma_wait3A_46 = tpu.memref_slice %arg13[%add3A_35, %dma_wait3A_45] : memref<50048x8xf32, #tpu.memory_space<vmem_shared>> -> memref<136x8xf32, #tpu.memory_space<vmem_shared>>
        tpu.wait_dma2 semaphore(%run_scoped3A : memref<!tpu.dma_semaphore, #tpu.memory_space<semaphore_mem>>) src(%dma_wait3A_46 : memref<136x8xf32, #tpu.memory_space<vmem_shared>>) dst(%arg12 : memref<136x8xf32, #tpu.memory_space<vmem>>)
        tpu.yield
      }) : () -> ()
      %mul3A_36 = arith.constant 136 : i32
      %mul3A_37 = arith.muli %scan3A_32, %mul3A_36 : i32
      %add3A_38 = arith.addi %mul3A_0, %mul3A_37 : i32
      "tpu.region"() ({
        %run_scoped3A = tpu.sem_alloc : memref<!tpu.dma_semaphore, #tpu.memory_space<semaphore_mem>>
        %dma_start3A_39 = arith.constant 0 : i32
        %dma_start3A_40 = tpu.memref_slice %arg6[%add3A_38, %add3A_25, %dma_start3A_39] : memref<50176x8x8xf32, #tpu.memory_space<hbm>> -> memref<136x1x8xf32, #tpu.memory_space<hbm>>
        %dma_start3A_41 = tpu.memref_squeeze %dma_start3A_40 : memref<136x1x8xf32, #tpu.memory_space<hbm>> -> memref<136x8xf32, #tpu.memory_space<hbm>>
        %dma_start3A_42 = arith.constant 0 : i32
        %dma_start3A_43 = tpu.memref_slice %arg6[%add3A_38, %add3A_25, %dma_start3A_42] : memref<50176x8x8xf32, #tpu.memory_space<hbm>> -> memref<136x1x8xf32, #tpu.memory_space<hbm>>
        %dma_start3A_44 = tpu.memref_squeeze %dma_start3A_43 : memref<136x1x8xf32, #tpu.memory_space<hbm>> -> memref<136x8xf32, #tpu.memory_space<hbm>>
        tpu.enqueue_dma source(%arg12 : memref<136x8xf32, #tpu.memory_space<vmem>>) target(%dma_start3A_44 : memref<136x8xf32, #tpu.memory_space<hbm>>) target_semaphore(%run_scoped3A : memref<!tpu.dma_semaphore, #tpu.memory_space<semaphore_mem>>)
        %dma_wait3A_45 = arith.constant 0 : i32
        %dma_wait3A_46 = tpu.memref_slice %arg6[%add3A_38, %add3A_25, %dma_wait3A_45] : memref<50176x8x8xf32, #tpu.memory_space<hbm>> -> memref<136x1x8xf32, #tpu.memory_space<hbm>>
        %dma_wait3A_47 = tpu.memref_squeeze %dma_wait3A_46 : memref<136x1x8xf32, #tpu.memory_space<hbm>> -> memref<136x8xf32, #tpu.memory_space<hbm>>
        %dma_wait3A_48 = arith.constant 0 : i32
        %dma_wait3A_49 = tpu.memref_slice %arg6[%add3A_38, %add3A_25, %dma_wait3A_48] : memref<50176x8x8xf32, #tpu.memory_space<hbm>> -> memref<136x1x8xf32, #tpu.memory_space<hbm>>
        %dma_wait3A_50 = tpu.memref_squeeze %dma_wait3A_49 : memref<136x1x8xf32, #tpu.memory_space<hbm>> -> memref<136x8xf32, #tpu.memory_space<hbm>>
        tpu.wait_dma2 semaphore(%run_scoped3A : memref<!tpu.dma_semaphore, #tpu.memory_space<semaphore_mem>>) src(%arg12 : memref<136x8xf32, #tpu.memory_space<vmem>>) dst(%dma_wait3A_50 : memref<136x8xf32, #tpu.memory_space<hbm>>)
        tpu.yield
      }) : () -> ()
    }
    %scan3A_31 = arith.constant 23 : i32
    return
  }
}

#map = affine_map<(d0, d1) -> (0, 0)>
#map1 = affine_map<(d0, d1) -> (0, 0, 0, 0)>
#map2 = affine_map<(d0, d1) -> (0, 0, 0)>
module attributes {stable_mosaic.version = 14 : i64} {
  func.func @sc_q(%arg0: i32, %arg1: i32, %arg2: memref<401408x8xf32, #tpu.memory_space<hbm>>, %arg3: memref<2x16x394x128xi32, #tpu.memory_space<hbm>>, %arg4: memref<16x392x128xi32, #tpu.memory_space<hbm>>, %arg5: memref<136x8xf32, #tpu.memory_space<hbm>>, %arg6: memref<50176x8x8xf32, #tpu.memory_space<hbm>>, %arg7: memref<394x128xi32, #tpu.memory_space<vmem>>, %arg8: memref<392x128xi32, #tpu.memory_space<vmem>>, %arg9: memref<128x8xf32, #tpu.memory_space<vmem>>, %arg10: memref<128x8xf32, #tpu.memory_space<vmem>>, %arg11: memref<136x8xf32, #tpu.memory_space<vmem>>, %arg12: memref<136x8xf32, #tpu.memory_space<vmem>>, %arg13: memref<50048x8xf32, #tpu.memory_space<vmem_shared>>, %arg14: memref<!tpu.dma_semaphore, #tpu.memory_space<semaphore_mem>>, %arg15: memref<!tpu.dma_semaphore, #tpu.memory_space<semaphore_mem>>) attributes {dimension_semantics = [#tpu.dimension_semantics<core_parallel>, #tpu.dimension_semantics<subcore_parallel>], iteration_bounds = array<i64: 2, 16>, scalar_prefetch = 0 : i64, scratch_operands = 9 : i64, tpu.core_type = #tpu.core_type<sc_vector_subcore>, window_params = [{transform_indices = #map}, {transform_indices = #map1}, {transform_indices = #map2}, {transform_indices = #map}, {transform_indices = #map2}]} {
    %mul3A = arith.constant 3128 : i32
    %mul3A_0 = arith.muli %arg1, %mul3A : i32
    "tpu.region"() ({
      %run_scoped3A = tpu.sem_alloc : memref<!tpu.dma_semaphore, #tpu.memory_space<semaphore_mem>>
      tpu.enqueue_dma source(%arg5 : memref<136x8xf32, #tpu.memory_space<hbm>>) target(%arg11 : memref<136x8xf32, #tpu.memory_space<vmem>>) target_semaphore(%run_scoped3A : memref<!tpu.dma_semaphore, #tpu.memory_space<semaphore_mem>>)
      tpu.wait_dma2 semaphore(%run_scoped3A : memref<!tpu.dma_semaphore, #tpu.memory_space<semaphore_mem>>) src(%arg5 : memref<136x8xf32, #tpu.memory_space<hbm>>) dst(%arg11 : memref<136x8xf32, #tpu.memory_space<vmem>>)
      tpu.yield
    }) : () -> ()
    "tpu.region"() ({
      %run_scoped3A = tpu.sem_alloc : memref<!tpu.dma_semaphore, #tpu.memory_space<semaphore_mem>>
      %dma_start3A_32 = arith.constant 0 : i32
      %dma_start3A_33 = arith.constant 0 : i32
      %dma_start3A_34 = tpu.memref_slice %arg3[%arg0, %arg1, %dma_start3A_32, %dma_start3A_33] : memref<2x16x394x128xi32, #tpu.memory_space<hbm>> -> memref<1x1x394x128xi32, #tpu.memory_space<hbm>>
      %dma_start3A_35 = tpu.memref_squeeze %dma_start3A_34 : memref<1x1x394x128xi32, #tpu.memory_space<hbm>> -> memref<394x128xi32, #tpu.memory_space<hbm>>
      %dma_start3A_36 = arith.constant 0 : i32
      %dma_start3A_37 = arith.constant 0 : i32
      %dma_start3A_38 = tpu.memref_slice %arg3[%arg0, %arg1, %dma_start3A_36, %dma_start3A_37] : memref<2x16x394x128xi32, #tpu.memory_space<hbm>> -> memref<1x1x394x128xi32, #tpu.memory_space<hbm>>
      %dma_start3A_39 = tpu.memref_squeeze %dma_start3A_38 : memref<1x1x394x128xi32, #tpu.memory_space<hbm>> -> memref<394x128xi32, #tpu.memory_space<hbm>>
      tpu.enqueue_dma source(%dma_start3A_39 : memref<394x128xi32, #tpu.memory_space<hbm>>) target(%arg7 : memref<394x128xi32, #tpu.memory_space<vmem>>) target_semaphore(%run_scoped3A : memref<!tpu.dma_semaphore, #tpu.memory_space<semaphore_mem>>)
      %dma_wait3A_40 = arith.constant 0 : i32
      %dma_wait3A_41 = arith.constant 0 : i32
      %dma_wait3A_42 = tpu.memref_slice %arg3[%arg0, %arg1, %dma_wait3A_40, %dma_wait3A_41] : memref<2x16x394x128xi32, #tpu.memory_space<hbm>> -> memref<1x1x394x128xi32, #tpu.memory_space<hbm>>
      %dma_wait3A_43 = tpu.memref_squeeze %dma_wait3A_42 : memref<1x1x394x128xi32, #tpu.memory_space<hbm>> -> memref<394x128xi32, #tpu.memory_space<hbm>>
      %dma_wait3A_44 = arith.constant 0 : i32
      %dma_wait3A_45 = arith.constant 0 : i32
      %dma_wait3A_46 = tpu.memref_slice %arg3[%arg0, %arg1, %dma_wait3A_44, %dma_wait3A_45] : memref<2x16x394x128xi32, #tpu.memory_space<hbm>> -> memref<1x1x394x128xi32, #tpu.memory_space<hbm>>
      %dma_wait3A_47 = tpu.memref_squeeze %dma_wait3A_46 : memref<1x1x394x128xi32, #tpu.memory_space<hbm>> -> memref<394x128xi32, #tpu.memory_space<hbm>>
      tpu.wait_dma2 semaphore(%run_scoped3A : memref<!tpu.dma_semaphore, #tpu.memory_space<semaphore_mem>>) src(%dma_wait3A_47 : memref<394x128xi32, #tpu.memory_space<hbm>>) dst(%arg7 : memref<394x128xi32, #tpu.memory_space<vmem>>)
      tpu.yield
    }) : () -> ()
    "tpu.region"() ({
      %run_scoped3A = tpu.sem_alloc : memref<!tpu.dma_semaphore, #tpu.memory_space<semaphore_mem>>
      %dma_start3A_32 = arith.constant 0 : i32
      %dma_start3A_33 = arith.constant 0 : i32
      %dma_start3A_34 = tpu.memref_slice %arg4[%arg1, %dma_start3A_32, %dma_start3A_33] : memref<16x392x128xi32, #tpu.memory_space<hbm>> -> memref<1x392x128xi32, #tpu.memory_space<hbm>>
      %dma_start3A_35 = tpu.memref_squeeze %dma_start3A_34 : memref<1x392x128xi32, #tpu.memory_space<hbm>> -> memref<392x128xi32, #tpu.memory_space<hbm>>
      %dma_start3A_36 = arith.constant 0 : i32
      %dma_start3A_37 = arith.constant 0 : i32
      %dma_start3A_38 = tpu.memref_slice %arg4[%arg1, %dma_start3A_36, %dma_start3A_37] : memref<16x392x128xi32, #tpu.memory_space<hbm>> -> memref<1x392x128xi32, #tpu.memory_space<hbm>>
      %dma_start3A_39 = tpu.memref_squeeze %dma_start3A_38 : memref<1x392x128xi32, #tpu.memory_space<hbm>> -> memref<392x128xi32, #tpu.memory_space<hbm>>
      tpu.enqueue_dma source(%dma_start3A_39 : memref<392x128xi32, #tpu.memory_space<hbm>>) target(%arg8 : memref<392x128xi32, #tpu.memory_space<vmem>>) target_semaphore(%run_scoped3A : memref<!tpu.dma_semaphore, #tpu.memory_space<semaphore_mem>>)
      %dma_wait3A_40 = arith.constant 0 : i32
      %dma_wait3A_41 = arith.constant 0 : i32
      %dma_wait3A_42 = tpu.memref_slice %arg4[%arg1, %dma_wait3A_40, %dma_wait3A_41] : memref<16x392x128xi32, #tpu.memory_space<hbm>> -> memref<1x392x128xi32, #tpu.memory_space<hbm>>
      %dma_wait3A_43 = tpu.memref_squeeze %dma_wait3A_42 : memref<1x392x128xi32, #tpu.memory_space<hbm>> -> memref<392x128xi32, #tpu.memory_space<hbm>>
      %dma_wait3A_44 = arith.constant 0 : i32
      %dma_wait3A_45 = arith.constant 0 : i32
      %dma_wait3A_46 = tpu.memref_slice %arg4[%arg1, %dma_wait3A_44, %dma_wait3A_45] : memref<16x392x128xi32, #tpu.memory_space<hbm>> -> memref<1x392x128xi32, #tpu.memory_space<hbm>>
      %dma_wait3A_47 = tpu.memref_squeeze %dma_wait3A_46 : memref<1x392x128xi32, #tpu.memory_space<hbm>> -> memref<392x128xi32, #tpu.memory_space<hbm>>
      tpu.wait_dma2 semaphore(%run_scoped3A : memref<!tpu.dma_semaphore, #tpu.memory_space<semaphore_mem>>) src(%dma_wait3A_47 : memref<392x128xi32, #tpu.memory_space<hbm>>) dst(%arg8 : memref<392x128xi32, #tpu.memory_space<vmem>>)
      tpu.yield
    }) : () -> ()
    %scan3A = arith.constant 0 : i32
    %scan3A_1 = arith.constant 0 : i32
    %scan3A_2 = arith.constant 23 : i32
    %scan3A_3 = arith.addi %scan3A_1, %scan3A_2 : i32
    %scan3A_4 = arith.constant 1 : i32
    scf.for %scan3A_32 = %scan3A_1 to %scan3A_3 step %scan3A_4  : i32 {
      %mul3A_33 = arith.constant 136 : i32
      %mul3A_34 = arith.muli %scan3A_32, %mul3A_33 : i32
      %add3A_35 = arith.addi %mul3A_0, %mul3A_34 : i32
      "tpu.region"() ({
        %run_scoped3A = tpu.sem_alloc : memref<!tpu.dma_semaphore, #tpu.memory_space<semaphore_mem>>
        %dma_start3A_36 = arith.constant 0 : i32
        %dma_start3A_37 = tpu.memref_slice %arg13[%add3A_35, %dma_start3A_36] : memref<50048x8xf32, #tpu.memory_space<vmem_shared>> -> memref<136x8xf32, #tpu.memory_space<vmem_shared>>
        %dma_start3A_38 = arith.constant 0 : i32
        %dma_start3A_39 = tpu.memref_slice %arg13[%add3A_35, %dma_start3A_38] : memref<50048x8xf32, #tpu.memory_space<vmem_shared>> -> memref<136x8xf32, #tpu.memory_space<vmem_shared>>
        tpu.enqueue_dma source(%arg11 : memref<136x8xf32, #tpu.memory_space<vmem>>) target(%dma_start3A_39 : memref<136x8xf32, #tpu.memory_space<vmem_shared>>) target_semaphore(%run_scoped3A : memref<!tpu.dma_semaphore, #tpu.memory_space<semaphore_mem>>)
        %dma_wait3A_40 = arith.constant 0 : i32
        %dma_wait3A_41 = tpu.memref_slice %arg13[%add3A_35, %dma_wait3A_40] : memref<50048x8xf32, #tpu.memory_space<vmem_shared>> -> memref<136x8xf32, #tpu.memory_space<vmem_shared>>
        %dma_wait3A_42 = arith.constant 0 : i32
        %dma_wait3A_43 = tpu.memref_slice %arg13[%add3A_35, %dma_wait3A_42] : memref<50048x8xf32, #tpu.memory_space<vmem_shared>> -> memref<136x8xf32, #tpu.memory_space<vmem_shared>>
        tpu.wait_dma2 semaphore(%run_scoped3A : memref<!tpu.dma_semaphore, #tpu.memory_space<semaphore_mem>>) src(%arg11 : memref<136x8xf32, #tpu.memory_space<vmem>>) dst(%dma_wait3A_43 : memref<136x8xf32, #tpu.memory_space<vmem_shared>>)
        tpu.yield
      }) : () -> ()
    }
    %scan3A_5 = arith.constant 23 : i32
    %barrier3A = arith.constant 0 : index
    tpu.barrier barrier_id(%barrier3A)
    %dma_start3A = arith.constant 0 : i32
    %dma_start3A_6 = arith.constant 0 : i32
    %dma_start3A_7 = tpu.memref_slice %arg7[%dma_start3A, %dma_start3A_6] : memref<394x128xi32, #tpu.memory_space<vmem>> -> memref<1x128xi32, #tpu.memory_space<vmem>>
    %dma_start3A_8 = tpu.memref_squeeze %dma_start3A_7 : memref<1x128xi32, #tpu.memory_space<vmem>> -> memref<128xi32, #tpu.memory_space<vmem>>
    %dma_start3A_9 = arith.constant 0 : i32
    %dma_start3A_10 = arith.constant 0 : i32
    %dma_start3A_11 = tpu.memref_slice %arg2[%dma_start3A_9, %dma_start3A_10] : memref<401408x8xf32, #tpu.memory_space<hbm>> -> memref<401408x8xf32, #tpu.memory_space<hbm>>
    tpu.enqueue_indirect_dma source(%dma_start3A_11 : memref<401408x8xf32, #tpu.memory_space<hbm>>) target(%arg9 : memref<128x8xf32, #tpu.memory_space<vmem>>) offsets(%dma_start3A_8 : memref<128xi32, #tpu.memory_space<vmem>>) semaphore(%arg14 : memref<!tpu.dma_semaphore, #tpu.memory_space<semaphore_mem>>)
    %scan3A_12 = arith.constant 0 : i32
    %scan3A_13 = arith.constant 0 : i32
    %scan3A_14 = arith.constant 196 : i32
    %scan3A_15 = arith.addi %scan3A_13, %scan3A_14 : i32
    %scan3A_16 = arith.constant 1 : i32
    scf.for %scan3A_32 = %scan3A_13 to %scan3A_15 step %scan3A_16  : i32 {
      %mul3A_33 = arith.constant 2 : i32
      %mul3A_34 = arith.muli %mul3A_33, %scan3A_32 : i32
      %dma_wait3A_35 = arith.constant 0 : i32
      %dma_wait3A_36 = tpu.memref_slice %arg7[%mul3A_34, %dma_wait3A_35] : memref<394x128xi32, #tpu.memory_space<vmem>> -> memref<1x128xi32, #tpu.memory_space<vmem>>
      %dma_wait3A_37 = tpu.memref_squeeze %dma_wait3A_36 : memref<1x128xi32, #tpu.memory_space<vmem>> -> memref<128xi32, #tpu.memory_space<vmem>>
      %dma_wait3A_38 = arith.constant 0 : i32
      %dma_wait3A_39 = arith.constant 0 : i32
      %dma_wait3A_40 = tpu.memref_slice %arg2[%dma_wait3A_38, %dma_wait3A_39] : memref<401408x8xf32, #tpu.memory_space<hbm>> -> memref<401408x8xf32, #tpu.memory_space<hbm>>
      tpu.wait_indirect_dma semaphore(%arg14 : memref<!tpu.dma_semaphore, #tpu.memory_space<semaphore_mem>>) src(%dma_wait3A_40 : memref<401408x8xf32, #tpu.memory_space<hbm>>) dst(%arg9 : memref<128x8xf32, #tpu.memory_space<vmem>>)
      %add3A_41 = arith.constant 1 : i32
      %add3A_42 = arith.addi %mul3A_34, %add3A_41 : i32
      %dma_start3A_43 = arith.constant 0 : i32
      %dma_start3A_44 = tpu.memref_slice %arg7[%add3A_42, %dma_start3A_43] : memref<394x128xi32, #tpu.memory_space<vmem>> -> memref<1x128xi32, #tpu.memory_space<vmem>>
      %dma_start3A_45 = tpu.memref_squeeze %dma_start3A_44 : memref<1x128xi32, #tpu.memory_space<vmem>> -> memref<128xi32, #tpu.memory_space<vmem>>
      %dma_start3A_46 = arith.constant 0 : i32
      %dma_start3A_47 = arith.constant 0 : i32
      %dma_start3A_48 = tpu.memref_slice %arg2[%dma_start3A_46, %dma_start3A_47] : memref<401408x8xf32, #tpu.memory_space<hbm>> -> memref<401408x8xf32, #tpu.memory_space<hbm>>
      tpu.enqueue_indirect_dma source(%dma_start3A_48 : memref<401408x8xf32, #tpu.memory_space<hbm>>) target(%arg10 : memref<128x8xf32, #tpu.memory_space<vmem>>) offsets(%dma_start3A_45 : memref<128xi32, #tpu.memory_space<vmem>>) semaphore(%arg15 : memref<!tpu.dma_semaphore, #tpu.memory_space<semaphore_mem>>)
      "tpu.region"() ({
        %run_scoped3A = tpu.sem_alloc : memref<!tpu.dma_semaphore, #tpu.memory_space<semaphore_mem>>
        %dma_start3A_67 = arith.constant 0 : i32
        %dma_start3A_68 = tpu.memref_slice %arg8[%mul3A_34, %dma_start3A_67] : memref<392x128xi32, #tpu.memory_space<vmem>> -> memref<1x128xi32, #tpu.memory_space<vmem>>
        %dma_start3A_69 = tpu.memref_squeeze %dma_start3A_68 : memref<1x128xi32, #tpu.memory_space<vmem>> -> memref<128xi32, #tpu.memory_space<vmem>>
        %dma_start3A_70 = arith.constant 0 : i32
        %dma_start3A_71 = arith.constant 0 : i32
        %dma_start3A_72 = tpu.memref_slice %arg13[%dma_start3A_70, %dma_start3A_71] : memref<50048x8xf32, #tpu.memory_space<vmem_shared>> -> memref<50048x8xf32, #tpu.memory_space<vmem_shared>>
        tpu.enqueue_indirect_dma source(%arg9 : memref<128x8xf32, #tpu.memory_space<vmem>>) target(%dma_start3A_72 : memref<50048x8xf32, #tpu.memory_space<vmem_shared>>) offsets(%dma_start3A_69 : memref<128xi32, #tpu.memory_space<vmem>>) semaphore(%run_scoped3A : memref<!tpu.dma_semaphore, #tpu.memory_space<semaphore_mem>>) {add = true}
        %dma_wait3A_73 = arith.constant 0 : i32
        %dma_wait3A_74 = tpu.memref_slice %arg8[%mul3A_34, %dma_wait3A_73] : memref<392x128xi32, #tpu.memory_space<vmem>> -> memref<1x128xi32, #tpu.memory_space<vmem>>
        %dma_wait3A_75 = tpu.memref_squeeze %dma_wait3A_74 : memref<1x128xi32, #tpu.memory_space<vmem>> -> memref<128xi32, #tpu.memory_space<vmem>>
        %dma_wait3A_76 = arith.constant 0 : i32
        %dma_wait3A_77 = arith.constant 0 : i32
        %dma_wait3A_78 = tpu.memref_slice %arg13[%dma_wait3A_76, %dma_wait3A_77] : memref<50048x8xf32, #tpu.memory_space<vmem_shared>> -> memref<50048x8xf32, #tpu.memory_space<vmem_shared>>
        tpu.wait_indirect_dma semaphore(%run_scoped3A : memref<!tpu.dma_semaphore, #tpu.memory_space<semaphore_mem>>) src(%arg9 : memref<128x8xf32, #tpu.memory_space<vmem>>) dst(%dma_wait3A_78 : memref<50048x8xf32, #tpu.memory_space<vmem_shared>>)
        tpu.yield
      }) : () -> ()
      %add3A_49 = arith.constant 2 : i32
      %add3A_50 = arith.addi %mul3A_34, %add3A_49 : i32
      %dma_start3A_51 = arith.constant 0 : i32
      %dma_start3A_52 = tpu.memref_slice %arg7[%add3A_50, %dma_start3A_51] : memref<394x128xi32, #tpu.memory_space<vmem>> -> memref<1x128xi32, #tpu.memory_space<vmem>>
      %dma_start3A_53 = tpu.memref_squeeze %dma_start3A_52 : memref<1x128xi32, #tpu.memory_space<vmem>> -> memref<128xi32, #tpu.memory_space<vmem>>
      %dma_start3A_54 = arith.constant 0 : i32
      %dma_start3A_55 = arith.constant 0 : i32
      %dma_start3A_56 = tpu.memref_slice %arg2[%dma_start3A_54, %dma_start3A_55] : memref<401408x8xf32, #tpu.memory_space<hbm>> -> memref<401408x8xf32, #tpu.memory_space<hbm>>
      tpu.enqueue_indirect_dma source(%dma_start3A_56 : memref<401408x8xf32, #tpu.memory_space<hbm>>) target(%arg9 : memref<128x8xf32, #tpu.memory_space<vmem>>) offsets(%dma_start3A_53 : memref<128xi32, #tpu.memory_space<vmem>>) semaphore(%arg14 : memref<!tpu.dma_semaphore, #tpu.memory_space<semaphore_mem>>)
      %add3A_57 = arith.constant 1 : i32
      %add3A_58 = arith.addi %mul3A_34, %add3A_57 : i32
      %dma_wait3A_59 = arith.constant 0 : i32
      %dma_wait3A_60 = tpu.memref_slice %arg7[%add3A_58, %dma_wait3A_59] : memref<394x128xi32, #tpu.memory_space<vmem>> -> memref<1x128xi32, #tpu.memory_space<vmem>>
      %dma_wait3A_61 = tpu.memref_squeeze %dma_wait3A_60 : memref<1x128xi32, #tpu.memory_space<vmem>> -> memref<128xi32, #tpu.memory_space<vmem>>
      %dma_wait3A_62 = arith.constant 0 : i32
      %dma_wait3A_63 = arith.constant 0 : i32
      %dma_wait3A_64 = tpu.memref_slice %arg2[%dma_wait3A_62, %dma_wait3A_63] : memref<401408x8xf32, #tpu.memory_space<hbm>> -> memref<401408x8xf32, #tpu.memory_space<hbm>>
      tpu.wait_indirect_dma semaphore(%arg15 : memref<!tpu.dma_semaphore, #tpu.memory_space<semaphore_mem>>) src(%dma_wait3A_64 : memref<401408x8xf32, #tpu.memory_space<hbm>>) dst(%arg10 : memref<128x8xf32, #tpu.memory_space<vmem>>)
      %add3A_65 = arith.constant 1 : i32
      %add3A_66 = arith.addi %mul3A_34, %add3A_65 : i32
      "tpu.region"() ({
        %run_scoped3A = tpu.sem_alloc : memref<!tpu.dma_semaphore, #tpu.memory_space<semaphore_mem>>
        %dma_start3A_67 = arith.constant 0 : i32
        %dma_start3A_68 = tpu.memref_slice %arg8[%add3A_66, %dma_start3A_67] : memref<392x128xi32, #tpu.memory_space<vmem>> -> memref<1x128xi32, #tpu.memory_space<vmem>>
        %dma_start3A_69 = tpu.memref_squeeze %dma_start3A_68 : memref<1x128xi32, #tpu.memory_space<vmem>> -> memref<128xi32, #tpu.memory_space<vmem>>
        %dma_start3A_70 = arith.constant 0 : i32
        %dma_start3A_71 = arith.constant 0 : i32
        %dma_start3A_72 = tpu.memref_slice %arg13[%dma_start3A_70, %dma_start3A_71] : memref<50048x8xf32, #tpu.memory_space<vmem_shared>> -> memref<50048x8xf32, #tpu.memory_space<vmem_shared>>
        tpu.enqueue_indirect_dma source(%arg10 : memref<128x8xf32, #tpu.memory_space<vmem>>) target(%dma_start3A_72 : memref<50048x8xf32, #tpu.memory_space<vmem_shared>>) offsets(%dma_start3A_69 : memref<128xi32, #tpu.memory_space<vmem>>) semaphore(%run_scoped3A : memref<!tpu.dma_semaphore, #tpu.memory_space<semaphore_mem>>) {add = true}
        %dma_wait3A_73 = arith.constant 0 : i32
        %dma_wait3A_74 = tpu.memref_slice %arg8[%add3A_66, %dma_wait3A_73] : memref<392x128xi32, #tpu.memory_space<vmem>> -> memref<1x128xi32, #tpu.memory_space<vmem>>
        %dma_wait3A_75 = tpu.memref_squeeze %dma_wait3A_74 : memref<1x128xi32, #tpu.memory_space<vmem>> -> memref<128xi32, #tpu.memory_space<vmem>>
        %dma_wait3A_76 = arith.constant 0 : i32
        %dma_wait3A_77 = arith.constant 0 : i32
        %dma_wait3A_78 = tpu.memref_slice %arg13[%dma_wait3A_76, %dma_wait3A_77] : memref<50048x8xf32, #tpu.memory_space<vmem_shared>> -> memref<50048x8xf32, #tpu.memory_space<vmem_shared>>
        tpu.wait_indirect_dma semaphore(%run_scoped3A : memref<!tpu.dma_semaphore, #tpu.memory_space<semaphore_mem>>) src(%arg10 : memref<128x8xf32, #tpu.memory_space<vmem>>) dst(%dma_wait3A_78 : memref<50048x8xf32, #tpu.memory_space<vmem_shared>>)
        tpu.yield
      }) : () -> ()
    }
    %scan3A_17 = arith.constant 196 : i32
    %dma_wait3A = arith.constant 392 : i32
    %dma_wait3A_18 = arith.constant 0 : i32
    %dma_wait3A_19 = tpu.memref_slice %arg7[%dma_wait3A, %dma_wait3A_18] : memref<394x128xi32, #tpu.memory_space<vmem>> -> memref<1x128xi32, #tpu.memory_space<vmem>>
    %dma_wait3A_20 = tpu.memref_squeeze %dma_wait3A_19 : memref<1x128xi32, #tpu.memory_space<vmem>> -> memref<128xi32, #tpu.memory_space<vmem>>
    %dma_wait3A_21 = arith.constant 0 : i32
    %dma_wait3A_22 = arith.constant 0 : i32
    %dma_wait3A_23 = tpu.memref_slice %arg2[%dma_wait3A_21, %dma_wait3A_22] : memref<401408x8xf32, #tpu.memory_space<hbm>> -> memref<401408x8xf32, #tpu.memory_space<hbm>>
    tpu.wait_indirect_dma semaphore(%arg14 : memref<!tpu.dma_semaphore, #tpu.memory_space<semaphore_mem>>) src(%dma_wait3A_23 : memref<401408x8xf32, #tpu.memory_space<hbm>>) dst(%arg9 : memref<128x8xf32, #tpu.memory_space<vmem>>)
    %barrier3A_24 = arith.constant 0 : index
    tpu.barrier barrier_id(%barrier3A_24)
    %add3A = arith.constant 6 : i32
    %add3A_25 = arith.addi %add3A, %arg0 : i32
    %scan3A_26 = arith.constant 0 : i32
    %scan3A_27 = arith.constant 0 : i32
    %scan3A_28 = arith.constant 23 : i32
    %scan3A_29 = arith.addi %scan3A_27, %scan3A_28 : i32
    %scan3A_30 = arith.constant 1 : i32
    scf.for %scan3A_32 = %scan3A_27 to %scan3A_29 step %scan3A_30  : i32 {
      %mul3A_33 = arith.constant 136 : i32
      %mul3A_34 = arith.muli %scan3A_32, %mul3A_33 : i32
      %add3A_35 = arith.addi %mul3A_0, %mul3A_34 : i32
      "tpu.region"() ({
        %run_scoped3A = tpu.sem_alloc : memref<!tpu.dma_semaphore, #tpu.memory_space<semaphore_mem>>
        %dma_start3A_39 = arith.constant 0 : i32
        %dma_start3A_40 = tpu.memref_slice %arg13[%add3A_35, %dma_start3A_39] : memref<50048x8xf32, #tpu.memory_space<vmem_shared>> -> memref<136x8xf32, #tpu.memory_space<vmem_shared>>
        %dma_start3A_41 = arith.constant 0 : i32
        %dma_start3A_42 = tpu.memref_slice %arg13[%add3A_35, %dma_start3A_41] : memref<50048x8xf32, #tpu.memory_space<vmem_shared>> -> memref<136x8xf32, #tpu.memory_space<vmem_shared>>
        tpu.enqueue_dma source(%dma_start3A_42 : memref<136x8xf32, #tpu.memory_space<vmem_shared>>) target(%arg12 : memref<136x8xf32, #tpu.memory_space<vmem>>) target_semaphore(%run_scoped3A : memref<!tpu.dma_semaphore, #tpu.memory_space<semaphore_mem>>)
        %dma_wait3A_43 = arith.constant 0 : i32
        %dma_wait3A_44 = tpu.memref_slice %arg13[%add3A_35, %dma_wait3A_43] : memref<50048x8xf32, #tpu.memory_space<vmem_shared>> -> memref<136x8xf32, #tpu.memory_space<vmem_shared>>
        %dma_wait3A_45 = arith.constant 0 : i32
        %dma_wait3A_46 = tpu.memref_slice %arg13[%add3A_35, %dma_wait3A_45] : memref<50048x8xf32, #tpu.memory_space<vmem_shared>> -> memref<136x8xf32, #tpu.memory_space<vmem_shared>>
        tpu.wait_dma2 semaphore(%run_scoped3A : memref<!tpu.dma_semaphore, #tpu.memory_space<semaphore_mem>>) src(%dma_wait3A_46 : memref<136x8xf32, #tpu.memory_space<vmem_shared>>) dst(%arg12 : memref<136x8xf32, #tpu.memory_space<vmem>>)
        tpu.yield
      }) : () -> ()
      %mul3A_36 = arith.constant 136 : i32
      %mul3A_37 = arith.muli %scan3A_32, %mul3A_36 : i32
      %add3A_38 = arith.addi %mul3A_0, %mul3A_37 : i32
      "tpu.region"() ({
        %run_scoped3A = tpu.sem_alloc : memref<!tpu.dma_semaphore, #tpu.memory_space<semaphore_mem>>
        %dma_start3A_39 = arith.constant 0 : i32
        %dma_start3A_40 = tpu.memref_slice %arg6[%add3A_38, %add3A_25, %dma_start3A_39] : memref<50176x8x8xf32, #tpu.memory_space<hbm>> -> memref<136x1x8xf32, #tpu.memory_space<hbm>>
        %dma_start3A_41 = tpu.memref_squeeze %dma_start3A_40 : memref<136x1x8xf32, #tpu.memory_space<hbm>> -> memref<136x8xf32, #tpu.memory_space<hbm>>
        %dma_start3A_42 = arith.constant 0 : i32
        %dma_start3A_43 = tpu.memref_slice %arg6[%add3A_38, %add3A_25, %dma_start3A_42] : memref<50176x8x8xf32, #tpu.memory_space<hbm>> -> memref<136x1x8xf32, #tpu.memory_space<hbm>>
        %dma_start3A_44 = tpu.memref_squeeze %dma_start3A_43 : memref<136x1x8xf32, #tpu.memory_space<hbm>> -> memref<136x8xf32, #tpu.memory_space<hbm>>
        tpu.enqueue_dma source(%arg12 : memref<136x8xf32, #tpu.memory_space<vmem>>) target(%dma_start3A_44 : memref<136x8xf32, #tpu.memory_space<hbm>>) target_semaphore(%run_scoped3A : memref<!tpu.dma_semaphore, #tpu.memory_space<semaphore_mem>>)
        %dma_wait3A_45 = arith.constant 0 : i32
        %dma_wait3A_46 = tpu.memref_slice %arg6[%add3A_38, %add3A_25, %dma_wait3A_45] : memref<50176x8x8xf32, #tpu.memory_space<hbm>> -> memref<136x1x8xf32, #tpu.memory_space<hbm>>
        %dma_wait3A_47 = tpu.memref_squeeze %dma_wait3A_46 : memref<136x1x8xf32, #tpu.memory_space<hbm>> -> memref<136x8xf32, #tpu.memory_space<hbm>>
        %dma_wait3A_48 = arith.constant 0 : i32
        %dma_wait3A_49 = tpu.memref_slice %arg6[%add3A_38, %add3A_25, %dma_wait3A_48] : memref<50176x8x8xf32, #tpu.memory_space<hbm>> -> memref<136x1x8xf32, #tpu.memory_space<hbm>>
        %dma_wait3A_50 = tpu.memref_squeeze %dma_wait3A_49 : memref<136x1x8xf32, #tpu.memory_space<hbm>> -> memref<136x8xf32, #tpu.memory_space<hbm>>
        tpu.wait_dma2 semaphore(%run_scoped3A : memref<!tpu.dma_semaphore, #tpu.memory_space<semaphore_mem>>) src(%arg12 : memref<136x8xf32, #tpu.memory_space<vmem>>) dst(%dma_wait3A_50 : memref<136x8xf32, #tpu.memory_space<hbm>>)
        tpu.yield
      }) : () -> ()
    }
    %scan3A_31 = arith.constant 23 : i32
    return
  }
}

module attributes {stable_mosaic.version = 14 : i64} {
  func.func @_b1_body(%arg0: i32, %arg1: memref<512x3xf32, #tpu.memory_space<vmem>>, %arg2: memref<512x1xf32, #tpu.memory_space<vmem>>, %arg3: memref<512x1xf32, #tpu.memory_space<vmem>>, %arg4: memref<3x64xf32, #tpu.memory_space<vmem>>, %arg5: memref<512x64xf32, #tpu.memory_space<vmem>>, %arg6: memref<512x1xf32, #tpu.memory_space<vmem>>) attributes {dimension_semantics = [#tpu.dimension_semantics<arbitrary>], iteration_bounds = array<i64: 98>, scalar_prefetch = 0 : i64, scratch_operands = 0 : i64, tpu.core_type = #tpu.core_type<tc>, window_params = [{transform_indices = @transform_0, window_bounds = array<i64: 512, 3>}, {transform_indices = @transform_1, window_bounds = array<i64: 512, 1>}, {transform_indices = @transform_2, window_bounds = array<i64: 512, 1>}, {pipeline_mode = #tpu.pipeline_mode<synchronous>, transform_indices = @transform_3, window_bounds = array<i64: 3, 64>}, {transform_indices = @transform_4, window_bounds = array<i64: 512, 64>}, {transform_indices = @transform_5, window_bounds = array<i64: 512, 1>}]} {
    %get3A = arith.constant 0 : index
    %get3A_0 = arith.constant 0 : index
    %get3A_1 = vector.load %arg2[%get3A, %get3A_0] : memref<512x1xf32, #tpu.memory_space<vmem>>, vector<512x1xf32>
    %get3A_2 = arith.constant 0 : index
    %get3A_3 = arith.constant 0 : index
    %get3A_4 = vector.load %arg3[%get3A_2, %get3A_3] : memref<512x1xf32, #tpu.memory_space<vmem>>, vector<512x1xf32>
    %add3A = arith.addf %get3A_1, %get3A_4 : vector<512x1xf32>
    %add3A_5 = arith.constant 1.000000e+00 : f32
    %add3A_6 = vector.broadcast %add3A_5 : f32 to vector<512x1xf32>
    %add3A_7 = arith.addf %add3A, %add3A_6 : vector<512x1xf32>
    %rsqrt3A = math.rsqrt %add3A_7 : vector<512x1xf32>
    %get3A_8 = arith.constant 0 : index
    %get3A_9 = arith.constant 0 : index
    %get3A_10 = vector.load %arg1[%get3A_8, %get3A_9] : memref<512x3xf32, #tpu.memory_space<vmem>>, vector<512x3xf32>
    %get3A_11 = arith.constant 0 : index
    %get3A_12 = arith.constant 0 : index
    %get3A_13 = vector.load %arg4[%get3A_11, %get3A_12] : memref<3x64xf32, #tpu.memory_space<vmem>>, vector<3x64xf32>
    %dot_general3A = arith.constant dense<0.000000e+00> : vector<512x64xf32>
    %dot_general3A_14 = tpu.matmul %get3A_10, %get3A_13, %dot_general3A {dimension_numbers = #tpu.dot_dimension_numbers<[1], [0], [0], [1], [0, 0, 1, 1], [], []>, transpose_lhs_hint = false} : vector<512x3xf32>, vector<3x64xf32>, vector<512x64xf32> -> vector<512x64xf32>
    %mul3A = vector.broadcast %rsqrt3A : vector<512x1xf32> to vector<512x64xf32>
    %mul3A_15 = arith.mulf %dot_general3A_14, %mul3A : vector<512x64xf32>
    %swap3A = arith.constant 0 : index
    %swap3A_16 = arith.constant 0 : index
    %swap3A_17 = vector.load %arg5[%swap3A, %swap3A_16] : memref<512x64xf32, #tpu.memory_space<vmem>>, vector<512x64xf32>
    tpu.vector_store %arg5[%swap3A, %swap3A_16], %mul3A_15 {strides = array<i32>} : memref<512x64xf32, #tpu.memory_space<vmem>>, vector<512x64xf32>,
    %swap3A_18 = arith.constant 0 : index
    %swap3A_19 = arith.constant 0 : index
    %swap3A_20 = vector.load %arg6[%swap3A_18, %swap3A_19] : memref<512x1xf32, #tpu.memory_space<vmem>>, vector<512x1xf32>
    tpu.vector_store %arg6[%swap3A_18, %swap3A_19], %rsqrt3A {strides = array<i32>} : memref<512x1xf32, #tpu.memory_space<vmem>>, vector<512x1xf32>,
    return
  }
  func.func @transform_0(%arg0: i32) -> (i32, i32) {
    %c0_i32 = arith.constant 0 : i32
    %c0_i32_0 = arith.constant 0 : i32
    return %arg0, %c0_i32 : i32, i32
  }
  func.func @transform_1(%arg0: i32) -> (i32, i32) {
    %c0_i32 = arith.constant 0 : i32
    %c0_i32_0 = arith.constant 0 : i32
    return %arg0, %c0_i32 : i32, i32
  }
  func.func @transform_2(%arg0: i32) -> (i32, i32) {
    %c0_i32 = arith.constant 0 : i32
    %c0_i32_0 = arith.constant 0 : i32
    return %arg0, %c0_i32 : i32, i32
  }
  func.func @transform_3(%arg0: i32) -> (i32, i32) {
    %c0_i32 = arith.constant 0 : i32
    %c0_i32_0 = arith.constant 0 : i32
    %c0_i32_1 = arith.constant 0 : i32
    return %c0_i32, %c0_i32_0 : i32, i32
  }
  func.func @transform_4(%arg0: i32) -> (i32, i32) {
    %c0_i32 = arith.constant 0 : i32
    %c0_i32_0 = arith.constant 0 : i32
    return %arg0, %c0_i32 : i32, i32
  }
  func.func @transform_5(%arg0: i32) -> (i32, i32) {
    %c0_i32 = arith.constant 0 : i32
    %c0_i32_0 = arith.constant 0 : i32
    return %arg0, %c0_i32 : i32, i32
  }
}

module attributes {stable_mosaic.version = 14 : i64} {
  func.func @_d_body(%arg0: i32, %arg1: memref<512x64xf32, #tpu.memory_space<vmem>>, %arg2: memref<512x64xf32, #tpu.memory_space<vmem>>, %arg3: memref<512x64xf32, #tpu.memory_space<vmem>>, %arg4: memref<512x64xf32, #tpu.memory_space<vmem>>, %arg5: memref<512x64xf32, #tpu.memory_space<vmem>>, %arg6: memref<512x1xf32, #tpu.memory_space<vmem>>, %arg7: memref<1x64xf32, #tpu.memory_space<vmem>>, %arg8: memref<512x64xf32, #tpu.memory_space<vmem>>, %arg9: memref<2x64xf32, #tpu.memory_space<vmem>>, %arg10: memref<2x64xf32, #tpu.memory_space<vmem>>) attributes {dimension_semantics = [#tpu.dimension_semantics<arbitrary>], iteration_bounds = array<i64: 98>, scalar_prefetch = 0 : i64, scratch_operands = 1 : i64, tpu.core_type = #tpu.core_type<tc>, window_params = [{transform_indices = @transform_0, window_bounds = array<i64: 512, 64>}, {transform_indices = @transform_1, window_bounds = array<i64: 512, 64>}, {transform_indices = @transform_2, window_bounds = array<i64: 512, 64>}, {transform_indices = @transform_3, window_bounds = array<i64: 512, 64>}, {transform_indices = @transform_4, window_bounds = array<i64: 512, 64>}, {transform_indices = @transform_5, window_bounds = array<i64: 512, 1>}, {pipeline_mode = #tpu.pipeline_mode<synchronous>, transform_indices = @transform_6, window_bounds = array<i64: 1, 64>}, {transform_indices = @transform_7, window_bounds = array<i64: 512, 64>}, {pipeline_mode = #tpu.pipeline_mode<synchronous>, transform_indices = @transform_8, window_bounds = array<i64: 2, 64>}]} {
    %eq3A = arith.constant 0 : i32
    %eq3A_0 = arith.cmpi eq, %arg0, %eq3A : i32
    %convert_element_type3A = arith.extui %eq3A_0 : i1 to i32
    %cond3A = arith.constant 0 : i32
    %cond3A_1 = arith.cmpi ne, %convert_element_type3A, %cond3A : i32
    scf.if %cond3A_1 {
      %broadcast_in_dim3A_57 = arith.constant 0.000000e+00 : f32
      %broadcast_in_dim3A_58 = vector.broadcast %broadcast_in_dim3A_57 : f32 to vector<2x64xf32>
      %swap3A_59 = arith.constant 0 : index
      %swap3A_60 = arith.constant 0 : index
      %swap3A_61 = vector.load %arg10[%swap3A_59, %swap3A_60] : memref<2x64xf32, #tpu.memory_space<vmem>>, vector<2x64xf32>
      tpu.vector_store %arg10[%swap3A_59, %swap3A_60], %broadcast_in_dim3A_58 {strides = array<i32>} : memref<2x64xf32, #tpu.memory_space<vmem>>, vector<2x64xf32>,
    } else {
    }
    %get3A = arith.constant 0 : index
    %get3A_2 = arith.constant 0 : index
    %get3A_3 = vector.load %arg1[%get3A, %get3A_2] : memref<512x64xf32, #tpu.memory_space<vmem>>, vector<512x64xf32>
    %slice3A = vector.extract_strided_slice %get3A_3 {offsets = [0, 0], sizes = [512, 16], strides = [1, 1]} : vector<512x64xf32> to vector<512x16xf32>
    %get3A_4 = arith.constant 0 : index
    %get3A_5 = arith.constant 0 : index
    %get3A_6 = vector.load %arg2[%get3A_4, %get3A_5] : memref<512x64xf32, #tpu.memory_space<vmem>>, vector<512x64xf32>
    %slice3A_7 = vector.extract_strided_slice %get3A_6 {offsets = [0, 16], sizes = [512, 16], strides = [1, 1]} : vector<512x64xf32> to vector<512x16xf32>
    %get3A_8 = arith.constant 0 : index
    %get3A_9 = arith.constant 0 : index
    %get3A_10 = vector.load %arg3[%get3A_8, %get3A_9] : memref<512x64xf32, #tpu.memory_space<vmem>>, vector<512x64xf32>
    %slice3A_11 = vector.extract_strided_slice %get3A_10 {offsets = [0, 32], sizes = [512, 16], strides = [1, 1]} : vector<512x64xf32> to vector<512x16xf32>
    %get3A_12 = arith.constant 0 : index
    %get3A_13 = arith.constant 0 : index
    %get3A_14 = vector.load %arg4[%get3A_12, %get3A_13] : memref<512x64xf32, #tpu.memory_space<vmem>>, vector<512x64xf32>
    %slice3A_15 = vector.extract_strided_slice %get3A_14 {offsets = [0, 48], sizes = [512, 16], strides = [1, 1]} : vector<512x64xf32> to vector<512x16xf32>
    %concatenate3A = tpu.concatenate %slice3A, %slice3A_7, %slice3A_11, %slice3A_15 in 1 : vector<512x16xf32>, vector<512x16xf32>, vector<512x16xf32>, vector<512x16xf32> -> vector<512x64xf32>
    %get3A_16 = arith.constant 0 : index
    %get3A_17 = arith.constant 0 : index
    %get3A_18 = vector.load %arg5[%get3A_16, %get3A_17] : memref<512x64xf32, #tpu.memory_space<vmem>>, vector<512x64xf32>
    %add3A = arith.addf %concatenate3A, %get3A_18 : vector<512x64xf32>
    %get3A_19 = arith.constant 0 : index
    %get3A_20 = arith.constant 0 : index
    %get3A_21 = vector.load %arg6[%get3A_19, %get3A_20] : memref<512x1xf32, #tpu.memory_space<vmem>>, vector<512x1xf32>
    %mul3A = vector.broadcast %get3A_21 : vector<512x1xf32> to vector<512x64xf32>
    %mul3A_22 = arith.mulf %add3A, %mul3A : vector<512x64xf32>
    %get3A_23 = arith.constant 0 : index
    %get3A_24 = arith.constant 0 : index
    %get3A_25 = vector.load %arg7[%get3A_23, %get3A_24] : memref<1x64xf32, #tpu.memory_space<vmem>>, vector<1x64xf32>
    %add3A_26 = vector.broadcast %get3A_25 : vector<1x64xf32> to vector<512x64xf32>
    %add3A_27 = arith.addf %mul3A_22, %add3A_26 : vector<512x64xf32>
    %swap3A = arith.constant 0 : index
    %swap3A_28 = arith.constant 0 : index
    %swap3A_29 = vector.load %arg8[%swap3A, %swap3A_28] : memref<512x64xf32, #tpu.memory_space<vmem>>, vector<512x64xf32>
    tpu.vector_store %arg8[%swap3A, %swap3A_28], %add3A_27 {strides = array<i32>} : memref<512x64xf32, #tpu.memory_space<vmem>>, vector<512x64xf32>,
    %mul3A_30 = arith.constant 512 : i32
    %mul3A_31 = arith.muli %arg0, %mul3A_30 : i32
    %iota3A = tpu.iota {dimensions = array<i32: 0>} : vector<512x1xi32>
    %add3A_32 = vector.broadcast %mul3A_31 : i32 to vector<512x1xi32>
    %add3A_33 = arith.addi %add3A_32, %iota3A : vector<512x1xi32>
    %lt3A = arith.constant 50000 : i32
    %lt3A_34 = vector.broadcast %lt3A : i32 to vector<512x1xi32>
    %lt3A_35 = arith.cmpi slt, %add3A_33, %lt3A_34 : vector<512x1xi32>
    %jit3A = arith.constant 0.000000e+00 : f32
    %broadcast_in_dim3A = vector.shape_cast %lt3A_35 : vector<512x1xi1> to vector<512x1xi1>
    %broadcast_in_dim3A_36 = vector.broadcast %broadcast_in_dim3A : vector<512x1xi1> to vector<512x64xi1>
    %broadcast_in_dim3A_37 = vector.broadcast %jit3A : f32 to vector<512x64xf32>
    %select_n3A = arith.select %broadcast_in_dim3A_36, %add3A_27, %broadcast_in_dim3A_37 : vector<512x64xi1>, vector<512x64xf32>
    %reduce_sum3A = arith.constant dense<0.000000e+00> : vector<64xf32>
    %reduce_sum3A_38 = vector.multi_reduction <add>, %select_n3A, %reduce_sum3A [0] : vector<512x64xf32> to vector<64xf32>
    %broadcast_in_dim3A_39 = vector.shape_cast %reduce_sum3A_38 : vector<64xf32> to vector<1x64xf32>
    %mul3A_40 = arith.mulf %select_n3A, %select_n3A : vector<512x64xf32>
    %reduce_sum3A_41 = arith.constant dense<0.000000e+00> : vector<64xf32>
    %reduce_sum3A_42 = vector.multi_reduction <add>, %mul3A_40, %reduce_sum3A_41 [0] : vector<512x64xf32> to vector<64xf32>
    %broadcast_in_dim3A_43 = vector.shape_cast %reduce_sum3A_42 : vector<64xf32> to vector<1x64xf32>
    %get3A_44 = arith.constant 0 : index
    %get3A_45 = arith.constant 0 : index
    %get3A_46 = vector.load %arg10[%get3A_44, %get3A_45] : memref<2x64xf32, #tpu.memory_space<vmem>>, vector<2x64xf32>
    %concatenate3A_47 = tpu.concatenate %broadcast_in_dim3A_39, %broadcast_in_dim3A_43 in 0 : vector<1x64xf32>, vector<1x64xf32> -> vector<2x64xf32>
    %add3A_48 = arith.addf %get3A_46, %concatenate3A_47 : vector<2x64xf32>
    %swap3A_49 = arith.constant 0 : index
    %swap3A_50 = arith.constant 0 : index
    %swap3A_51 = vector.load %arg10[%swap3A_49, %swap3A_50] : memref<2x64xf32, #tpu.memory_space<vmem>>, vector<2x64xf32>
    tpu.vector_store %arg10[%swap3A_49, %swap3A_50], %add3A_48 {strides = array<i32>} : memref<2x64xf32, #tpu.memory_space<vmem>>, vector<2x64xf32>,
    %eq3A_52 = arith.constant 97 : i32
    %eq3A_53 = arith.cmpi eq, %arg0, %eq3A_52 : i32
    %convert_element_type3A_54 = arith.extui %eq3A_53 : i1 to i32
    %cond3A_55 = arith.constant 0 : i32
    %cond3A_56 = arith.cmpi ne, %convert_element_type3A_54, %cond3A_55 : i32
    scf.if %cond3A_56 {
      %get3A_57 = arith.constant 0 : index
      %get3A_58 = arith.constant 0 : index
      %get3A_59 = vector.load %arg10[%get3A_57, %get3A_58] : memref<2x64xf32, #tpu.memory_space<vmem>>, vector<2x64xf32>
      %swap3A_60 = arith.constant 0 : index
      %swap3A_61 = arith.constant 0 : index
      %swap3A_62 = vector.load %arg9[%swap3A_60, %swap3A_61] : memref<2x64xf32, #tpu.memory_space<vmem>>, vector<2x64xf32>
      tpu.vector_store %arg9[%swap3A_60, %swap3A_61], %get3A_59 {strides = array<i32>} : memref<2x64xf32, #tpu.memory_space<vmem>>, vector<2x64xf32>,
    } else {
    }
    return
  }
  func.func @transform_0(%arg0: i32) -> (i32, i32) {
    %c0_i32 = arith.constant 0 : i32
    %c0_i32_0 = arith.constant 0 : i32
    return %arg0, %c0_i32 : i32, i32
  }
  func.func @transform_1(%arg0: i32) -> (i32, i32) {
    %c0_i32 = arith.constant 0 : i32
    %c0_i32_0 = arith.constant 0 : i32
    return %arg0, %c0_i32 : i32, i32
  }
  func.func @transform_2(%arg0: i32) -> (i32, i32) {
    %c0_i32 = arith.constant 0 : i32
    %c0_i32_0 = arith.constant 0 : i32
    return %arg0, %c0_i32 : i32, i32
  }
  func.func @transform_3(%arg0: i32) -> (i32, i32) {
    %c0_i32 = arith.constant 0 : i32
    %c0_i32_0 = arith.constant 0 : i32
    return %arg0, %c0_i32 : i32, i32
  }
  func.func @transform_4(%arg0: i32) -> (i32, i32) {
    %c0_i32 = arith.constant 0 : i32
    %c0_i32_0 = arith.constant 0 : i32
    return %arg0, %c0_i32 : i32, i32
  }
  func.func @transform_5(%arg0: i32) -> (i32, i32) {
    %c0_i32 = arith.constant 0 : i32
    %c0_i32_0 = arith.constant 0 : i32
    return %arg0, %c0_i32 : i32, i32
  }
  func.func @transform_6(%arg0: i32) -> (i32, i32) {
    %c0_i32 = arith.constant 0 : i32
    %c0_i32_0 = arith.constant 0 : i32
    %c0_i32_1 = arith.constant 0 : i32
    return %c0_i32, %c0_i32_0 : i32, i32
  }
  func.func @transform_7(%arg0: i32) -> (i32, i32) {
    %c0_i32 = arith.constant 0 : i32
    %c0_i32_0 = arith.constant 0 : i32
    return %arg0, %c0_i32 : i32, i32
  }
  func.func @transform_8(%arg0: i32) -> (i32, i32) {
    %c0_i32 = arith.constant 0 : i32
    %c0_i32_0 = arith.constant 0 : i32
    %c0_i32_1 = arith.constant 0 : i32
    return %c0_i32, %c0_i32_0 : i32, i32
  }
}

module attributes {stable_mosaic.version = 14 : i64} {
  func.func @_e_body(%arg0: i32, %arg1: memref<512x64xf32, #tpu.memory_space<vmem>>, %arg2: memref<2x64xf32, #tpu.memory_space<vmem>>, %arg3: memref<1x64xf32, #tpu.memory_space<vmem>>, %arg4: memref<1x64xf32, #tpu.memory_space<vmem>>, %arg5: memref<64x64xf32, #tpu.memory_space<vmem>>, %arg6: memref<512x1xf32, #tpu.memory_space<vmem>>, %arg7: memref<512x64xf32, #tpu.memory_space<vmem>>) attributes {dimension_semantics = [#tpu.dimension_semantics<arbitrary>], iteration_bounds = array<i64: 98>, scalar_prefetch = 0 : i64, scratch_operands = 0 : i64, tpu.core_type = #tpu.core_type<tc>, window_params = [{transform_indices = @transform_0, window_bounds = array<i64: 512, 64>}, {pipeline_mode = #tpu.pipeline_mode<synchronous>, transform_indices = @transform_1, window_bounds = array<i64: 2, 64>}, {pipeline_mode = #tpu.pipeline_mode<synchronous>, transform_indices = @transform_2, window_bounds = array<i64: 1, 64>}, {pipeline_mode = #tpu.pipeline_mode<synchronous>, transform_indices = @transform_3, window_bounds = array<i64: 1, 64>}, {pipeline_mode = #tpu.pipeline_mode<synchronous>, transform_indices = @transform_4, window_bounds = array<i64: 64, 64>}, {transform_indices = @transform_5, window_bounds = array<i64: 512, 1>}, {transform_indices = @transform_6, window_bounds = array<i64: 512, 64>}]} {
    %get3A = arith.constant 0 : index
    %get3A_0 = arith.constant 0 : index
    %get3A_1 = vector.load %arg1[%get3A, %get3A_0] : memref<512x64xf32, #tpu.memory_space<vmem>>, vector<512x64xf32>
    %get3A_2 = arith.constant 0 : index
    %get3A_3 = arith.constant 0 : index
    %get3A_4 = vector.load %arg2[%get3A_2, %get3A_3] : memref<2x64xf32, #tpu.memory_space<vmem>>, vector<2x64xf32>
    %get3A_5 = arith.constant 0 : index
    %get3A_6 = arith.constant 0 : index
    %get3A_7 = vector.load %arg3[%get3A_5, %get3A_6] : memref<1x64xf32, #tpu.memory_space<vmem>>, vector<1x64xf32>
    %get3A_8 = arith.constant 0 : index
    %get3A_9 = arith.constant 0 : index
    %get3A_10 = vector.load %arg4[%get3A_8, %get3A_9] : memref<1x64xf32, #tpu.memory_space<vmem>>, vector<1x64xf32>
    %slice3A = vector.extract_strided_slice %get3A_4 {offsets = [0, 0], sizes = [1, 64], strides = [1, 1]} : vector<2x64xf32> to vector<1x64xf32>
    %mul3A = arith.constant 2.000000e-05 : f32
    %mul3A_11 = vector.broadcast %mul3A : f32 to vector<1x64xf32>
    %mul3A_12 = arith.mulf %slice3A, %mul3A_11 : vector<1x64xf32>
    %slice3A_13 = vector.extract_strided_slice %get3A_4 {offsets = [1, 0], sizes = [1, 64], strides = [1, 1]} : vector<2x64xf32> to vector<1x64xf32>
    %mul3A_14 = arith.constant 2.000000e-05 : f32
    %mul3A_15 = vector.broadcast %mul3A_14 : f32 to vector<1x64xf32>
    %mul3A_16 = arith.mulf %slice3A_13, %mul3A_15 : vector<1x64xf32>
    %mul3A_17 = arith.mulf %mul3A_12, %mul3A_12 : vector<1x64xf32>
    %sub3A = arith.subf %mul3A_16, %mul3A_17 : vector<1x64xf32>
    %sub3A_18 = vector.broadcast %mul3A_12 : vector<1x64xf32> to vector<512x64xf32>
    %sub3A_19 = arith.subf %get3A_1, %sub3A_18 : vector<512x64xf32>
    %add3A = arith.constant 9.99999974E-6 : f32
    %add3A_20 = vector.broadcast %add3A : f32 to vector<1x64xf32>
    %add3A_21 = arith.addf %sub3A, %add3A_20 : vector<1x64xf32>
    %rsqrt3A = math.rsqrt %add3A_21 : vector<1x64xf32>
    %mul3A_22 = vector.broadcast %rsqrt3A : vector<1x64xf32> to vector<512x64xf32>
    %mul3A_23 = arith.mulf %sub3A_19, %mul3A_22 : vector<512x64xf32>
    %mul3A_24 = vector.broadcast %get3A_7 : vector<1x64xf32> to vector<512x64xf32>
    %mul3A_25 = arith.mulf %mul3A_23, %mul3A_24 : vector<512x64xf32>
    %add3A_26 = vector.broadcast %get3A_10 : vector<1x64xf32> to vector<512x64xf32>
    %add3A_27 = arith.addf %mul3A_25, %add3A_26 : vector<512x64xf32>
    %max3A = arith.constant 0.000000e+00 : f32
    %max3A_28 = vector.broadcast %max3A : f32 to vector<512x64xf32>
    %max3A_29 = arith.maximumf %add3A_27, %max3A_28 : vector<512x64xf32>
    %get3A_30 = arith.constant 0 : index
    %get3A_31 = arith.constant 0 : index
    %get3A_32 = vector.load %arg5[%get3A_30, %get3A_31] : memref<64x64xf32, #tpu.memory_space<vmem>>, vector<64x64xf32>
    %dot_general3A = arith.constant dense<0.000000e+00> : vector<512x64xf32>
    %dot_general3A_33 = tpu.matmul %max3A_29, %get3A_32, %dot_general3A {dimension_numbers = #tpu.dot_dimension_numbers<[1], [0], [0], [1], [0, 0, 1, 1], [], []>, transpose_lhs_hint = false} : vector<512x64xf32>, vector<64x64xf32>, vector<512x64xf32> -> vector<512x64xf32>
    %get3A_34 = arith.constant 0 : index
    %get3A_35 = arith.constant 0 : index
    %get3A_36 = vector.load %arg6[%get3A_34, %get3A_35] : memref<512x1xf32, #tpu.memory_space<vmem>>, vector<512x1xf32>
    %mul3A_37 = vector.broadcast %get3A_36 : vector<512x1xf32> to vector<512x64xf32>
    %mul3A_38 = arith.mulf %dot_general3A_33, %mul3A_37 : vector<512x64xf32>
    %swap3A = arith.constant 0 : index
    %swap3A_39 = arith.constant 0 : index
    %swap3A_40 = vector.load %arg7[%swap3A, %swap3A_39] : memref<512x64xf32, #tpu.memory_space<vmem>>, vector<512x64xf32>
    tpu.vector_store %arg7[%swap3A, %swap3A_39], %mul3A_38 {strides = array<i32>} : memref<512x64xf32, #tpu.memory_space<vmem>>, vector<512x64xf32>,
    return
  }
  func.func @transform_0(%arg0: i32) -> (i32, i32) {
    %c0_i32 = arith.constant 0 : i32
    %c0_i32_0 = arith.constant 0 : i32
    return %arg0, %c0_i32 : i32, i32
  }
  func.func @transform_1(%arg0: i32) -> (i32, i32) {
    %c0_i32 = arith.constant 0 : i32
    %c0_i32_0 = arith.constant 0 : i32
    %c0_i32_1 = arith.constant 0 : i32
    return %c0_i32, %c0_i32_0 : i32, i32
  }
  func.func @transform_2(%arg0: i32) -> (i32, i32) {
    %c0_i32 = arith.constant 0 : i32
    %c0_i32_0 = arith.constant 0 : i32
    %c0_i32_1 = arith.constant 0 : i32
    return %c0_i32, %c0_i32_0 : i32, i32
  }
  func.func @transform_3(%arg0: i32) -> (i32, i32) {
    %c0_i32 = arith.constant 0 : i32
    %c0_i32_0 = arith.constant 0 : i32
    %c0_i32_1 = arith.constant 0 : i32
    return %c0_i32, %c0_i32_0 : i32, i32
  }
  func.func @transform_4(%arg0: i32) -> (i32, i32) {
    %c0_i32 = arith.constant 0 : i32
    %c0_i32_0 = arith.constant 0 : i32
    %c0_i32_1 = arith.constant 0 : i32
    return %c0_i32, %c0_i32_0 : i32, i32
  }
  func.func @transform_5(%arg0: i32) -> (i32, i32) {
    %c0_i32 = arith.constant 0 : i32
    %c0_i32_0 = arith.constant 0 : i32
    return %arg0, %c0_i32 : i32, i32
  }
  func.func @transform_6(%arg0: i32) -> (i32, i32) {
    %c0_i32 = arith.constant 0 : i32
    %c0_i32_0 = arith.constant 0 : i32
    return %arg0, %c0_i32 : i32, i32
  }
}

module attributes {stable_mosaic.version = 14 : i64} {
  func.func @_p_body(%arg0: i32, %arg1: memref<512x64xf32, #tpu.memory_space<vmem>>, %arg2: memref<512x1xi32, #tpu.memory_space<vmem>>, %arg3: memref<128x64xf32, #tpu.memory_space<vmem>>, %arg4: memref<1x64xf32, #tpu.memory_space<vmem>>, %arg5: memref<1x64xf32, #tpu.memory_space<vmem>>, %arg6: memref<1x64xf32, #tpu.memory_space<vmem>>, %arg7: memref<64x32xf32, #tpu.memory_space<vmem>>, %arg8: memref<1x32xf32, #tpu.memory_space<vmem>>, %arg9: memref<1x32xf32, #tpu.memory_space<vmem>>, %arg10: memref<1x32xf32, #tpu.memory_space<vmem>>, %arg11: memref<32x2xf32, #tpu.memory_space<vmem>>, %arg12: memref<1x2xf32, #tpu.memory_space<vmem>>, %arg13: memref<128x2xf32, #tpu.memory_space<vmem>>, %arg14: memref<128x64xf32, #tpu.memory_space<vmem>>, %arg15: memref<128x64xf32, #tpu.memory_space<vmem>>, %arg16: memref<128x1xf32, #tpu.memory_space<vmem>>) attributes {dimension_semantics = [#tpu.dimension_semantics<arbitrary>], iteration_bounds = array<i64: 98>, scalar_prefetch = 0 : i64, scratch_operands = 3 : i64, tpu.core_type = #tpu.core_type<tc>, window_params = [{transform_indices = @transform_0, window_bounds = array<i64: 512, 64>}, {transform_indices = @transform_1, window_bounds = array<i64: 512, 1>}, {pipeline_mode = #tpu.pipeline_mode<synchronous>, transform_indices = @transform_2, window_bounds = array<i64: 128, 64>}, {pipeline_mode = #tpu.pipeline_mode<synchronous>, transform_indices = @transform_3, window_bounds = array<i64: 1, 64>}, {pipeline_mode = #tpu.pipeline_mode<synchronous>, transform_indices = @transform_4, window_bounds = array<i64: 1, 64>}, {pipeline_mode = #tpu.pipeline_mode<synchronous>, transform_indices = @transform_5, window_bounds = array<i64: 1, 64>}, {pipeline_mode = #tpu.pipeline_mode<synchronous>, transform_indices = @transform_6, window_bounds = array<i64: 64, 32>}, {pipeline_mode = #tpu.pipeline_mode<synchronous>, transform_indices = @transform_7, window_bounds = array<i64: 1, 32>}, {pipeline_mode = #tpu.pipeline_mode<synchronous>, transform_indices = @transform_8, window_bounds = array<i64: 1, 32>}, {pipeline_mode = #tpu.pipeline_mode<synchronous>, transform_indices = @transform_9, window_bounds = array<i64: 1, 32>}, {pipeline_mode = #tpu.pipeline_mode<synchronous>, transform_indices = @transform_10, window_bounds = array<i64: 32, 2>}, {pipeline_mode = #tpu.pipeline_mode<synchronous>, transform_indices = @transform_11, window_bounds = array<i64: 1, 2>}, {pipeline_mode = #tpu.pipeline_mode<synchronous>, transform_indices = @transform_12, window_bounds = array<i64: 128, 2>}]} {
    %eq3A = arith.constant 0 : i32
    %eq3A_0 = arith.cmpi eq, %arg0, %eq3A : i32
    %convert_element_type3A = arith.extui %eq3A_0 : i1 to i32
    %cond3A = arith.constant 0 : i32
    %cond3A_1 = arith.cmpi ne, %convert_element_type3A, %cond3A : i32
    scf.if %cond3A_1 {
      %broadcast_in_dim3A = arith.constant 0.000000e+00 : f32
      %broadcast_in_dim3A_30 = vector.broadcast %broadcast_in_dim3A : f32 to vector<128x64xf32>
      %swap3A = arith.constant 0 : index
      %swap3A_31 = arith.constant 0 : index
      %swap3A_32 = vector.load %arg14[%swap3A, %swap3A_31] : memref<128x64xf32, #tpu.memory_space<vmem>>, vector<128x64xf32>
      tpu.vector_store %arg14[%swap3A, %swap3A_31], %broadcast_in_dim3A_30 {strides = array<i32>} : memref<128x64xf32, #tpu.memory_space<vmem>>, vector<128x64xf32>,
      %broadcast_in_dim3A_33 = arith.constant 0.000000e+00 : f32
      %broadcast_in_dim3A_34 = vector.broadcast %broadcast_in_dim3A_33 : f32 to vector<128x1xf32>
      %swap3A_35 = arith.constant 0 : index
      %swap3A_36 = arith.constant 0 : index
      %swap3A_37 = vector.load %arg16[%swap3A_35, %swap3A_36] : memref<128x1xf32, #tpu.memory_space<vmem>>, vector<128x1xf32>
      tpu.vector_store %arg16[%swap3A_35, %swap3A_36], %broadcast_in_dim3A_34 {strides = array<i32>} : memref<128x1xf32, #tpu.memory_space<vmem>>, vector<128x1xf32>,
      %broadcast_in_dim3A_38 = arith.constant 0xFF800000 : f32
      %broadcast_in_dim3A_39 = vector.broadcast %broadcast_in_dim3A_38 : f32 to vector<128x64xf32>
      %swap3A_40 = arith.constant 0 : index
      %swap3A_41 = arith.constant 0 : index
      %swap3A_42 = vector.load %arg15[%swap3A_40, %swap3A_41] : memref<128x64xf32, #tpu.memory_space<vmem>>, vector<128x64xf32>
      tpu.vector_store %arg15[%swap3A_40, %swap3A_41], %broadcast_in_dim3A_39 {strides = array<i32>} : memref<128x64xf32, #tpu.memory_space<vmem>>, vector<128x64xf32>,
    } else {
    }
    %get3A = arith.constant 0 : index
    %get3A_2 = arith.constant 0 : index
    %get3A_3 = vector.load %arg2[%get3A, %get3A_2] : memref<512x1xi32, #tpu.memory_space<vmem>>, vector<512x1xi32>
    %get3A_4 = arith.constant 0 : index
    %get3A_5 = arith.constant 0 : index
    %get3A_6 = vector.load %arg1[%get3A_4, %get3A_5] : memref<512x64xf32, #tpu.memory_space<vmem>>, vector<512x64xf32>
    %reduce_min3A = vector.shape_cast %get3A_3 : vector<512x1xi32> to vector<1x512x1xi32>
    %reduce_min3A_7 = arith.constant dense<2147483647> : vector<1xi32>
    %reduce_min3A_8 = vector.multi_reduction <minsi>, %reduce_min3A, %reduce_min3A_7 [1, 2] : vector<1x512x1xi32> to vector<1xi32>
    %reduce_min3A_9 = vector.shape_cast %reduce_min3A_8 : vector<1xi32> to vector<1x1x1xi32>
    %reduce_min3A_10 = vector.extract %reduce_min3A_9[0, 0, 0] : i32 from vector<1x1x1xi32>
    %reduce_max3A = vector.shape_cast %get3A_3 : vector<512x1xi32> to vector<1x512x1xi32>
    %reduce_max3A_11 = arith.constant dense<-2147483648> : vector<1xi32>
    %reduce_max3A_12 = vector.multi_reduction <maxsi>, %reduce_max3A, %reduce_max3A_11 [1, 2] : vector<1x512x1xi32> to vector<1xi32>
    %reduce_max3A_13 = vector.shape_cast %reduce_max3A_12 : vector<1xi32> to vector<1x1x1xi32>
    %reduce_max3A_14 = vector.extract %reduce_max3A_13[0, 0, 0] : i32 from vector<1x1x1xi32>
    %min3A = arith.constant 127 : i32
    %min3A_15 = arith.minsi %reduce_max3A_14, %min3A : i32
    %iota3A = tpu.iota {dimensions = array<i32: 0>} : vector<128x1xi32>
    %add3A = arith.constant 1 : i32
    %add3A_16 = arith.addi %min3A_15, %add3A : i32
    %while3A = arith.constant 0 : i32
    %while3A_17 = arith.subi %add3A_16, %reduce_min3A_10 : i32
    %while3A_18 = arith.addi %reduce_min3A_10, %while3A_17 : i32
    %while3A_19 = arith.constant 1 : i32
    %while3A_20 = arith.divsi %while3A_17, %while3A_19 : i32
    %while3A_21 = arith.muli %while3A_20, %while3A_19 : i32
    %while3A_22 = arith.addi %reduce_min3A_10, %while3A_21 : i32
    %while3A_23 = arith.constant 1 : i32
    scf.for %while3A_30 = %reduce_min3A_10 to %while3A_22 step %while3A_23  : i32 {
      %eq3A_31 = vector.broadcast %while3A_30 : i32 to vector<512x1xi32>
      %eq3A_32 = arith.cmpi eq, %get3A_3, %eq3A_31 : vector<512x1xi32>
      %jit3A = arith.constant 0.000000e+00 : f32
      %broadcast_in_dim3A = vector.shape_cast %eq3A_32 : vector<512x1xi1> to vector<512x1xi1>
      %broadcast_in_dim3A_33 = vector.broadcast %broadcast_in_dim3A : vector<512x1xi1> to vector<512x64xi1>
      %broadcast_in_dim3A_34 = vector.broadcast %jit3A : f32 to vector<512x64xf32>
      %select_n3A = arith.select %broadcast_in_dim3A_33, %get3A_6, %broadcast_in_dim3A_34 : vector<512x64xi1>, vector<512x64xf32>
      %reduce_sum3A = arith.constant dense<0.000000e+00> : vector<64xf32>
      %reduce_sum3A_35 = vector.multi_reduction <add>, %select_n3A, %reduce_sum3A [0] : vector<512x64xf32> to vector<64xf32>
      %broadcast_in_dim3A_36 = vector.shape_cast %reduce_sum3A_35 : vector<64xf32> to vector<1x64xf32>
      %jit3A_37 = arith.constant 1.000000e+00 : f32
      %jit3A_38 = arith.constant 0.000000e+00 : f32
      %broadcast_in_dim3A_39 = vector.broadcast %jit3A_37 : f32 to vector<512x1xf32>
      %broadcast_in_dim3A_40 = vector.broadcast %jit3A_38 : f32 to vector<512x1xf32>
      %select_n3A_41 = arith.select %eq3A_32, %broadcast_in_dim3A_39, %broadcast_in_dim3A_40 : vector<512x1xi1>, vector<512x1xf32>
      %reduce_sum3A_42 = vector.shape_cast %select_n3A_41 : vector<512x1xf32> to vector<1x512x1xf32>
      %reduce_sum3A_43 = arith.constant dense<0.000000e+00> : vector<1xf32>
      %reduce_sum3A_44 = vector.multi_reduction <add>, %reduce_sum3A_42, %reduce_sum3A_43 [1, 2] : vector<1x512x1xf32> to vector<1xf32>
      %reduce_sum3A_45 = vector.shape_cast %reduce_sum3A_44 : vector<1xf32> to vector<1x1x1xf32>
      %reduce_sum3A_46 = vector.extract %reduce_sum3A_45[0, 0, 0] : f32 from vector<1x1x1xf32>
      %jit3A_47 = arith.constant 0xFF800000 : f32
      %broadcast_in_dim3A_48 = vector.shape_cast %eq3A_32 : vector<512x1xi1> to vector<512x1xi1>
      %broadcast_in_dim3A_49 = vector.broadcast %broadcast_in_dim3A_48 : vector<512x1xi1> to vector<512x64xi1>
      %broadcast_in_dim3A_50 = vector.broadcast %jit3A_47 : f32 to vector<512x64xf32>
      %select_n3A_51 = arith.select %broadcast_in_dim3A_49, %get3A_6, %broadcast_in_dim3A_50 : vector<512x64xi1>, vector<512x64xf32>
      %reduce_max3A_52 = arith.constant dense<0xFF800000> : vector<64xf32>
      %reduce_max3A_53 = vector.multi_reduction <maximumf>, %select_n3A_51, %reduce_max3A_52 [0] : vector<512x64xf32> to vector<64xf32>
      %broadcast_in_dim3A_54 = vector.shape_cast %reduce_max3A_53 : vector<64xf32> to vector<1x64xf32>
      %eq3A_55 = vector.broadcast %while3A_30 : i32 to vector<128x1xi32>
      %eq3A_56 = arith.cmpi eq, %iota3A, %eq3A_55 : vector<128x1xi32>
      %jit3A_57 = arith.constant 1.000000e+00 : f32
      %jit3A_58 = arith.constant 0.000000e+00 : f32
      %broadcast_in_dim3A_59 = vector.broadcast %jit3A_57 : f32 to vector<128x1xf32>
      %broadcast_in_dim3A_60 = vector.broadcast %jit3A_58 : f32 to vector<128x1xf32>
      %select_n3A_61 = arith.select %eq3A_56, %broadcast_in_dim3A_59, %broadcast_in_dim3A_60 : vector<128x1xi1>, vector<128x1xf32>
      %get3A_62 = arith.constant 0 : index
      %get3A_63 = arith.constant 0 : index
      %get3A_64 = vector.load %arg14[%get3A_62, %get3A_63] : memref<128x64xf32, #tpu.memory_space<vmem>>, vector<128x64xf32>
      %mul3A = vector.broadcast %select_n3A_61 : vector<128x1xf32> to vector<128x64xf32>
      %mul3A_65 = vector.broadcast %broadcast_in_dim3A_36 : vector<1x64xf32> to vector<128x64xf32>
      %mul3A_66 = arith.mulf %mul3A, %mul3A_65 : vector<128x64xf32>
      %add3A_67 = arith.addf %get3A_64, %mul3A_66 : vector<128x64xf32>
      %swap3A = arith.constant 0 : index
      %swap3A_68 = arith.constant 0 : index
      %swap3A_69 = vector.load %arg14[%swap3A, %swap3A_68] : memref<128x64xf32, #tpu.memory_space<vmem>>, vector<128x64xf32>
      tpu.vector_store %arg14[%swap3A, %swap3A_68], %add3A_67 {strides = array<i32>} : memref<128x64xf32, #tpu.memory_space<vmem>>, vector<128x64xf32>,
      %get3A_70 = arith.constant 0 : index
      %get3A_71 = arith.constant 0 : index
      %get3A_72 = vector.load %arg16[%get3A_70, %get3A_71] : memref<128x1xf32, #tpu.memory_space<vmem>>, vector<128x1xf32>
      %mul3A_73 = vector.broadcast %reduce_sum3A_46 : f32 to vector<128x1xf32>
      %mul3A_74 = arith.mulf %select_n3A_61, %mul3A_73 : vector<128x1xf32>
      %add3A_75 = arith.addf %get3A_72, %mul3A_74 : vector<128x1xf32>
      %swap3A_76 = arith.constant 0 : index
      %swap3A_77 = arith.constant 0 : index
      %swap3A_78 = vector.load %arg16[%swap3A_76, %swap3A_77] : memref<128x1xf32, #tpu.memory_space<vmem>>, vector<128x1xf32>
      tpu.vector_store %arg16[%swap3A_76, %swap3A_77], %add3A_75 {strides = array<i32>} : memref<128x1xf32, #tpu.memory_space<vmem>>, vector<128x1xf32>,
      %get3A_79 = arith.constant 0 : index
      %get3A_80 = arith.constant 0 : index
      %get3A_81 = vector.load %arg15[%get3A_79, %get3A_80] : memref<128x64xf32, #tpu.memory_space<vmem>>, vector<128x64xf32>
      %max3A = vector.broadcast %broadcast_in_dim3A_54 : vector<1x64xf32> to vector<128x64xf32>
      %max3A_82 = arith.maximumf %get3A_81, %max3A : vector<128x64xf32>
      %get3A_83 = arith.constant 0 : index
      %get3A_84 = arith.constant 0 : index
      %get3A_85 = vector.load %arg15[%get3A_83, %get3A_84] : memref<128x64xf32, #tpu.memory_space<vmem>>, vector<128x64xf32>
      %broadcast_in_dim3A_86 = vector.shape_cast %eq3A_56 : vector<128x1xi1> to vector<128x1xi1>
      %broadcast_in_dim3A_87 = vector.broadcast %broadcast_in_dim3A_86 : vector<128x1xi1> to vector<128x64xi1>
      %select_n3A_88 = arith.select %broadcast_in_dim3A_87, %max3A_82, %get3A_85 : vector<128x64xi1>, vector<128x64xf32>
      %swap3A_89 = arith.constant 0 : index
      %swap3A_90 = arith.constant 0 : index
      %swap3A_91 = vector.load %arg15[%swap3A_89, %swap3A_90] : memref<128x64xf32, #tpu.memory_space<vmem>>, vector<128x64xf32>
      tpu.vector_store %arg15[%swap3A_89, %swap3A_90], %select_n3A_88 {strides = array<i32>} : memref<128x64xf32, #tpu.memory_space<vmem>>, vector<128x64xf32>,
    }
    %while3A_24 = arith.constant 1 : i32
    scf.for %while3A_30 = %while3A_22 to %while3A_18 step %while3A_24  : i32 {
      %eq3A_31 = vector.broadcast %while3A_30 : i32 to vector<512x1xi32>
      %eq3A_32 = arith.cmpi eq, %get3A_3, %eq3A_31 : vector<512x1xi32>
      %jit3A = arith.constant 0.000000e+00 : f32
      %broadcast_in_dim3A = vector.shape_cast %eq3A_32 : vector<512x1xi1> to vector<512x1xi1>
      %broadcast_in_dim3A_33 = vector.broadcast %broadcast_in_dim3A : vector<512x1xi1> to vector<512x64xi1>
      %broadcast_in_dim3A_34 = vector.broadcast %jit3A : f32 to vector<512x64xf32>
      %select_n3A = arith.select %broadcast_in_dim3A_33, %get3A_6, %broadcast_in_dim3A_34 : vector<512x64xi1>, vector<512x64xf32>
      %reduce_sum3A = arith.constant dense<0.000000e+00> : vector<64xf32>
      %reduce_sum3A_35 = vector.multi_reduction <add>, %select_n3A, %reduce_sum3A [0] : vector<512x64xf32> to vector<64xf32>
      %broadcast_in_dim3A_36 = vector.shape_cast %reduce_sum3A_35 : vector<64xf32> to vector<1x64xf32>
      %jit3A_37 = arith.constant 1.000000e+00 : f32
      %jit3A_38 = arith.constant 0.000000e+00 : f32
      %broadcast_in_dim3A_39 = vector.broadcast %jit3A_37 : f32 to vector<512x1xf32>
      %broadcast_in_dim3A_40 = vector.broadcast %jit3A_38 : f32 to vector<512x1xf32>
      %select_n3A_41 = arith.select %eq3A_32, %broadcast_in_dim3A_39, %broadcast_in_dim3A_40 : vector<512x1xi1>, vector<512x1xf32>
      %reduce_sum3A_42 = vector.shape_cast %select_n3A_41 : vector<512x1xf32> to vector<1x512x1xf32>
      %reduce_sum3A_43 = arith.constant dense<0.000000e+00> : vector<1xf32>
      %reduce_sum3A_44 = vector.multi_reduction <add>, %reduce_sum3A_42, %reduce_sum3A_43 [1, 2] : vector<1x512x1xf32> to vector<1xf32>
      %reduce_sum3A_45 = vector.shape_cast %reduce_sum3A_44 : vector<1xf32> to vector<1x1x1xf32>
      %reduce_sum3A_46 = vector.extract %reduce_sum3A_45[0, 0, 0] : f32 from vector<1x1x1xf32>
      %jit3A_47 = arith.constant 0xFF800000 : f32
      %broadcast_in_dim3A_48 = vector.shape_cast %eq3A_32 : vector<512x1xi1> to vector<512x1xi1>
      %broadcast_in_dim3A_49 = vector.broadcast %broadcast_in_dim3A_48 : vector<512x1xi1> to vector<512x64xi1>
      %broadcast_in_dim3A_50 = vector.broadcast %jit3A_47 : f32 to vector<512x64xf32>
      %select_n3A_51 = arith.select %broadcast_in_dim3A_49, %get3A_6, %broadcast_in_dim3A_50 : vector<512x64xi1>, vector<512x64xf32>
      %reduce_max3A_52 = arith.constant dense<0xFF800000> : vector<64xf32>
      %reduce_max3A_53 = vector.multi_reduction <maximumf>, %select_n3A_51, %reduce_max3A_52 [0] : vector<512x64xf32> to vector<64xf32>
      %broadcast_in_dim3A_54 = vector.shape_cast %reduce_max3A_53 : vector<64xf32> to vector<1x64xf32>
      %eq3A_55 = vector.broadcast %while3A_30 : i32 to vector<128x1xi32>
      %eq3A_56 = arith.cmpi eq, %iota3A, %eq3A_55 : vector<128x1xi32>
      %jit3A_57 = arith.constant 1.000000e+00 : f32
      %jit3A_58 = arith.constant 0.000000e+00 : f32
      %broadcast_in_dim3A_59 = vector.broadcast %jit3A_57 : f32 to vector<128x1xf32>
      %broadcast_in_dim3A_60 = vector.broadcast %jit3A_58 : f32 to vector<128x1xf32>
      %select_n3A_61 = arith.select %eq3A_56, %broadcast_in_dim3A_59, %broadcast_in_dim3A_60 : vector<128x1xi1>, vector<128x1xf32>
      %get3A_62 = arith.constant 0 : index
      %get3A_63 = arith.constant 0 : index
      %get3A_64 = vector.load %arg14[%get3A_62, %get3A_63] : memref<128x64xf32, #tpu.memory_space<vmem>>, vector<128x64xf32>
      %mul3A = vector.broadcast %select_n3A_61 : vector<128x1xf32> to vector<128x64xf32>
      %mul3A_65 = vector.broadcast %broadcast_in_dim3A_36 : vector<1x64xf32> to vector<128x64xf32>
      %mul3A_66 = arith.mulf %mul3A, %mul3A_65 : vector<128x64xf32>
      %add3A_67 = arith.addf %get3A_64, %mul3A_66 : vector<128x64xf32>
      %swap3A = arith.constant 0 : index
      %swap3A_68 = arith.constant 0 : index
      %swap3A_69 = vector.load %arg14[%swap3A, %swap3A_68] : memref<128x64xf32, #tpu.memory_space<vmem>>, vector<128x64xf32>
      tpu.vector_store %arg14[%swap3A, %swap3A_68], %add3A_67 {strides = array<i32>} : memref<128x64xf32, #tpu.memory_space<vmem>>, vector<128x64xf32>,
      %get3A_70 = arith.constant 0 : index
      %get3A_71 = arith.constant 0 : index
      %get3A_72 = vector.load %arg16[%get3A_70, %get3A_71] : memref<128x1xf32, #tpu.memory_space<vmem>>, vector<128x1xf32>
      %mul3A_73 = vector.broadcast %reduce_sum3A_46 : f32 to vector<128x1xf32>
      %mul3A_74 = arith.mulf %select_n3A_61, %mul3A_73 : vector<128x1xf32>
      %add3A_75 = arith.addf %get3A_72, %mul3A_74 : vector<128x1xf32>
      %swap3A_76 = arith.constant 0 : index
      %swap3A_77 = arith.constant 0 : index
      %swap3A_78 = vector.load %arg16[%swap3A_76, %swap3A_77] : memref<128x1xf32, #tpu.memory_space<vmem>>, vector<128x1xf32>
      tpu.vector_store %arg16[%swap3A_76, %swap3A_77], %add3A_75 {strides = array<i32>} : memref<128x1xf32, #tpu.memory_space<vmem>>, vector<128x1xf32>,
      %get3A_79 = arith.constant 0 : index
      %get3A_80 = arith.constant 0 : index
      %get3A_81 = vector.load %arg15[%get3A_79, %get3A_80] : memref<128x64xf32, #tpu.memory_space<vmem>>, vector<128x64xf32>
      %max3A = vector.broadcast %broadcast_in_dim3A_54 : vector<1x64xf32> to vector<128x64xf32>
      %max3A_82 = arith.maximumf %get3A_81, %max3A : vector<128x64xf32>
      %get3A_83 = arith.constant 0 : index
      %get3A_84 = arith.constant 0 : index
      %get3A_85 = vector.load %arg15[%get3A_83, %get3A_84] : memref<128x64xf32, #tpu.memory_space<vmem>>, vector<128x64xf32>
      %broadcast_in_dim3A_86 = vector.shape_cast %eq3A_56 : vector<128x1xi1> to vector<128x1xi1>
      %broadcast_in_dim3A_87 = vector.broadcast %broadcast_in_dim3A_86 : vector<128x1xi1> to vector<128x64xi1>
      %select_n3A_88 = arith.select %broadcast_in_dim3A_87, %max3A_82, %get3A_85 : vector<128x64xi1>, vector<128x64xf32>
      %swap3A_89 = arith.constant 0 : index
      %swap3A_90 = arith.constant 0 : index
      %swap3A_91 = vector.load %arg15[%swap3A_89, %swap3A_90] : memref<128x64xf32, #tpu.memory_space<vmem>>, vector<128x64xf32>
      tpu.vector_store %arg15[%swap3A_89, %swap3A_90], %select_n3A_88 {strides = array<i32>} : memref<128x64xf32, #tpu.memory_space<vmem>>, vector<128x64xf32>,
    }
    %eq3A_25 = arith.constant 97 : i32
    %eq3A_26 = arith.cmpi eq, %arg0, %eq3A_25 : i32
    %convert_element_type3A_27 = arith.extui %eq3A_26 : i1 to i32
    %cond3A_28 = arith.constant 0 : i32
    %cond3A_29 = arith.cmpi ne, %convert_element_type3A_27, %cond3A_28 : i32
    scf.if %cond3A_29 {
      %get3A_30 = arith.constant 0 : index
      %get3A_31 = arith.constant 0 : index
      %get3A_32 = vector.load %arg14[%get3A_30, %get3A_31] : memref<128x64xf32, #tpu.memory_space<vmem>>, vector<128x64xf32>
      %get3A_33 = arith.constant 0 : index
      %get3A_34 = arith.constant 0 : index
      %get3A_35 = vector.load %arg16[%get3A_33, %get3A_34] : memref<128x1xf32, #tpu.memory_space<vmem>>, vector<128x1xf32>
      %max3A = arith.constant 1.000000e+00 : f32
      %max3A_36 = vector.broadcast %max3A : f32 to vector<128x1xf32>
      %max3A_37 = arith.maximumf %get3A_35, %max3A_36 : vector<128x1xf32>
      %div3A = vector.broadcast %max3A_37 : vector<128x1xf32> to vector<128x64xf32>
      %div3A_38 = arith.divf %get3A_32, %div3A : vector<128x64xf32>
      %get3A_39 = arith.constant 0 : index
      %get3A_40 = arith.constant 0 : index
      %get3A_41 = vector.load %arg15[%get3A_39, %get3A_40] : memref<128x64xf32, #tpu.memory_space<vmem>>, vector<128x64xf32>
      %concatenate3A = tpu.concatenate %div3A_38, %get3A_41 in 1 : vector<128x64xf32>, vector<128x64xf32> -> vector<128x128xf32>
      %get3A_42 = arith.constant 0 : index
      %get3A_43 = arith.constant 0 : index
      %get3A_44 = vector.load %arg3[%get3A_42, %get3A_43] : memref<128x64xf32, #tpu.memory_space<vmem>>, vector<128x64xf32>
      %dot_general3A = arith.constant dense<0.000000e+00> : vector<128x64xf32>
      %dot_general3A_45 = tpu.matmul %concatenate3A, %get3A_44, %dot_general3A {dimension_numbers = #tpu.dot_dimension_numbers<[1], [0], [0], [1], [0, 0, 1, 1], [], []>, transpose_lhs_hint = false} : vector<128x128xf32>, vector<128x64xf32>, vector<128x64xf32> -> vector<128x64xf32>
      %get3A_46 = arith.constant 0 : index
      %get3A_47 = arith.constant 0 : index
      %get3A_48 = vector.load %arg4[%get3A_46, %get3A_47] : memref<1x64xf32, #tpu.memory_space<vmem>>, vector<1x64xf32>
      %add3A_49 = vector.broadcast %get3A_48 : vector<1x64xf32> to vector<128x64xf32>
      %add3A_50 = arith.addf %dot_general3A_45, %add3A_49 : vector<128x64xf32>
      %get3A_51 = arith.constant 0 : index
      %get3A_52 = arith.constant 0 : index
      %get3A_53 = vector.load %arg5[%get3A_51, %get3A_52] : memref<1x64xf32, #tpu.memory_space<vmem>>, vector<1x64xf32>
      %get3A_54 = arith.constant 0 : index
      %get3A_55 = arith.constant 0 : index
      %get3A_56 = vector.load %arg6[%get3A_54, %get3A_55] : memref<1x64xf32, #tpu.memory_space<vmem>>, vector<1x64xf32>
      %reduce_sum3A = arith.constant dense<0.000000e+00> : vector<64xf32>
      %reduce_sum3A_57 = vector.multi_reduction <add>, %add3A_50, %reduce_sum3A [0] : vector<128x64xf32> to vector<64xf32>
      %broadcast_in_dim3A = vector.shape_cast %reduce_sum3A_57 : vector<64xf32> to vector<1x64xf32>
      %div3A_58 = arith.constant 1.280000e+02 : f32
      %div3A_59 = vector.broadcast %div3A_58 : f32 to vector<1x64xf32>
      %div3A_60 = arith.divf %broadcast_in_dim3A, %div3A_59 : vector<1x64xf32>
      %mul3A = arith.mulf %add3A_50, %add3A_50 : vector<128x64xf32>
      %reduce_sum3A_61 = arith.constant dense<0.000000e+00> : vector<64xf32>
      %reduce_sum3A_62 = vector.multi_reduction <add>, %mul3A, %reduce_sum3A_61 [0] : vector<128x64xf32> to vector<64xf32>
      %broadcast_in_dim3A_63 = vector.shape_cast %reduce_sum3A_62 : vector<64xf32> to vector<1x64xf32>
      %div3A_64 = arith.constant 1.280000e+02 : f32
      %div3A_65 = vector.broadcast %div3A_64 : f32 to vector<1x64xf32>
      %div3A_66 = arith.divf %broadcast_in_dim3A_63, %div3A_65 : vector<1x64xf32>
      %mul3A_67 = arith.mulf %div3A_60, %div3A_60 : vector<1x64xf32>
      %sub3A = arith.subf %div3A_66, %mul3A_67 : vector<1x64xf32>
      %sub3A_68 = vector.broadcast %div3A_60 : vector<1x64xf32> to vector<128x64xf32>
      %sub3A_69 = arith.subf %add3A_50, %sub3A_68 : vector<128x64xf32>
      %add3A_70 = arith.constant 9.99999974E-6 : f32
      %add3A_71 = vector.broadcast %add3A_70 : f32 to vector<1x64xf32>
      %add3A_72 = arith.addf %sub3A, %add3A_71 : vector<1x64xf32>
      %rsqrt3A = math.rsqrt %add3A_72 : vector<1x64xf32>
      %mul3A_73 = vector.broadcast %rsqrt3A : vector<1x64xf32> to vector<128x64xf32>
      %mul3A_74 = arith.mulf %sub3A_69, %mul3A_73 : vector<128x64xf32>
      %mul3A_75 = vector.broadcast %get3A_53 : vector<1x64xf32> to vector<128x64xf32>
      %mul3A_76 = arith.mulf %mul3A_74, %mul3A_75 : vector<128x64xf32>
      %add3A_77 = vector.broadcast %get3A_56 : vector<1x64xf32> to vector<128x64xf32>
      %add3A_78 = arith.addf %mul3A_76, %add3A_77 : vector<128x64xf32>
      %max3A_79 = arith.constant 0.000000e+00 : f32
      %max3A_80 = vector.broadcast %max3A_79 : f32 to vector<128x64xf32>
      %max3A_81 = arith.maximumf %add3A_78, %max3A_80 : vector<128x64xf32>
      %get3A_82 = arith.constant 0 : index
      %get3A_83 = arith.constant 0 : index
      %get3A_84 = vector.load %arg7[%get3A_82, %get3A_83] : memref<64x32xf32, #tpu.memory_space<vmem>>, vector<64x32xf32>
      %dot_general3A_85 = arith.constant dense<0.000000e+00> : vector<128x32xf32>
      %dot_general3A_86 = tpu.matmul %max3A_81, %get3A_84, %dot_general3A_85 {dimension_numbers = #tpu.dot_dimension_numbers<[1], [0], [0], [1], [0, 0, 1, 1], [], []>, transpose_lhs_hint = false} : vector<128x64xf32>, vector<64x32xf32>, vector<128x32xf32> -> vector<128x32xf32>
      %get3A_87 = arith.constant 0 : index
      %get3A_88 = arith.constant 0 : index
      %get3A_89 = vector.load %arg8[%get3A_87, %get3A_88] : memref<1x32xf32, #tpu.memory_space<vmem>>, vector<1x32xf32>
      %add3A_90 = vector.broadcast %get3A_89 : vector<1x32xf32> to vector<128x32xf32>
      %add3A_91 = arith.addf %dot_general3A_86, %add3A_90 : vector<128x32xf32>
      %get3A_92 = arith.constant 0 : index
      %get3A_93 = arith.constant 0 : index
      %get3A_94 = vector.load %arg9[%get3A_92, %get3A_93] : memref<1x32xf32, #tpu.memory_space<vmem>>, vector<1x32xf32>
      %get3A_95 = arith.constant 0 : index
      %get3A_96 = arith.constant 0 : index
      %get3A_97 = vector.load %arg10[%get3A_95, %get3A_96] : memref<1x32xf32, #tpu.memory_space<vmem>>, vector<1x32xf32>
      %reduce_sum3A_98 = arith.constant dense<0.000000e+00> : vector<32xf32>
      %reduce_sum3A_99 = vector.multi_reduction <add>, %add3A_91, %reduce_sum3A_98 [0] : vector<128x32xf32> to vector<32xf32>
      %broadcast_in_dim3A_100 = vector.shape_cast %reduce_sum3A_99 : vector<32xf32> to vector<1x32xf32>
      %div3A_101 = arith.constant 1.280000e+02 : f32
      %div3A_102 = vector.broadcast %div3A_101 : f32 to vector<1x32xf32>
      %div3A_103 = arith.divf %broadcast_in_dim3A_100, %div3A_102 : vector<1x32xf32>
      %mul3A_104 = arith.mulf %add3A_91, %add3A_91 : vector<128x32xf32>
      %reduce_sum3A_105 = arith.constant dense<0.000000e+00> : vector<32xf32>
      %reduce_sum3A_106 = vector.multi_reduction <add>, %mul3A_104, %reduce_sum3A_105 [0] : vector<128x32xf32> to vector<32xf32>
      %broadcast_in_dim3A_107 = vector.shape_cast %reduce_sum3A_106 : vector<32xf32> to vector<1x32xf32>
      %div3A_108 = arith.constant 1.280000e+02 : f32
      %div3A_109 = vector.broadcast %div3A_108 : f32 to vector<1x32xf32>
      %div3A_110 = arith.divf %broadcast_in_dim3A_107, %div3A_109 : vector<1x32xf32>
      %mul3A_111 = arith.mulf %div3A_103, %div3A_103 : vector<1x32xf32>
      %sub3A_112 = arith.subf %div3A_110, %mul3A_111 : vector<1x32xf32>
      %sub3A_113 = vector.broadcast %div3A_103 : vector<1x32xf32> to vector<128x32xf32>
      %sub3A_114 = arith.subf %add3A_91, %sub3A_113 : vector<128x32xf32>
      %add3A_115 = arith.constant 9.99999974E-6 : f32
      %add3A_116 = vector.broadcast %add3A_115 : f32 to vector<1x32xf32>
      %add3A_117 = arith.addf %sub3A_112, %add3A_116 : vector<1x32xf32>
      %rsqrt3A_118 = math.rsqrt %add3A_117 : vector<1x32xf32>
      %mul3A_119 = vector.broadcast %rsqrt3A_118 : vector<1x32xf32> to vector<128x32xf32>
      %mul3A_120 = arith.mulf %sub3A_114, %mul3A_119 : vector<128x32xf32>
      %mul3A_121 = vector.broadcast %get3A_94 : vector<1x32xf32> to vector<128x32xf32>
      %mul3A_122 = arith.mulf %mul3A_120, %mul3A_121 : vector<128x32xf32>
      %add3A_123 = vector.broadcast %get3A_97 : vector<1x32xf32> to vector<128x32xf32>
      %add3A_124 = arith.addf %mul3A_122, %add3A_123 : vector<128x32xf32>
      %max3A_125 = arith.constant 0.000000e+00 : f32
      %max3A_126 = vector.broadcast %max3A_125 : f32 to vector<128x32xf32>
      %max3A_127 = arith.maximumf %add3A_124, %max3A_126 : vector<128x32xf32>
      %get3A_128 = arith.constant 0 : index
      %get3A_129 = arith.constant 0 : index
      %get3A_130 = vector.load %arg11[%get3A_128, %get3A_129] : memref<32x2xf32, #tpu.memory_space<vmem>>, vector<32x2xf32>
      %dot_general3A_131 = arith.constant dense<0.000000e+00> : vector<128x2xf32>
      %dot_general3A_132 = tpu.matmul %max3A_127, %get3A_130, %dot_general3A_131 {dimension_numbers = #tpu.dot_dimension_numbers<[1], [0], [0], [1], [0, 0, 1, 1], [], []>, transpose_lhs_hint = false} : vector<128x32xf32>, vector<32x2xf32>, vector<128x2xf32> -> vector<128x2xf32>
      %get3A_133 = arith.constant 0 : index
      %get3A_134 = arith.constant 0 : index
      %get3A_135 = vector.load %arg12[%get3A_133, %get3A_134] : memref<1x2xf32, #tpu.memory_space<vmem>>, vector<1x2xf32>
      %add3A_136 = vector.broadcast %get3A_135 : vector<1x2xf32> to vector<128x2xf32>
      %add3A_137 = arith.addf %dot_general3A_132, %add3A_136 : vector<128x2xf32>
      %swap3A = arith.constant 0 : index
      %swap3A_138 = arith.constant 0 : index
      %swap3A_139 = vector.load %arg13[%swap3A, %swap3A_138] : memref<128x2xf32, #tpu.memory_space<vmem>>, vector<128x2xf32>
      tpu.vector_store %arg13[%swap3A, %swap3A_138], %add3A_137 {strides = array<i32>} : memref<128x2xf32, #tpu.memory_space<vmem>>, vector<128x2xf32>,
    } else {
    }
    return
  }
  func.func @transform_0(%arg0: i32) -> (i32, i32) {
    %c0_i32 = arith.constant 0 : i32
    %c0_i32_0 = arith.constant 0 : i32
    return %arg0, %c0_i32 : i32, i32
  }
  func.func @transform_1(%arg0: i32) -> (i32, i32) {
    %c0_i32 = arith.constant 0 : i32
    %c0_i32_0 = arith.constant 0 : i32
    return %arg0, %c0_i32 : i32, i32
  }
  func.func @transform_2(%arg0: i32) -> (i32, i32) {
    %c0_i32 = arith.constant 0 : i32
    %c0_i32_0 = arith.constant 0 : i32
    %c0_i32_1 = arith.constant 0 : i32
    return %c0_i32, %c0_i32_0 : i32, i32
  }
  func.func @transform_3(%arg0: i32) -> (i32, i32) {
    %c0_i32 = arith.constant 0 : i32
    %c0_i32_0 = arith.constant 0 : i32
    %c0_i32_1 = arith.constant 0 : i32
    return %c0_i32, %c0_i32_0 : i32, i32
  }
  func.func @transform_4(%arg0: i32) -> (i32, i32) {
    %c0_i32 = arith.constant 0 : i32
    %c0_i32_0 = arith.constant 0 : i32
    %c0_i32_1 = arith.constant 0 : i32
    return %c0_i32, %c0_i32_0 : i32, i32
  }
  func.func @transform_5(%arg0: i32) -> (i32, i32) {
    %c0_i32 = arith.constant 0 : i32
    %c0_i32_0 = arith.constant 0 : i32
    %c0_i32_1 = arith.constant 0 : i32
    return %c0_i32, %c0_i32_0 : i32, i32
  }
  func.func @transform_6(%arg0: i32) -> (i32, i32) {
    %c0_i32 = arith.constant 0 : i32
    %c0_i32_0 = arith.constant 0 : i32
    %c0_i32_1 = arith.constant 0 : i32
    return %c0_i32, %c0_i32_0 : i32, i32
  }
  func.func @transform_7(%arg0: i32) -> (i32, i32) {
    %c0_i32 = arith.constant 0 : i32
    %c0_i32_0 = arith.constant 0 : i32
    %c0_i32_1 = arith.constant 0 : i32
    return %c0_i32, %c0_i32_0 : i32, i32
  }
  func.func @transform_8(%arg0: i32) -> (i32, i32) {
    %c0_i32 = arith.constant 0 : i32
    %c0_i32_0 = arith.constant 0 : i32
    %c0_i32_1 = arith.constant 0 : i32
    return %c0_i32, %c0_i32_0 : i32, i32
  }
  func.func @transform_9(%arg0: i32) -> (i32, i32) {
    %c0_i32 = arith.constant 0 : i32
    %c0_i32_0 = arith.constant 0 : i32
    %c0_i32_1 = arith.constant 0 : i32
    return %c0_i32, %c0_i32_0 : i32, i32
  }
  func.func @transform_10(%arg0: i32) -> (i32, i32) {
    %c0_i32 = arith.constant 0 : i32
    %c0_i32_0 = arith.constant 0 : i32
    %c0_i32_1 = arith.constant 0 : i32
    return %c0_i32, %c0_i32_0 : i32, i32
  }
  func.func @transform_11(%arg0: i32) -> (i32, i32) {
    %c0_i32 = arith.constant 0 : i32
    %c0_i32_0 = arith.constant 0 : i32
    %c0_i32_1 = arith.constant 0 : i32
    return %c0_i32, %c0_i32_0 : i32, i32
  }
  func.func @transform_12(%arg0: i32) -> (i32, i32) {
    %c0_i32 = arith.constant 0 : i32
    %c0_i32_0 = arith.constant 0 : i32
    %c0_i32_1 = arith.constant 0 : i32
    return %c0_i32, %c0_i32_0 : i32, i32
  }
}

</mosaic_0001>

<sc_bundles>
// kernel: body.26.cloned.1.call-start
scs
__scs_entry_jumppad:
0x0: {  	(pc) =	sbr.rel $0x88, $3  }
0x1: {  	(tag) =	ssettag $0x0;
	lr =	simm.s32 $0x1  }
0x2: {  	[smem:$0x3F88] =	sst lr;
	_ =	strace $0xD0000000  }
0x3: {  	_ = 	snop  }
0x4: {  	_ = 	snop  }
0x5: {  	_ = 	snop  }
0x6: {  	_ = 	snop  }
0x7: {  	_ = 	snop  }
__scs_overlays_trampoline_lowered:
0x8: {  	[smem:$0x3F97] =	sst s0  }
0x9: {  	[smem:$0x3F98] =	sst s1  }
0xa: {  	[smem:$0x3F99] =	sst s2  }
0xb: {  	[smem:$0x3F9A] =	sst s3  }
0xc: {  	[smem:$0x3F9B] =	sst s4  }
0xd: {  	[smem:$0x3F9C] =	sst s5  }
0xe: {  	[smem:$0x3F9D] =	sst s6  }
0xf: {  	[smem:$0x3F9E] =	sst s7  }
0x10: {  	[smem:$0x3F9F] =	sst s8  }
0x11: {  	[smem:$0x3FA0] =	sst s9;
	s0 =	simm.s32 @!p0 $0x0  }
0x12: {  	s1 =	sld [smem:$0x3F86];
	s0 =	simm.s32 @p0 $0x1  }
0x13: {  	[smem:$0x3FA1] =	sst s0;
	s0 =	simm.s32 @!p1 $0x0  }
0x14: {  	s2 =	sld [smem:$0x3F85];
	s0 =	simm.s32 @p1 $0x1  }
0x15: {  	[smem:$0x3FA2] =	sst s0;
	s0 =	simm.s32 @!p2 $0x0  }
0x16: {  	s3 =	sld [smem:$0x3FDB];
	s0 =	simm.s32 @p2 $0x1  }
0x17: {  	s4 =	simm.s32 $0x1BF5;
	[smem:$0x3FA4] =	sst s0  }
0x18: {  	s0 =	sld [smem:$0x3F87];
	_ =	swait.ge [sflag:s4], $0x0  }
0x19: {  	s7 =	sld [smem:$0x3F88]  }
0x1a: {  	s8 =	sadd.s32 $0xFFFFE003, lr  }
0x1b: {  	s9 =	sadd.s32 $0xFFFFFEF7, lr;
	s5 =	simm.s32 $0xFFFFFFFF;
	p2 =	slt.u32 s8, $0xFFFFF086  }
0x1c: {  	p1 =	slt.u32 s9, $0xF7A;
	s5 =	simm.s32 @!p2 $0x0  }
0x1d: {  	s5 =	simm.s32 @p1 $0x1;
	p0 =	seq.s32 s7, s2  }
0x1e: {  	s7 =	smul.u32 @!p0 $0xF7A, s2;
	p2 =	seq.s32 @!p0 s5, $0x0  }
0x1f: {  	s9 =	smul.u32 $0xF7A, s1;
	s8 =	simm.s32 @!p0 $0x1BF5;
	p2 =	por !p2, p0  }
0x20: {  	[sflag:s8] =	ssyncset.s32 @!p0 $0xFFFFF086;
	s6 =	sadd.s32 @!p0 s3, s7;
	s7 =	simm.s32 @!p0 $0x108  }
0x21: {  	s3 =	sadd.s32 s3, s9;
	s6 =	sadd.s32 @!p0 $0x88, s6;
	s7 =	simm.s32 @p2 $0x1082  }
0x22: {  	[simem:s7], [sflag:s8] =	dma.local @!p0 [hbm:s6], $0xF7A  }
0x23: {  	s9 =	sor.u32 $0xD0000000, s2;
	s6 =	simm.s32 $0x108;
	_ =	swait.ge @!p0 [sflag:s8], $0x0  }
0x24: {  	s3 =	sadd.s32 $0x88, s3;
	s6 =	simm.s32 @!p1 $0x1082;
	[sflag:s4] =	ssyncset.s32 $0xFFFFF086  }
0x25: {  	[simem:s6], [sflag:s4] =	dma.local [hbm:s3], $0xF7A  }
0x26: {  	[smem:$0x3F88] =	sst s1;
	(tag) =	ssettag s2;
	_ =	strace s9  }
0x27: {  	s1 =	sld [smem:$0x3F98]  }
0x28: {  	s2 =	sld [smem:$0x3F99]  }
0x29: {  	s4 =	sld [smem:$0x3F9B]  }
0x2a: {  	p0 =	seq.s32 s5, $0x0;
	s5 =	sld [smem:$0x3F9C]  }
0x2b: {  	s6 =	sld [smem:$0x3F9D]  }
0x2c: {  	s7 =	sld [smem:$0x3F9E]  }
0x2d: {  	s3 =	simm.s32 $0x108;
	s8 =	sld [smem:$0x3F9F]  }
0x2e: {  	s3 =	simm.s32 @!p0 $0x1082;
	s9 =	sld [smem:$0x3FA0]  }
0x2f: {  	lr =	sadd.s32 s0, s3;
	s0 =	sld [smem:$0x3F97]  }
0x30: {  	s3 =	sld [smem:$0x3F9A]  }
0x31: {  	[smem:$0x3FA3] =	sst s10  }
0x32: {  	s10 =	sld [smem:$0x3FA1];
	_ =	sdelay $0x3  }
0x33: {  	p0 =	seq.s32 s10, $0x1;
	s10 =	sld [smem:$0x3FA3];
	_ =	sdelay $0x3  }
0x34: {  	[smem:$0x3FA3] =	sst s10  }
0x35: {  	s10 =	sld [smem:$0x3FA2];
	_ =	sdelay $0x3  }
0x36: {  	p1 =	seq.s32 s10, $0x1;
	s10 =	sld [smem:$0x3FA3];
	_ =	sdelay $0x3  }
0x37: {  	[smem:$0x3FA3] =	sst s10  }
0x38: {  	s10 =	sld [smem:$0x3FA4]  }
0x39: {  	_ = 	snop;
	(pc) =	sbr.ind lr, $3  }
0x3a: {  	_ = 	snop  }
0x3b: {  	_ = 	snop  }
0x3c: {  	p2 =	seq.s32 s10, $0x1;
	s10 =	sld [smem:$0x3FA3]  }
0x3d: {  	_ =	shalt  }
0x3e: {  	_ =	shalt  }
0x3f: {  	_ =	shalt  }
0x40: {  	_ =	shalt  }
0x41: {  	_ =	shalt  }
0x42: {  	_ =	shalt  }
0x43: {  	_ =	shalt  }
0x44: {  	_ =	shalt  }
0x45: {  	_ =	shalt  }
0x46: {  	_ =	shalt  }
0x47: {  	_ =	shalt  }
0x48: {  	_ =	shalt  }
0x49: {  	_ =	shalt  }
0x4a: {  	_ =	shalt  }
0x4b: {  	_ =	shalt  }
0x4c: {  	_ =	shalt  }
0x4d: {  	_ =	shalt  }
0x4e: {  	_ =	shalt  }
0x4f: {  	_ =	shalt  }
0x50: {  	_ =	shalt  }
0x51: {  	_ =	shalt  }
0x52: {  	_ =	shalt  }
0x53: {  	_ =	shalt  }
0x54: {  	_ =	shalt  }
0x55: {  	_ =	shalt  }
0x56: {  	_ =	shalt  }
0x57: {  	_ =	shalt  }
0x58: {  	_ =	shalt  }
0x59: {  	_ =	shalt  }
0x5a: {  	_ =	shalt  }
0x5b: {  	_ =	shalt  }
0x5c: {  	_ =	shalt  }
0x5d: {  	_ =	shalt  }
0x5e: {  	_ =	shalt  }
0x5f: {  	_ =	shalt  }
0x60: {  	_ =	shalt  }
0x61: {  	_ =	shalt  }
0x62: {  	_ =	shalt  }
0x63: {  	_ =	shalt  }
0x64: {  	_ =	shalt  }
0x65: {  	_ =	shalt  }
0x66: {  	_ =	shalt  }
0x67: {  	_ =	shalt  }
0x68: {  	_ =	shalt  }
0x69: {  	_ =	shalt  }
0x6a: {  	_ =	shalt  }
0x6b: {  	_ =	shalt  }
0x6c: {  	_ =	shalt  }
0x6d: {  	_ =	shalt  }
0x6e: {  	_ =	shalt  }
0x6f: {  	_ =	shalt  }
0x70: {  	_ =	shalt  }
0x71: {  	_ =	shalt  }
0x72: {  	_ =	shalt  }
0x73: {  	_ =	shalt  }
0x74: {  	_ =	shalt  }
0x75: {  	_ =	shalt  }
0x76: {  	_ =	shalt  }
0x77: {  	_ =	shalt  }
0x78: {  	_ =	shalt  }
0x79: {  	_ =	shalt  }
0x7a: {  	_ =	shalt  }
0x7b: {  	_ =	shalt  }
0x7c: {  	_ =	shalt  }
0x7d: {  	_ =	shalt  }
0x7e: {  	_ =	shalt  }
0x7f: {  	_ =	shalt  }
0x80: {  	_ =	shalt  }
0x81: {  	_ =	shalt  }
0x82: {  	_ =	shalt  }
0x83: {  	_ =	shalt  }
0x84: {  	_ =	shalt  }
0x85: {  	_ =	shalt  }
0x86: {  	_ =	shalt  }
0x87: {  	_ =	shalt  }
.Lfunc_end0:
.L_simem_size_0:
called_computation_lowered:
.L_overlay_start_0:
0x88: {  	s2 =	sld [smem:$0x3FD9]  }
0x89: {  	s3 =	sld [smem:$0x3FFE];
	_ =	sdelay $0x1  }
0x8a: {  	s1 =	srdreg.scid  }
0x8b: {  	s0 =	sand.u32 $0x1, s1  }
0x8c: {  	s16 =	sshll.u32 s0, $0xA;
	s2 =	sadd.s32 s3, s2  }
0x8d: {  	s2 =	sadd.s32 s2, s16  }
0x8e: {  	[smem:$0x3FAF] =	sst s2  }
0x8f: {  	_ = 	snop  }
0x90: {  	(tm) =	ssettm $0x1  }
0x91: {  	s17 =	sld [smem:$0x3FFB];
	_ =	sdelay $0x3  }
0x92: {  	_ =	strace s17  }
0x93: {  	s2 =	sld [smem:$0x3FFC];
	_ =	sdelay $0x3  }
0x94: {  	_ =	strace s2  }
0x95: {  	s2 =	sld [smem:$0x3FFD];
	_ =	sdelay $0x3  }
0x96: {  	_ =	strace s2  }
0x97: {  	_ =	strace $0x8FFFFFFF  }
0x98: {  	s18 =	sld [smem:$0x3FDB];
	_ =	sdelay $0x1  }
0x99: {  	s19 =	simm.s32 $_scs_section_size  }
0x9a: {  	s4 =	simm.s32 $_size__tile_overlayer_lowered;
	s5 =	simm.s32 $_tile_overlayer_lowered  }
0x9b: {  	s22 =	simm.s32 $0x1BFF;
	s21 =	sshll.u32 s5, $0x1;
	s2 =	sadd.s32 s19, s18  }
0x9c: {  	s6 =	simm.s32 $0x0;
	s20 =	sshll.u32 s4, $0x1;
	s4 =	sadd.s32 s21, s2  }
0x9d: {  	[timem:s6], [sflag:s22] =	dma.local [hbm:s4], s20  }
0x9e: {  	_ =	swait.ge [sflag:s22], s20  }
0x9f: {  	s3 =	ssub.s32 $0x0, s20;
	[sflag:s22] =	ssyncset.done $0x0  }
0xa0: {  	[sflag:s22] =	ssyncadd.s32 s3;
	_ =	sdelay $0x1  }
0xa1: {  	s23 =	simm.s32 $0x1B8B  }
0xa2: {  	_ =	swait.ge [sflag:s23], $0x1  }
0xa3: {  	[sflag:s23] =	ssyncset.done $0x0  }
0xa4: {  	s25 =	simm.s32 $0x1B8E;
	s24 =	sld [smem:$0x3FFE];
	[sflag:s23] =	ssyncadd.s32 $0xFFFFFFFF  }
0xa5: {  	s26 =	simm.s32 $execute0_lowered;
	[smem:$0x3FD2] =	sst s25  }
0xa6: {  	s4 =	sshll.u32 s26, $0x1;
	_ =	strace $0x80000049;
	[dreg:$0x1] =	wrdreg $0xFFFFFFFF  }
0xa7: {  	s28 =	simm.s32 $_size_execute0_lowered;
	s2 =	sadd.s32 s2, s4;
	[dreg:$0x0] =	wrdreg $0x0  }
0xa8: {  	s4 =	sshll.u32 s28, $0x1;
	[dreg:$0x2] =	wrdreg s2  }
0xa9: {  	[dreg:$0x3] =	wrdreg s4  }
0xaa: {  	[dreg:$0x4] =	wrdreg $0xC0  }
0xab: {  	_ =	task [dreg:s6], $0x5FFFF  }
0xac: {  	[dreg:$0x1] =	wrdreg $0xFFFFFFFF  }
0xad: {  	[dreg:$0x0] =	wrdreg $0x60  }
0xae: {  	[dreg:$0x2] =	wrdreg s24  }
0xaf: {  	[dreg:$0x3] =	wrdreg $0x199800  }
0xb0: {  	[dreg:$0x4] =	wrdreg $0x9  }
0xb1: {  	_ =	task.clear_ibuf [dreg:s6], $0x5FFFF;
	_ =	strace $0x90000049  }
0xb2: {  	s29 =	simm.s32 $0x9;
	_ =	strace $0x8000004B  }
0xb3: {  	_ =	swait.ge [sflag:s29], $0x1  }
0xb4: {  	[sflag:s29] =	ssyncadd.s32 $0xFFFFFFFF  }
0xb5: {  	_ =	strace $0x9000004B  }
0xb6: {  	_ =	sfence  }
0xb7: {  	s30 =	sld [smem:$0x0];
	_ =	sdelay $0x2  }
0xb8: {  	s31 =	sshll.u32 s1, $0xD;
	s1 =	sshrl.u32 s1, $0x2  }
0xb9: {  	s3 =	sand.u32 $0x4000, s31;
	s1 =	sadd.s32 s1, s30  }
0xba: {  	s0 =	sor.u32 s3, s0;
	s1 =	sshll.u32 s1, $0x11  }
0xbb: {  	s0 =	sor.u32 s1, s0  }
0xbc: {  	s0 =	sadd.s32 $0x8F2B, s0  }
0xbd: {  	[sflag:s0] =	ssyncadd.remote.s32 $0x1  }
0xbe: {  	_ =	sfence.sel $0xFFFF  }
0xbf: {  	[dreg:$0x0] =	wrdreg $0xFFFFFFFF;
	(pc) =	sbr.abs _section_cstart, $3  }
0xc0: {  	[dreg:$0x1] =	wrdreg $0xFFFFFFFF  }
0xc1: {  	_ =	task.clear_ibuf [dreg:s6], $0x2FFFF;
	_ =	strace $0x9FFFFFFF  }
0xc2: {  	(tm) =	ssettm $0x7FFFFFFF  }
0xc3: {  	_ =	shalt  }
tec
execute0_lowered:
.L_overlay_start_1:
0x0: {  	(tag) =	ssettag $0x1  }
0x1: {  	s6 =	rddreg [dreg:$0x0]  }
0x2: {  	s2 =	rddreg [dreg:$0x1]  }
0x3: {  	s0 =	srdreg.scid;
	s1 =	rddreg [dreg:$0x2]  }
0x4: {  	s3 =	simm.s32 $0x0;
	s14 =	simm.s32 $0x80;
	s15 =	simm.s32 $0x18900  }
0x5: {  	s16 =	simm.s32 $0x1;
	s17 =	simm.s32 $0x18D00;
	s8 =	sand.u32 $0x1, s0  }
0x6: {  	s18 =	simm.s32 $0x2;
	s0 =	stileid.u32;
	s4 =	smul.u32 $0xC5000, s8  }
0x7: {  	s19 =	simm.s32 $0x19540;
	s20 =	simm.s32 $0x8;
	s5 =	smul.u32 $0xC500, s0  }
0x8: {  	s21 =	simm.s32 $0x40;
	s22 =	simm.s32 $0x0;
	s7 =	smul.u32 $0x1880, s0  }
0x9: {  	[smem:$0x7FF] =	sst s3;
	s10 =	smul.u32 $0x61C0, s0;
	s11 =	ssub.s32 $0x2, s8  }
0xa: {  	_ =	strace $0x8000004A;
	s13 =	smul.u32 $0x18700, s0;
	s12 =	sshrl.u32 s11, $0x1  }
0xb: {  	s4 =	sadd.s32 s5, s4;
	s7 =	sadd.s32 s7, s6;
	s10 =	sadd.s32 s10, s6  }
0xc: {  	s11 =	ssub.s32 s11, s12;
	s31 =	sshrl.u32 s13, $0x2;
	s12 =	simm.s32 $0x3  }
0xd: {  	s13 =	simm.s32 $0xC500;
	s5 =	sshrl.u32 s4, $0x3;
	s4 =	sadd.s32 $0x33D400, s6  }
0xe: {  	s7 =	sadd.s32 $0x8A00, s7;
	s10 =	sadd.s32 s8, s10;
	s8 =	smax.u32 s11, $0x1  }
0xf: {  	s11 =	simm.s32 $0x19100;
	s9 =	sadd.s32 s5, s6;
	s5 =	sadd.s32 $0x25C00, s6  }
0x10: {  	s10 =	sadd.s32 $0x39F400, s10;
	s6 =	sadd.s32 $0x30C000, s9;
	s9 =	sadd.s32 s31, s2  }
.LBB2_1:
0x11: {  	[tilespmem:s11], [sflag:$0x3] =	stream.linear.gather [hbm4b:s5+s3], $0x440, $0x38;
	[tilespmem:$0x1FB40] =	vst v63  }
0x12: {  	_ =	swait.ge [sflag:s12], $0x440  }
0x13: {  	[sflag:s12] =	ssyncset.done $0x0  }
0x14: {  	[sflag:s12] =	ssyncadd.s32 $0xFFFFFBC0  }
0x15: {  	[tilespmem:s3], [sflag:$0x3] =	stream.linear.gather [hbm4b:s6+s3], $0xC500, $0x38;
	[tilespmem:$0x1FB40] =	vst v63  }
0x16: {  	_ =	swait.ge [sflag:s12], $0xC500  }
0x17: {  	[sflag:s12] =	ssyncset.done $0x0  }
0x18: {  	[sflag:s12] =	ssyncadd.s32 $0xFFFF3B00  }
0x19: {  	[tilespmem:s13], [sflag:$0x3] =	stream.linear.gather [hbm4b:s7+s3], $0xC400, $0x38;
	[tilespmem:$0x1FB40] =	vst v63  }
0x1a: {  	_ =	swait.ge [sflag:s12], $0xC400  }
0x1b: {  	[sflag:s12] =	ssyncset.done $0x0  }
0x1c: {  	s23 =	sadd.s32 $0x0, s9;
	[sflag:s12] =	ssyncadd.s32 $0xFFFF3C00  }
0x1d: {  	[spmem:s23] =	stream.linear.scatter [tilespmem:s11], [sflag:$0x3], $0x440, $0x38;
	[tilespmem:$0x1FB40] =	vst v63  }
0x1e: {  	s23 =	simm.s32 $0x1100;
	_ =	swait.ge [sflag:s12], $0x440  }
.LBB2_2:
0x1f: {  	s24 =	sshra.s32 s23, $0x2;
	[sflag:s12] =	ssyncset.done $0x0;
	p0 =	sne.s32 s23, $0x17600  }
.Ltmp0:
0x20: {  	s24 =	sadd.s32 s24, s9;
	[sflag:s12] =	ssyncadd.s32 $0xFFFFFBC0;
	(pc) =	sbr.rel @p0 .LBB2_2-.Ltmp0, $3  }
0x21: {  	[spmem:s24] =	stream.linear.scatter [tilespmem:s11], [sflag:$0x3], $0x440, $0x38;
	[tilespmem:$0x1FB40] =	vst v63  }
0x22: {  	s23 =	sadd.s32 $0x1100, s23;
	_ =	sdelay $0x1  }
0x23: {  	_ =	swait.ge [sflag:s12], $0x440  }
0x24: {  	[sflag:s12] =	ssyncset.done $0x0  }
0x25: {  	[sflag:s12] =	ssyncadd.s32 $0xFFFFFBC0  }
0x26: {  	s23 =	simm.s32 $0x0;
	[bflag:$0x0] =	sbarrier.arrive $0xFFFF  }
0x27: {  	[tilespmem:s15], [sflag:$0x1] =	stream.indirect.gather [hbm4b:s4+s14], $0x8, s23, s14, $0xb8;
	[tilespmem:$0x1FB40] =	vst v63  }
0x28: {  	_ =	swait.ge [sflag:s16], $0x400  }
0x29: {  	[sflag:s16] =	ssyncset.done $0x0  }
0x2a: {  	s28 =	simm.s32 $0x80;
	[sflag:s16] =	ssyncadd.s32 $0xFFFFFC00  }
0x2b: {  	[tilespmem:s17], [sflag:$0x2] =	stream.indirect.gather [hbm4b:s4+s14], $0x8, s28, s14, $0xb8;
	[tilespmem:$0x1FB40] =	vst v63  }
0x2c: {  	s29 =	simm.s32 $0xC500  }
0x2d: {  	[spmem:s2] =	stream.indirect.scatter.add.f32 [tilespmem:s15], [sflag:$0x3], $0x8, s29, s14, $0xb8;
	[tilespmem:$0x1FB40] =	vst v63  }
0x2e: {  	_ =	swait.ge [sflag:s12], $0x400  }
0x2f: {  	[sflag:s12] =	ssyncset.done $0x0  }
0x30: {  	s30 =	simm.s32 $0x100;
	[sflag:s12] =	ssyncadd.s32 $0xFFFFFC00  }
0x31: {  	[tilespmem:s15], [sflag:$0x1] =	stream.indirect.gather [hbm4b:s4+s14], $0x8, s30, s14, $0xb8;
	[tilespmem:$0x1FB40] =	vst v63  }
0x32: {  	_ =	swait.ge [sflag:s18], $0x400  }
0x33: {  	[sflag:s18] =	ssyncset.done $0x0  }
0x34: {  	s31 =	simm.s32 $0xC580;
	[sflag:s18] =	ssyncadd.s32 $0xFFFFFC00  }
0x35: {  	[spmem:s2] =	stream.indirect.scatter.add.f32 [tilespmem:s17], [sflag:$0x3], $0x8, s31, s14, $0xb8;
	[tilespmem:$0x1FB40] =	vst v63  }
0x36: {  	_ =	swait.ge [sflag:s12], $0x400  }
0x37: {  	s23 =	simm.s32 $0x400;
	[sflag:s12] =	ssyncset.done $0x0  }
.LBB2_4:
0x38: {  	p0 =	sne.s32 s23, $0x30C00  }
0x39: {  	[sflag:s12] =	ssyncadd.s32 $0xFFFFFC00;
	s24 =	smov.u32 s23;
	s23 =	sadd.s32 $0x400, s23  }
0x3a: {  	_ =	swait.ge [sflag:s16], $0x400  }
0x3b: {  	s24 =	sshra.s32 s24, $0x2;
	[sflag:s16] =	ssyncset.done $0x0  }
0x3c: {  	s25 =	sadd.s32 $0x80, s24;
	[sflag:s16] =	ssyncadd.s32 $0xFFFFFC00  }
0x3d: {  	[tilespmem:s17], [sflag:$0x2] =	stream.indirect.gather [hbm4b:s4+s14], $0x8, s25, s14, $0xb8;
	[tilespmem:$0x1FB40] =	vst v63  }
0x3e: {  	s25 =	sadd.s32 $0xC500, s24  }
0x3f: {  	[spmem:s2] =	stream.indirect.scatter.add.f32 [tilespmem:s15], [sflag:$0x3], $0x8, s25, s14, $0xb8;
	[tilespmem:$0x1FB40] =	vst v63  }
0x40: {  	_ =	swait.ge [sflag:s12], $0x400  }
0x41: {  	[sflag:s12] =	ssyncset.done $0x0  }
0x42: {  	s25 =	sadd.s32 $0x100, s24;
	[sflag:s12] =	ssyncadd.s32 $0xFFFFFC00  }
0x43: {  	[tilespmem:s15], [sflag:$0x1] =	stream.indirect.gather [hbm4b:s4+s14], $0x8, s25, s14, $0xb8;
	[tilespmem:$0x1FB40] =	vst v63  }
0x44: {  	_ =	swait.ge [sflag:s18], $0x400  }
.Ltmp1:
0x45: {  	[sflag:s18] =	ssyncset.done $0x0;
	(pc) =	sbr.rel @p0 .LBB2_4-.Ltmp1, $4  }
0x46: {  	s24 =	sadd.s32 $0xC580, s24;
	[sflag:s18] =	ssyncadd.s32 $0xFFFFFC00  }
0x47: {  	[spmem:s2] =	stream.indirect.scatter.add.f32 [tilespmem:s17], [sflag:$0x3], $0x8, s24, s14, $0xb8;
	[tilespmem:$0x1FB40] =	vst v63  }
0x48: {  	_ =	swait.ge [sflag:s12], $0x400  }
0x49: {  	[sflag:s12] =	ssyncset.done $0x0  }
0x4a: {  	[sflag:s12] =	ssyncadd.s32 $0xFFFFFC00  }
0x4b: {  	_ =	swait.ge [sflag:s16], $0x400  }
0x4c: {  	[sflag:s16] =	ssyncset.done $0x0  }
0x4d: {  	[sflag:s16] =	ssyncadd.s32 $0xFFFFFC00  }
0x4e: {  	[bflag:$0x0] =	sbarrier.arrive $0xFFFF  }
0x4f: {  	[tilespmem:s19], [sflag:$0x3] =	stream.linear.gather [spmem:s9], $0x440, $0x38;
	[tilespmem:$0x1FB40] =	vst v63  }
0x50: {  	_ =	swait.ge [sflag:s12], $0x440  }
0x51: {  	[sflag:s12] =	ssyncset.done $0x0  }
0x52: {  	s23 =	sadd.s32 $0x0, s10;
	[sflag:s12] =	ssyncadd.s32 $0xFFFFFBC0  }
0x53: {  	[hbm4b:s23+s20] =	stream.strided.scatter [tilespmem:s19], [sflag:$0x3], $0x440, s21, s20, $0x38;
	[tilespmem:$0x1FB40] =	vst v63  }
0x54: {  	_ =	swait.ge [sflag:s12], $0x440  }
0x55: {  	s24 =	smov.u32 s9;
	s23 =	simm.s32 $0x440;
	[sflag:s12] =	ssyncset.done $0x0  }
.LBB2_6:
0x56: {  	p0 =	sne.s32 s23, $0x5D80;
	[sflag:s12] =	ssyncadd.s32 $0xFFFFFBC0;
	s24 =	sadd.s32 $0x440, s24  }
0x57: {  	[tilespmem:s19], [sflag:$0x3] =	stream.linear.gather [spmem:s24], $0x440, $0x38;
	[tilespmem:$0x1FB40] =	vst v63  }
0x58: {  	s25 =	smov.u32 s23;
	s23 =	sadd.s32 $0x440, s23;
	_ =	swait.ge [sflag:s12], $0x440  }
.Ltmp2:
0x59: {  	[sflag:s12] =	ssyncset.done $0x0;
	(pc) =	sbr.rel @p0 .LBB2_6-.Ltmp2, $4  }
0x5a: {  	s25 =	sadd.s32 s25, s10;
	[sflag:s12] =	ssyncadd.s32 $0xFFFFFBC0  }
0x5b: {  	[hbm4b:s25+s20] =	stream.strided.scatter [tilespmem:s19], [sflag:$0x3], $0x440, s21, s20, $0x38;
	[tilespmem:$0x1FB40] =	vst v63  }
0x5c: {  	_ =	swait.ge [sflag:s12], $0x440  }
0x5d: {  	[sflag:s12] =	ssyncset.done $0x0  }
0x5e: {  	s22 =	sadd.s32 $0x1, s22  }
0x5f: {  	p0 =	sne.s32 s22, s8  }
.Ltmp3:
0x60: {  	_ = 	snop;
	(pc) =	sbr.rel @p0 .LBB2_1-.Ltmp3, $2  }
0x61: {  	_ =	sdelay $0x2  }
0x62: {  	[sflag:s12] =	ssyncadd.s32 $0xFFFFFBC0  }
0x63: {  	_ =	sfence.sel $0x180000  }
0x64: {  	[bflag:$0x0] =	sbarrier.arrive $0xFFFF  }
0x65: {  	p0 =	sne.s32 s0, $0x0;
	_ =	strace $0x9000004A  }
0x66: {  	s0 =	sadd.s32 @!p0 $0x100000, s1;
	[bflag:$0x2] =	sbarrier.arrive $0xFFFF  }
0x67: {  	[sflag:s0] =	ssyncadd.tile.s32 @!p0 $0x1;
	_ =	shalt  }
.Lfunc_end2:
_tile_overlayer_lowered:
.L_overlay_start_2:
0x68: {  	(tag) =	ssettag $0x2  }
0x69: {  	s0 =	rddreg [dreg:$0x0];
	s2 =	stileid.u32  }
0x6a: {  	s1 =	rddreg [dreg:$0x1];
	p0 =	sne.s32 s2, $0x0  }
0x6b: {  	s3 =	rddreg [dreg:$0x2];
	[bflag:$0x3] =	sbarrier.arrive $0xFFFF;
	s2 =	simm.s32 @!p0 $0x1C03  }
0x6c: {  	[timem:s3], [sflag:s2] =	dma.local @!p0 [hbm:s0], s1  }
0x6d: {  	s0 =	simm.s32 @!p0 $0x3  }
0x6e: {  	_ =	swait.ge @!p0 [sflag:s0], s1  }
0x6f: {  	s1 =	ssub.s32 @!p0 $0x0, s1;
	[sflag:s0] =	ssyncset.done @!p0 $0x0  }
0x70: {  	[sflag:s0] =	ssyncadd.s32 @!p0 s1  }
0x71: {  	[bflag:$0x3] =	sbarrier.arrive $0xFFFF  }
0x72: {  	_ =	shalt  }

// kernel: body.29.cloned.1.call-start
scs
__scs_entry_jumppad:
0x0: {  	(pc) =	sbr.rel $0x88, $3  }
0x1: {  	(tag) =	ssettag $0x0;
	lr =	simm.s32 $0x1  }
0x2: {  	[smem:$0x3F88] =	sst lr;
	_ =	strace $0xD0000000  }
0x3: {  	_ = 	snop  }
0x4: {  	_ = 	snop  }
0x5: {  	_ = 	snop  }
0x6: {  	_ = 	snop  }
0x7: {  	_ = 	snop  }
__scs_overlays_trampoline_lowered:
0x8: {  	[smem:$0x3F97] =	sst s0  }
0x9: {  	[smem:$0x3F98] =	sst s1  }
0xa: {  	[smem:$0x3F99] =	sst s2  }
0xb: {  	[smem:$0x3F9A] =	sst s3  }
0xc: {  	[smem:$0x3F9B] =	sst s4  }
0xd: {  	[smem:$0x3F9C] =	sst s5  }
0xe: {  	[smem:$0x3F9D] =	sst s6  }
0xf: {  	[smem:$0x3F9E] =	sst s7  }
0x10: {  	[smem:$0x3F9F] =	sst s8  }
0x11: {  	[smem:$0x3FA0] =	sst s9;
	s0 =	simm.s32 @!p0 $0x0  }
0x12: {  	s1 =	sld [smem:$0x3F86];
	s0 =	simm.s32 @p0 $0x1  }
0x13: {  	[smem:$0x3FA1] =	sst s0;
	s0 =	simm.s32 @!p1 $0x0  }
0x14: {  	s2 =	sld [smem:$0x3F85];
	s0 =	simm.s32 @p1 $0x1  }
0x15: {  	[smem:$0x3FA2] =	sst s0;
	s0 =	simm.s32 @!p2 $0x0  }
0x16: {  	s3 =	sld [smem:$0x3FDB];
	s0 =	simm.s32 @p2 $0x1  }
0x17: {  	s4 =	simm.s32 $0x1BF5;
	[smem:$0x3FA4] =	sst s0  }
0x18: {  	s0 =	sld [smem:$0x3F87];
	_ =	swait.ge [sflag:s4], $0x0  }
0x19: {  	s7 =	sld [smem:$0x3F88]  }
0x1a: {  	s8 =	sadd.s32 $0xFFFFE003, lr  }
0x1b: {  	s9 =	sadd.s32 $0xFFFFFEF7, lr;
	s5 =	simm.s32 $0xFFFFFFFF;
	p2 =	slt.u32 s8, $0xFFFFF086  }
0x1c: {  	p1 =	slt.u32 s9, $0xF7A;
	s5 =	simm.s32 @!p2 $0x0  }
0x1d: {  	s5 =	simm.s32 @p1 $0x1;
	p0 =	seq.s32 s7, s2  }
0x1e: {  	s7 =	smul.u32 @!p0 $0xF7A, s2;
	p2 =	seq.s32 @!p0 s5, $0x0  }
0x1f: {  	s9 =	smul.u32 $0xF7A, s1;
	s8 =	simm.s32 @!p0 $0x1BF5;
	p2 =	por !p2, p0  }
0x20: {  	[sflag:s8] =	ssyncset.s32 @!p0 $0xFFFFF086;
	s6 =	sadd.s32 @!p0 s3, s7;
	s7 =	simm.s32 @!p0 $0x108  }
0x21: {  	s3 =	sadd.s32 s3, s9;
	s6 =	sadd.s32 @!p0 $0x88, s6;
	s7 =	simm.s32 @p2 $0x1082  }
0x22: {  	[simem:s7], [sflag:s8] =	dma.local @!p0 [hbm:s6], $0xF7A  }
0x23: {  	s9 =	sor.u32 $0xD0000000, s2;
	s6 =	simm.s32 $0x108;
	_ =	swait.ge @!p0 [sflag:s8], $0x0  }
0x24: {  	s3 =	sadd.s32 $0x88, s3;
	s6 =	simm.s32 @!p1 $0x1082;
	[sflag:s4] =	ssyncset.s32 $0xFFFFF086  }
0x25: {  	[simem:s6], [sflag:s4] =	dma.local [hbm:s3], $0xF7A  }
0x26: {  	[smem:$0x3F88] =	sst s1;
	(tag) =	ssettag s2;
	_ =	strace s9  }
0x27: {  	s1 =	sld [smem:$0x3F98]  }
0x28: {  	s2 =	sld [smem:$0x3F99]  }
0x29: {  	s4 =	sld [smem:$0x3F9B]  }
0x2a: {  	p0 =	seq.s32 s5, $0x0;
	s5 =	sld [smem:$0x3F9C]  }
0x2b: {  	s6 =	sld [smem:$0x3F9D]  }
0x2c: {  	s7 =	sld [smem:$0x3F9E]  }
0x2d: {  	s3 =	simm.s32 $0x108;
	s8 =	sld [smem:$0x3F9F]  }
0x2e: {  	s3 =	simm.s32 @!p0 $0x1082;
	s9 =	sld [smem:$0x3FA0]  }
0x2f: {  	lr =	sadd.s32 s0, s3;
	s0 =	sld [smem:$0x3F97]  }
0x30: {  	s3 =	sld [smem:$0x3F9A]  }
0x31: {  	[smem:$0x3FA3] =	sst s10  }
0x32: {  	s10 =	sld [smem:$0x3FA1];
	_ =	sdelay $0x3  }
0x33: {  	p0 =	seq.s32 s10, $0x1;
	s10 =	sld [smem:$0x3FA3];
	_ =	sdelay $0x3  }
0x34: {  	[smem:$0x3FA3] =	sst s10  }
0x35: {  	s10 =	sld [smem:$0x3FA2];
	_ =	sdelay $0x3  }
0x36: {  	p1 =	seq.s32 s10, $0x1;
	s10 =	sld [smem:$0x3FA3];
	_ =	sdelay $0x3  }
0x37: {  	[smem:$0x3FA3] =	sst s10  }
0x38: {  	s10 =	sld [smem:$0x3FA4]  }
0x39: {  	_ = 	snop;
	(pc) =	sbr.ind lr, $3  }
0x3a: {  	_ = 	snop  }
0x3b: {  	_ = 	snop  }
0x3c: {  	p2 =	seq.s32 s10, $0x1;
	s10 =	sld [smem:$0x3FA3]  }
0x3d: {  	_ =	shalt  }
0x3e: {  	_ =	shalt  }
0x3f: {  	_ =	shalt  }
0x40: {  	_ =	shalt  }
0x41: {  	_ =	shalt  }
0x42: {  	_ =	shalt  }
0x43: {  	_ =	shalt  }
0x44: {  	_ =	shalt  }
0x45: {  	_ =	shalt  }
0x46: {  	_ =	shalt  }
0x47: {  	_ =	shalt  }
0x48: {  	_ =	shalt  }
0x49: {  	_ =	shalt  }
0x4a: {  	_ =	shalt  }
0x4b: {  	_ =	shalt  }
0x4c: {  	_ =	shalt  }
0x4d: {  	_ =	shalt  }
0x4e: {  	_ =	shalt  }
0x4f: {  	_ =	shalt  }
0x50: {  	_ =	shalt  }
0x51: {  	_ =	shalt  }
0x52: {  	_ =	shalt  }
0x53: {  	_ =	shalt  }
0x54: {  	_ =	shalt  }
0x55: {  	_ =	shalt  }
0x56: {  	_ =	shalt  }
0x57: {  	_ =	shalt  }
0x58: {  	_ =	shalt  }
0x59: {  	_ =	shalt  }
0x5a: {  	_ =	shalt  }
0x5b: {  	_ =	shalt  }
0x5c: {  	_ =	shalt  }
0x5d: {  	_ =	shalt  }
0x5e: {  	_ =	shalt  }
0x5f: {  	_ =	shalt  }
0x60: {  	_ =	shalt  }
0x61: {  	_ =	shalt  }
0x62: {  	_ =	shalt  }
0x63: {  	_ =	shalt  }
0x64: {  	_ =	shalt  }
0x65: {  	_ =	shalt  }
0x66: {  	_ =	shalt  }
0x67: {  	_ =	shalt  }
0x68: {  	_ =	shalt  }
0x69: {  	_ =	shalt  }
0x6a: {  	_ =	shalt  }
0x6b: {  	_ =	shalt  }
0x6c: {  	_ =	shalt  }
0x6d: {  	_ =	shalt  }
0x6e: {  	_ =	shalt  }
0x6f: {  	_ =	shalt  }
0x70: {  	_ =	shalt  }
0x71: {  	_ =	shalt  }
0x72: {  	_ =	shalt  }
0x73: {  	_ =	shalt  }
0x74: {  	_ =	shalt  }
0x75: {  	_ =	shalt  }
0x76: {  	_ =	shalt  }
0x77: {  	_ =	shalt  }
0x78: {  	_ =	shalt  }
0x79: {  	_ =	shalt  }
0x7a: {  	_ =	shalt  }
0x7b: {  	_ =	shalt  }
0x7c: {  	_ =	shalt  }
0x7d: {  	_ =	shalt  }
0x7e: {  	_ =	shalt  }
0x7f: {  	_ =	shalt  }
0x80: {  	_ =	shalt  }
0x81: {  	_ =	shalt  }
0x82: {  	_ =	shalt  }
0x83: {  	_ =	shalt  }
0x84: {  	_ =	shalt  }
0x85: {  	_ =	shalt  }
0x86: {  	_ =	shalt  }
0x87: {  	_ =	shalt  }
.Lfunc_end0:
.L_simem_size_0:
called_computation.1_lowered:
.L_overlay_start_0:
0x88: {  	s2 =	sld [smem:$0x3FD9]  }
0x89: {  	s3 =	sld [smem:$0x3FFE];
	_ =	sdelay $0x1  }
0x8a: {  	s1 =	srdreg.scid  }
0x8b: {  	s0 =	sand.u32 $0x1, s1  }
0x8c: {  	s17 =	sshll.u32 s0, $0xA;
	s2 =	sadd.s32 s3, s2  }
0x8d: {  	s2 =	sadd.s32 s2, s17  }
0x8e: {  	[smem:$0x3FAF] =	sst s2  }
0x8f: {  	_ = 	snop  }
0x90: {  	(tm) =	ssettm $0x1  }
0x91: {  	s18 =	sld [smem:$0x3FFB];
	_ =	sdelay $0x3  }
0x92: {  	_ =	strace s18  }
0x93: {  	s2 =	sld [smem:$0x3FFC];
	_ =	sdelay $0x3  }
0x94: {  	_ =	strace s2  }
0x95: {  	s2 =	sld [smem:$0x3FFD];
	_ =	sdelay $0x3  }
0x96: {  	_ =	strace s2  }
0x97: {  	_ =	strace $0x8FFFFFFF  }
0x98: {  	s19 =	sld [smem:$0x3FDB];
	_ =	sdelay $0x1  }
0x99: {  	s20 =	simm.s32 $_scs_section_size  }
0x9a: {  	s4 =	simm.s32 $_size__tile_overlayer_lowered;
	s5 =	simm.s32 $_tile_overlayer_lowered  }
0x9b: {  	s6 =	simm.s32 $0x1BFF;
	s21 =	sshll.u32 s5, $0x1;
	s3 =	sadd.s32 s20, s19  }
0x9c: {  	s22 =	simm.s32 $0x0;
	s4 =	sshll.u32 s4, $0x1;
	s5 =	sadd.s32 s21, s3  }
0x9d: {  	[timem:s22], [sflag:s6] =	dma.local [hbm:s5], s4  }
0x9e: {  	_ =	swait.ge [sflag:s6], s4  }
0x9f: {  	s4 =	ssub.s32 $0x0, s4;
	[sflag:s6] =	ssyncset.done $0x0  }
0xa0: {  	[sflag:s6] =	ssyncadd.s32 s4;
	_ =	sdelay $0x1  }
0xa1: {  	s23 =	simm.s32 $0x1B8B  }
0xa2: {  	_ =	swait.ge [sflag:s23], $0x1  }
0xa3: {  	[sflag:s23] =	ssyncset.done $0x0  }
0xa4: {  	[sflag:s23] =	ssyncadd.s32 $0xFFFFFFFF  }
0xa5: {  	s4 =	sld [smem:$0x0]  }
0xa6: {  	s5 =	sand.u32 $0xFFFFFFFE, s1  }
0xa7: {  	p0 =	sne.s32 s1, s5  }
0xa8: {  	s5 =	sshll.u32 @p0 s5, $0xE  }
0xa9: {  	s5 =	sadd.s32 @p0 $0x11B8D, s5;
	s6 =	sshll.u32 @p0 s4, $0x11  }
0xaa: {  	s5 =	sor.u32 @p0 s6, s5  }
0xab: {  	[sflag:s5] =	ssyncadd.remote.s32 @p0 $0x1;
	_ =	sdelay $0x1  }
0xac: {  	s5 =	simm.s32 @p0 $0x1B8D  }
0xad: {  	_ =	swait.eq @p0 [sflag:s5], $0x1  }
0xae: {  	[sflag:s5] =	ssyncadd.s32 @p0 $0xFFFFFFFF  }
0xaf: {  	s6 =	sshll.u32 @!p0 s1, $0xE  }
0xb0: {  	s6 =	sor.u32 @!p0 $0x4000, s6;
	s5 =	simm.s32 @!p0 $0x1B8D  }
0xb1: {  	s4 =	sshll.u32 @!p0 s4, $0x11;
	s6 =	sadd.s32 @!p0 $0x11B8D, s6;
	_ =	swait.eq @!p0 [sflag:s5], $0x1  }
0xb2: {  	s4 =	sor.u32 @!p0 s4, s6;
	[sflag:s5] =	ssyncadd.s32 @!p0 $0xFFFFFFFF  }
0xb3: {  	s25 =	simm.s32 $0x1B8E;
	s24 =	sld [smem:$0x3FFE];
	[sflag:s4] =	ssyncadd.remote.s32 @!p0 $0x1  }
0xb4: {  	s26 =	simm.s32 $execute0_lowered;
	[smem:$0x3FD2] =	sst s25  }
0xb5: {  	s5 =	sshll.u32 s26, $0x1;
	_ =	strace $0x8000004C;
	[dreg:$0x1] =	wrdreg $0xFFFFFFFF  }
0xb6: {  	s28 =	simm.s32 $_size_execute0_lowered;
	s3 =	sadd.s32 s3, s5;
	[dreg:$0x0] =	wrdreg $0x0  }
0xb7: {  	s5 =	sshll.u32 s28, $0x1;
	[dreg:$0x2] =	wrdreg s3  }
0xb8: {  	[dreg:$0x3] =	wrdreg s5  }
0xb9: {  	[dreg:$0x4] =	wrdreg $0xC0  }
0xba: {  	_ =	task [dreg:s22], $0x5FFFF  }
0xbb: {  	[dreg:$0x1] =	wrdreg $0xFFFFFFFF  }
0xbc: {  	[dreg:$0x0] =	wrdreg $0x60  }
0xbd: {  	[dreg:$0x2] =	wrdreg s24  }
0xbe: {  	[dreg:$0x3] =	wrdreg $0x199800  }
0xbf: {  	[dreg:$0x4] =	wrdreg $0xA  }
0xc0: {  	_ =	task.clear_ibuf [dreg:s22], $0x5FFFF;
	_ =	strace $0x9000004C  }
0xc1: {  	s29 =	simm.s32 $0xA;
	_ =	strace $0x8000004E  }
0xc2: {  	_ =	swait.ge [sflag:s29], $0x1  }
0xc3: {  	[sflag:s29] =	ssyncadd.s32 $0xFFFFFFFF  }
0xc4: {  	_ =	strace $0x9000004E  }
0xc5: {  	_ =	sfence  }
0xc6: {  	s30 =	sld [smem:$0x0];
	_ =	sdelay $0x2  }
0xc7: {  	s31 =	sshll.u32 s1, $0xD;
	s1 =	sshrl.u32 s1, $0x2  }
0xc8: {  	s4 =	sand.u32 $0x4000, s31;
	s1 =	sadd.s32 s1, s30  }
0xc9: {  	s0 =	sor.u32 s4, s0;
	s1 =	sshll.u32 s1, $0x11  }
0xca: {  	s0 =	sor.u32 s1, s0  }
0xcb: {  	s0 =	sadd.s32 $0x8F2B, s0  }
0xcc: {  	[sflag:s0] =	ssyncadd.remote.s32 $0x1  }
0xcd: {  	_ =	sfence.sel $0xFFFF  }
0xce: {  	[dreg:$0x0] =	wrdreg $0xFFFFFFFF;
	(pc) =	sbr.abs _section_cstart, $3  }
0xcf: {  	[dreg:$0x1] =	wrdreg $0xFFFFFFFF  }
0xd0: {  	_ =	task.clear_ibuf [dreg:s22], $0x2FFFF;
	_ =	strace $0x9FFFFFFF  }
0xd1: {  	(tm) =	ssettm $0x7FFFFFFF  }
tec
execute0_lowered:
.L_overlay_start_1:
0x0: {  	(tag) =	ssettag $0x1  }
0x1: {  	s6 =	rddreg [dreg:$0x0]  }
0x2: {  	s2 =	rddreg [dreg:$0x1]  }
0x3: {  	s0 =	srdreg.scid;
	s1 =	rddreg [dreg:$0x2]  }
0x4: {  	s3 =	simm.s32 $0x0;
	s14 =	simm.s32 $0x80;
	s15 =	simm.s32 $0x18900  }
0x5: {  	s16 =	simm.s32 $0x1;
	s17 =	simm.s32 $0x18D00;
	s8 =	sand.u32 $0x1, s0  }
0x6: {  	s18 =	simm.s32 $0x2;
	s0 =	stileid.u32;
	s4 =	smul.u32 $0xC5000, s8  }
0x7: {  	s19 =	simm.s32 $0x19540;
	s20 =	simm.s32 $0x8;
	s5 =	smul.u32 $0xC500, s0  }
0x8: {  	s21 =	simm.s32 $0x40;
	s22 =	simm.s32 $0x0;
	s7 =	smul.u32 $0x1880, s0  }
0x9: {  	[smem:$0x7FF] =	sst s3;
	s10 =	smul.u32 $0x61C0, s0;
	s11 =	ssub.s32 $0x2, s8  }
0xa: {  	_ =	strace $0x8000004D;
	s13 =	smul.u32 $0x18700, s0;
	s12 =	sshrl.u32 s11, $0x1  }
0xb: {  	s4 =	sadd.s32 s5, s4;
	s7 =	sadd.s32 s7, s6;
	s10 =	sadd.s32 s10, s6  }
0xc: {  	s11 =	ssub.s32 s11, s12;
	s31 =	sshrl.u32 s13, $0x2;
	s12 =	simm.s32 $0x3  }
0xd: {  	s13 =	simm.s32 $0xC500;
	s5 =	sshrl.u32 s4, $0x3;
	s4 =	sadd.s32 $0x33D400, s6  }
0xe: {  	s7 =	sadd.s32 $0x8A00, s7;
	s10 =	sadd.s32 s8, s10;
	s8 =	smax.u32 s11, $0x1  }
0xf: {  	s11 =	simm.s32 $0x19100;
	s9 =	sadd.s32 s5, s6;
	s5 =	sadd.s32 $0x25C00, s6  }
0x10: {  	s10 =	sadd.s32 $0x401400, s10;
	s6 =	sadd.s32 $0x1B2400, s9;
	s9 =	sadd.s32 s31, s2  }
.LBB2_1:
0x11: {  	[tilespmem:s11], [sflag:$0x3] =	stream.linear.gather [hbm4b:s5+s3], $0x440, $0x38;
	[tilespmem:$0x1FB40] =	vst v63  }
0x12: {  	_ =	swait.ge [sflag:s12], $0x440  }
0x13: {  	[sflag:s12] =	ssyncset.done $0x0  }
0x14: {  	[sflag:s12] =	ssyncadd.s32 $0xFFFFFBC0  }
0x15: {  	[tilespmem:s3], [sflag:$0x3] =	stream.linear.gather [hbm4b:s6+s3], $0xC500, $0x38;
	[tilespmem:$0x1FB40] =	vst v63  }
0x16: {  	_ =	swait.ge [sflag:s12], $0xC500  }
0x17: {  	[sflag:s12] =	ssyncset.done $0x0  }
0x18: {  	[sflag:s12] =	ssyncadd.s32 $0xFFFF3B00  }
0x19: {  	[tilespmem:s13], [sflag:$0x3] =	stream.linear.gather [hbm4b:s7+s3], $0xC400, $0x38;
	[tilespmem:$0x1FB40] =	vst v63  }
0x1a: {  	_ =	swait.ge [sflag:s12], $0xC400  }
0x1b: {  	[sflag:s12] =	ssyncset.done $0x0  }
0x1c: {  	s23 =	sadd.s32 $0x0, s9;
	[sflag:s12] =	ssyncadd.s32 $0xFFFF3C00  }
0x1d: {  	[spmem:s23] =	stream.linear.scatter [tilespmem:s11], [sflag:$0x3], $0x440, $0x38;
	[tilespmem:$0x1FB40] =	vst v63  }
0x1e: {  	s23 =	simm.s32 $0x1100;
	_ =	swait.ge [sflag:s12], $0x440  }
.LBB2_2:
0x1f: {  	s24 =	sshra.s32 s23, $0x2;
	[sflag:s12] =	ssyncset.done $0x0;
	p0 =	sne.s32 s23, $0x17600  }
.Ltmp0:
0x20: {  	s24 =	sadd.s32 s24, s9;
	[sflag:s12] =	ssyncadd.s32 $0xFFFFFBC0;
	(pc) =	sbr.rel @p0 .LBB2_2-.Ltmp0, $3  }
0x21: {  	[spmem:s24] =	stream.linear.scatter [tilespmem:s11], [sflag:$0x3], $0x440, $0x38;
	[tilespmem:$0x1FB40] =	vst v63  }
0x22: {  	s23 =	sadd.s32 $0x1100, s23;
	_ =	sdelay $0x1  }
0x23: {  	_ =	swait.ge [sflag:s12], $0x440  }
0x24: {  	[sflag:s12] =	ssyncset.done $0x0  }
0x25: {  	[sflag:s12] =	ssyncadd.s32 $0xFFFFFBC0  }
0x26: {  	s23 =	simm.s32 $0x0;
	[bflag:$0x0] =	sbarrier.arrive $0xFFFF  }
0x27: {  	[tilespmem:s15], [sflag:$0x1] =	stream.indirect.gather [hbm4b:s4+s14], $0x8, s23, s14, $0xb8;
	[tilespmem:$0x1FB40] =	vst v63  }
0x28: {  	_ =	swait.ge [sflag:s16], $0x400  }
0x29: {  	[sflag:s16] =	ssyncset.done $0x0  }
0x2a: {  	s28 =	simm.s32 $0x80;
	[sflag:s16] =	ssyncadd.s32 $0xFFFFFC00  }
0x2b: {  	[tilespmem:s17], [sflag:$0x2] =	stream.indirect.gather [hbm4b:s4+s14], $0x8, s28, s14, $0xb8;
	[tilespmem:$0x1FB40] =	vst v63  }
0x2c: {  	s29 =	simm.s32 $0xC500  }
0x2d: {  	[spmem:s2] =	stream.indirect.scatter.add.f32 [tilespmem:s15], [sflag:$0x3], $0x8, s29, s14, $0xb8;
	[tilespmem:$0x1FB40] =	vst v63  }
0x2e: {  	_ =	swait.ge [sflag:s12], $0x400  }
0x2f: {  	[sflag:s12] =	ssyncset.done $0x0  }
0x30: {  	s30 =	simm.s32 $0x100;
	[sflag:s12] =	ssyncadd.s32 $0xFFFFFC00  }
0x31: {  	[tilespmem:s15], [sflag:$0x1] =	stream.indirect.gather [hbm4b:s4+s14], $0x8, s30, s14, $0xb8;
	[tilespmem:$0x1FB40] =	vst v63  }
0x32: {  	_ =	swait.ge [sflag:s18], $0x400  }
0x33: {  	[sflag:s18] =	ssyncset.done $0x0  }
0x34: {  	s31 =	simm.s32 $0xC580;
	[sflag:s18] =	ssyncadd.s32 $0xFFFFFC00  }
0x35: {  	[spmem:s2] =	stream.indirect.scatter.add.f32 [tilespmem:s17], [sflag:$0x3], $0x8, s31, s14, $0xb8;
	[tilespmem:$0x1FB40] =	vst v63  }
0x36: {  	_ =	swait.ge [sflag:s12], $0x400  }
0x37: {  	s23 =	simm.s32 $0x400;
	[sflag:s12] =	ssyncset.done $0x0  }
.LBB2_4:
0x38: {  	p0 =	sne.s32 s23, $0x30C00  }
0x39: {  	[sflag:s12] =	ssyncadd.s32 $0xFFFFFC00;
	s24 =	smov.u32 s23;
	s23 =	sadd.s32 $0x400, s23  }
0x3a: {  	_ =	swait.ge [sflag:s16], $0x400  }
0x3b: {  	s24 =	sshra.s32 s24, $0x2;
	[sflag:s16] =	ssyncset.done $0x0  }
0x3c: {  	s25 =	sadd.s32 $0x80, s24;
	[sflag:s16] =	ssyncadd.s32 $0xFFFFFC00  }
0x3d: {  	[tilespmem:s17], [sflag:$0x2] =	stream.indirect.gather [hbm4b:s4+s14], $0x8, s25, s14, $0xb8;
	[tilespmem:$0x1FB40] =	vst v63  }
0x3e: {  	s25 =	sadd.s32 $0xC500, s24  }
0x3f: {  	[spmem:s2] =	stream.indirect.scatter.add.f32 [tilespmem:s15], [sflag:$0x3], $0x8, s25, s14, $0xb8;
	[tilespmem:$0x1FB40] =	vst v63  }
0x40: {  	_ =	swait.ge [sflag:s12], $0x400  }
0x41: {  	[sflag:s12] =	ssyncset.done $0x0  }
0x42: {  	s25 =	sadd.s32 $0x100, s24;
	[sflag:s12] =	ssyncadd.s32 $0xFFFFFC00  }
0x43: {  	[tilespmem:s15], [sflag:$0x1] =	stream.indirect.gather [hbm4b:s4+s14], $0x8, s25, s14, $0xb8;
	[tilespmem:$0x1FB40] =	vst v63  }
0x44: {  	_ =	swait.ge [sflag:s18], $0x400  }
.Ltmp1:
0x45: {  	[sflag:s18] =	ssyncset.done $0x0;
	(pc) =	sbr.rel @p0 .LBB2_4-.Ltmp1, $4  }
0x46: {  	s24 =	sadd.s32 $0xC580, s24;
	[sflag:s18] =	ssyncadd.s32 $0xFFFFFC00  }
0x47: {  	[spmem:s2] =	stream.indirect.scatter.add.f32 [tilespmem:s17], [sflag:$0x3], $0x8, s24, s14, $0xb8;
	[tilespmem:$0x1FB40] =	vst v63  }
0x48: {  	_ =	swait.ge [sflag:s12], $0x400  }
0x49: {  	[sflag:s12] =	ssyncset.done $0x0  }
0x4a: {  	[sflag:s12] =	ssyncadd.s32 $0xFFFFFC00  }
0x4b: {  	_ =	swait.ge [sflag:s16], $0x400  }
0x4c: {  	[sflag:s16] =	ssyncset.done $0x0  }
0x4d: {  	[sflag:s16] =	ssyncadd.s32 $0xFFFFFC00  }
0x4e: {  	[bflag:$0x0] =	sbarrier.arrive $0xFFFF  }
0x4f: {  	[tilespmem:s19], [sflag:$0x3] =	stream.linear.gather [spmem:s9], $0x440, $0x38;
	[tilespmem:$0x1FB40] =	vst v63  }
0x50: {  	_ =	swait.ge [sflag:s12], $0x440  }
0x51: {  	[sflag:s12] =	ssyncset.done $0x0  }
0x52: {  	s23 =	sadd.s32 $0x2, s10;
	[sflag:s12] =	ssyncadd.s32 $0xFFFFFBC0  }
0x53: {  	[hbm4b:s23+s20] =	stream.strided.scatter [tilespmem:s19], [sflag:$0x3], $0x440, s21, s20, $0x38;
	[tilespmem:$0x1FB40] =	vst v63  }
0x54: {  	_ =	swait.ge [sflag:s12], $0x440  }
0x55: {  	s24 =	smov.u32 s9;
	s23 =	simm.s32 $0x442;
	[sflag:s12] =	ssyncset.done $0x0  }
.LBB2_6:
0x56: {  	p0 =	sne.s32 s23, $0x5D82;
	[sflag:s12] =	ssyncadd.s32 $0xFFFFFBC0;
	s24 =	sadd.s32 $0x440, s24  }
0x57: {  	[tilespmem:s19], [sflag:$0x3] =	stream.linear.gather [spmem:s24], $0x440, $0x38;
	[tilespmem:$0x1FB40] =	vst v63  }
0x58: {  	s25 =	smov.u32 s23;
	s23 =	sadd.s32 $0x440, s23;
	_ =	swait.ge [sflag:s12], $0x440  }
.Ltmp2:
0x59: {  	[sflag:s12] =	ssyncset.done $0x0;
	(pc) =	sbr.rel @p0 .LBB2_6-.Ltmp2, $4  }
0x5a: {  	s25 =	sadd.s32 s25, s10;
	[sflag:s12] =	ssyncadd.s32 $0xFFFFFBC0  }
0x5b: {  	[hbm4b:s25+s20] =	stream.strided.scatter [tilespmem:s19], [sflag:$0x3], $0x440, s21, s20, $0x38;
	[tilespmem:$0x1FB40] =	vst v63  }
0x5c: {  	_ =	swait.ge [sflag:s12], $0x440  }
0x5d: {  	[sflag:s12] =	ssyncset.done $0x0  }
0x5e: {  	s22 =	sadd.s32 $0x1, s22  }
0x5f: {  	p0 =	sne.s32 s22, s8  }
.Ltmp3:
0x60: {  	_ = 	snop;
	(pc) =	sbr.rel @p0 .LBB2_1-.Ltmp3, $2  }
0x61: {  	_ =	sdelay $0x2  }
0x62: {  	[sflag:s12] =	ssyncadd.s32 $0xFFFFFBC0  }
0x63: {  	_ =	sfence.sel $0x180000  }
0x64: {  	[bflag:$0x0] =	sbarrier.arrive $0xFFFF  }
0x65: {  	p0 =	sne.s32 s0, $0x0;
	_ =	strace $0x9000004D  }
0x66: {  	s0 =	sadd.s32 @!p0 $0x100000, s1;
	[bflag:$0x2] =	sbarrier.arrive $0xFFFF  }
0x67: {  	[sflag:s0] =	ssyncadd.tile.s32 @!p0 $0x1;
	_ =	shalt  }
.Lfunc_end2:
_tile_overlayer_lowered:
.L_overlay_start_2:
0x68: {  	(tag) =	ssettag $0x2  }
0x69: {  	s0 =	rddreg [dreg:$0x0];
	s2 =	stileid.u32  }
0x6a: {  	s1 =	rddreg [dreg:$0x1];
	p0 =	sne.s32 s2, $0x0  }
0x6b: {  	s3 =	rddreg [dreg:$0x2];
	[bflag:$0x3] =	sbarrier.arrive $0xFFFF;
	s2 =	simm.s32 @!p0 $0x1C03  }
0x6c: {  	[timem:s3], [sflag:s2] =	dma.local @!p0 [hbm:s0], s1  }
0x6d: {  	s0 =	simm.s32 @!p0 $0x3  }
0x6e: {  	_ =	swait.ge @!p0 [sflag:s0], s1  }
0x6f: {  	s1 =	ssub.s32 @!p0 $0x0, s1;
	[sflag:s0] =	ssyncset.done @!p0 $0x0  }
0x70: {  	[sflag:s0] =	ssyncadd.s32 @!p0 s1  }
0x71: {  	[bflag:$0x3] =	sbarrier.arrive $0xFFFF  }
0x72: {  	_ =	shalt  }

// kernel: body.32.cloned.1.call-start
scs
__scs_entry_jumppad:
0x0: {  	(pc) =	sbr.rel $0x88, $3  }
0x1: {  	(tag) =	ssettag $0x0;
	lr =	simm.s32 $0x1  }
0x2: {  	[smem:$0x3F88] =	sst lr;
	_ =	strace $0xD0000000  }
0x3: {  	_ = 	snop  }
0x4: {  	_ = 	snop  }
0x5: {  	_ = 	snop  }
0x6: {  	_ = 	snop  }
0x7: {  	_ = 	snop  }
__scs_overlays_trampoline_lowered:
0x8: {  	[smem:$0x3F97] =	sst s0  }
0x9: {  	[smem:$0x3F98] =	sst s1  }
0xa: {  	[smem:$0x3F99] =	sst s2  }
0xb: {  	[smem:$0x3F9A] =	sst s3  }
0xc: {  	[smem:$0x3F9B] =	sst s4  }
0xd: {  	[smem:$0x3F9C] =	sst s5  }
0xe: {  	[smem:$0x3F9D] =	sst s6  }
0xf: {  	[smem:$0x3F9E] =	sst s7  }
0x10: {  	[smem:$0x3F9F] =	sst s8  }
0x11: {  	[smem:$0x3FA0] =	sst s9;
	s0 =	simm.s32 @!p0 $0x0  }
0x12: {  	s1 =	sld [smem:$0x3F86];
	s0 =	simm.s32 @p0 $0x1  }
0x13: {  	[smem:$0x3FA1] =	sst s0;
	s0 =	simm.s32 @!p1 $0x0  }
0x14: {  	s2 =	sld [smem:$0x3F85];
	s0 =	simm.s32 @p1 $0x1  }
0x15: {  	[smem:$0x3FA2] =	sst s0;
	s0 =	simm.s32 @!p2 $0x0  }
0x16: {  	s3 =	sld [smem:$0x3FDB];
	s0 =	simm.s32 @p2 $0x1  }
0x17: {  	s4 =	simm.s32 $0x1BF5;
	[smem:$0x3FA4] =	sst s0  }
0x18: {  	s0 =	sld [smem:$0x3F87];
	_ =	swait.ge [sflag:s4], $0x0  }
0x19: {  	s7 =	sld [smem:$0x3F88]  }
0x1a: {  	s8 =	sadd.s32 $0xFFFFE003, lr  }
0x1b: {  	s9 =	sadd.s32 $0xFFFFFEF7, lr;
	s5 =	simm.s32 $0xFFFFFFFF;
	p2 =	slt.u32 s8, $0xFFFFF086  }
0x1c: {  	p1 =	slt.u32 s9, $0xF7A;
	s5 =	simm.s32 @!p2 $0x0  }
0x1d: {  	s5 =	simm.s32 @p1 $0x1;
	p0 =	seq.s32 s7, s2  }
0x1e: {  	s7 =	smul.u32 @!p0 $0xF7A, s2;
	p2 =	seq.s32 @!p0 s5, $0x0  }
0x1f: {  	s9 =	smul.u32 $0xF7A, s1;
	s8 =	simm.s32 @!p0 $0x1BF5;
	p2 =	por !p2, p0  }
0x20: {  	[sflag:s8] =	ssyncset.s32 @!p0 $0xFFFFF086;
	s6 =	sadd.s32 @!p0 s3, s7;
	s7 =	simm.s32 @!p0 $0x108  }
0x21: {  	s3 =	sadd.s32 s3, s9;
	s6 =	sadd.s32 @!p0 $0x88, s6;
	s7 =	simm.s32 @p2 $0x1082  }
0x22: {  	[simem:s7], [sflag:s8] =	dma.local @!p0 [hbm:s6], $0xF7A  }
0x23: {  	s9 =	sor.u32 $0xD0000000, s2;
	s6 =	simm.s32 $0x108;
	_ =	swait.ge @!p0 [sflag:s8], $0x0  }
0x24: {  	s3 =	sadd.s32 $0x88, s3;
	s6 =	simm.s32 @!p1 $0x1082;
	[sflag:s4] =	ssyncset.s32 $0xFFFFF086  }
0x25: {  	[simem:s6], [sflag:s4] =	dma.local [hbm:s3], $0xF7A  }
0x26: {  	[smem:$0x3F88] =	sst s1;
	(tag) =	ssettag s2;
	_ =	strace s9  }
0x27: {  	s1 =	sld [smem:$0x3F98]  }
0x28: {  	s2 =	sld [smem:$0x3F99]  }
0x29: {  	s4 =	sld [smem:$0x3F9B]  }
0x2a: {  	p0 =	seq.s32 s5, $0x0;
	s5 =	sld [smem:$0x3F9C]  }
0x2b: {  	s6 =	sld [smem:$0x3F9D]  }
0x2c: {  	s7 =	sld [smem:$0x3F9E]  }
0x2d: {  	s3 =	simm.s32 $0x108;
	s8 =	sld [smem:$0x3F9F]  }
0x2e: {  	s3 =	simm.s32 @!p0 $0x1082;
	s9 =	sld [smem:$0x3FA0]  }
0x2f: {  	lr =	sadd.s32 s0, s3;
	s0 =	sld [smem:$0x3F97]  }
0x30: {  	s3 =	sld [smem:$0x3F9A]  }
0x31: {  	[smem:$0x3FA3] =	sst s10  }
0x32: {  	s10 =	sld [smem:$0x3FA1];
	_ =	sdelay $0x3  }
0x33: {  	p0 =	seq.s32 s10, $0x1;
	s10 =	sld [smem:$0x3FA3];
	_ =	sdelay $0x3  }
0x34: {  	[smem:$0x3FA3] =	sst s10  }
0x35: {  	s10 =	sld [smem:$0x3FA2];
	_ =	sdelay $0x3  }
0x36: {  	p1 =	seq.s32 s10, $0x1;
	s10 =	sld [smem:$0x3FA3];
	_ =	sdelay $0x3  }
0x37: {  	[smem:$0x3FA3] =	sst s10  }
0x38: {  	s10 =	sld [smem:$0x3FA4]  }
0x39: {  	_ = 	snop;
	(pc) =	sbr.ind lr, $3  }
0x3a: {  	_ = 	snop  }
0x3b: {  	_ = 	snop  }
0x3c: {  	p2 =	seq.s32 s10, $0x1;
	s10 =	sld [smem:$0x3FA3]  }
0x3d: {  	_ =	shalt  }
0x3e: {  	_ =	shalt  }
0x3f: {  	_ =	shalt  }
0x40: {  	_ =	shalt  }
0x41: {  	_ =	shalt  }
0x42: {  	_ =	shalt  }
0x43: {  	_ =	shalt  }
0x44: {  	_ =	shalt  }
0x45: {  	_ =	shalt  }
0x46: {  	_ =	shalt  }
0x47: {  	_ =	shalt  }
0x48: {  	_ =	shalt  }
0x49: {  	_ =	shalt  }
0x4a: {  	_ =	shalt  }
0x4b: {  	_ =	shalt  }
0x4c: {  	_ =	shalt  }
0x4d: {  	_ =	shalt  }
0x4e: {  	_ =	shalt  }
0x4f: {  	_ =	shalt  }
0x50: {  	_ =	shalt  }
0x51: {  	_ =	shalt  }
0x52: {  	_ =	shalt  }
0x53: {  	_ =	shalt  }
0x54: {  	_ =	shalt  }
0x55: {  	_ =	shalt  }
0x56: {  	_ =	shalt  }
0x57: {  	_ =	shalt  }
0x58: {  	_ =	shalt  }
0x59: {  	_ =	shalt  }
0x5a: {  	_ =	shalt  }
0x5b: {  	_ =	shalt  }
0x5c: {  	_ =	shalt  }
0x5d: {  	_ =	shalt  }
0x5e: {  	_ =	shalt  }
0x5f: {  	_ =	shalt  }
0x60: {  	_ =	shalt  }
0x61: {  	_ =	shalt  }
0x62: {  	_ =	shalt  }
0x63: {  	_ =	shalt  }
0x64: {  	_ =	shalt  }
0x65: {  	_ =	shalt  }
0x66: {  	_ =	shalt  }
0x67: {  	_ =	shalt  }
0x68: {  	_ =	shalt  }
0x69: {  	_ =	shalt  }
0x6a: {  	_ =	shalt  }
0x6b: {  	_ =	shalt  }
0x6c: {  	_ =	shalt  }
0x6d: {  	_ =	shalt  }
0x6e: {  	_ =	shalt  }
0x6f: {  	_ =	shalt  }
0x70: {  	_ =	shalt  }
0x71: {  	_ =	shalt  }
0x72: {  	_ =	shalt  }
0x73: {  	_ =	shalt  }
0x74: {  	_ =	shalt  }
0x75: {  	_ =	shalt  }
0x76: {  	_ =	shalt  }
0x77: {  	_ =	shalt  }
0x78: {  	_ =	shalt  }
0x79: {  	_ =	shalt  }
0x7a: {  	_ =	shalt  }
0x7b: {  	_ =	shalt  }
0x7c: {  	_ =	shalt  }
0x7d: {  	_ =	shalt  }
0x7e: {  	_ =	shalt  }
0x7f: {  	_ =	shalt  }
0x80: {  	_ =	shalt  }
0x81: {  	_ =	shalt  }
0x82: {  	_ =	shalt  }
0x83: {  	_ =	shalt  }
0x84: {  	_ =	shalt  }
0x85: {  	_ =	shalt  }
0x86: {  	_ =	shalt  }
0x87: {  	_ =	shalt  }
.Lfunc_end0:
.L_simem_size_0:
called_computation.2_lowered:
.L_overlay_start_0:
0x88: {  	s2 =	sld [smem:$0x3FD9]  }
0x89: {  	s3 =	sld [smem:$0x3FFE];
	_ =	sdelay $0x1  }
0x8a: {  	s1 =	srdreg.scid  }
0x8b: {  	s0 =	sand.u32 $0x1, s1  }
0x8c: {  	s17 =	sshll.u32 s0, $0xA;
	s2 =	sadd.s32 s3, s2  }
0x8d: {  	s2 =	sadd.s32 s2, s17  }
0x8e: {  	[smem:$0x3FAF] =	sst s2  }
0x8f: {  	_ = 	snop  }
0x90: {  	(tm) =	ssettm $0x1  }
0x91: {  	s18 =	sld [smem:$0x3FFB];
	_ =	sdelay $0x3  }
0x92: {  	_ =	strace s18  }
0x93: {  	s2 =	sld [smem:$0x3FFC];
	_ =	sdelay $0x3  }
0x94: {  	_ =	strace s2  }
0x95: {  	s2 =	sld [smem:$0x3FFD];
	_ =	sdelay $0x3  }
0x96: {  	_ =	strace s2  }
0x97: {  	_ =	strace $0x8FFFFFFF  }
0x98: {  	s19 =	sld [smem:$0x3FDB];
	_ =	sdelay $0x1  }
0x99: {  	s20 =	simm.s32 $_scs_section_size  }
0x9a: {  	s4 =	simm.s32 $_size__tile_overlayer_lowered;
	s5 =	simm.s32 $_tile_overlayer_lowered  }
0x9b: {  	s6 =	simm.s32 $0x1BFF;
	s21 =	sshll.u32 s5, $0x1;
	s3 =	sadd.s32 s20, s19  }
0x9c: {  	s22 =	simm.s32 $0x0;
	s4 =	sshll.u32 s4, $0x1;
	s5 =	sadd.s32 s21, s3  }
0x9d: {  	[timem:s22], [sflag:s6] =	dma.local [hbm:s5], s4  }
0x9e: {  	_ =	swait.ge [sflag:s6], s4  }
0x9f: {  	s4 =	ssub.s32 $0x0, s4;
	[sflag:s6] =	ssyncset.done $0x0  }
0xa0: {  	[sflag:s6] =	ssyncadd.s32 s4;
	_ =	sdelay $0x1  }
0xa1: {  	s23 =	simm.s32 $0x1B8B  }
0xa2: {  	_ =	swait.ge [sflag:s23], $0x1  }
0xa3: {  	[sflag:s23] =	ssyncset.done $0x0  }
0xa4: {  	[sflag:s23] =	ssyncadd.s32 $0xFFFFFFFF  }
0xa5: {  	s4 =	sld [smem:$0x0]  }
0xa6: {  	s5 =	sand.u32 $0xFFFFFFFE, s1  }
0xa7: {  	p0 =	sne.s32 s1, s5  }
0xa8: {  	s5 =	sshll.u32 @p0 s5, $0xE  }
0xa9: {  	s5 =	sadd.s32 @p0 $0x11B8D, s5;
	s6 =	sshll.u32 @p0 s4, $0x11  }
0xaa: {  	s5 =	sor.u32 @p0 s6, s5  }
0xab: {  	[sflag:s5] =	ssyncadd.remote.s32 @p0 $0x1;
	_ =	sdelay $0x1  }
0xac: {  	s5 =	simm.s32 @p0 $0x1B8D  }
0xad: {  	_ =	swait.eq @p0 [sflag:s5], $0x1  }
0xae: {  	[sflag:s5] =	ssyncadd.s32 @p0 $0xFFFFFFFF  }
0xaf: {  	s6 =	sshll.u32 @!p0 s1, $0xE  }
0xb0: {  	s6 =	sor.u32 @!p0 $0x4000, s6;
	s5 =	simm.s32 @!p0 $0x1B8D  }
0xb1: {  	s4 =	sshll.u32 @!p0 s4, $0x11;
	s6 =	sadd.s32 @!p0 $0x11B8D, s6;
	_ =	swait.eq @!p0 [sflag:s5], $0x1  }
0xb2: {  	s4 =	sor.u32 @!p0 s4, s6;
	[sflag:s5] =	ssyncadd.s32 @!p0 $0xFFFFFFFF  }
0xb3: {  	s25 =	simm.s32 $0x1B8E;
	s24 =	sld [smem:$0x3FFE];
	[sflag:s4] =	ssyncadd.remote.s32 @!p0 $0x1  }
0xb4: {  	s26 =	simm.s32 $execute0_lowered;
	[smem:$0x3FD2] =	sst s25  }
0xb5: {  	s5 =	sshll.u32 s26, $0x1;
	_ =	strace $0x8000004F;
	[dreg:$0x1] =	wrdreg $0xFFFFFFFF  }
0xb6: {  	s28 =	simm.s32 $_size_execute0_lowered;
	s3 =	sadd.s32 s3, s5;
	[dreg:$0x0] =	wrdreg $0x0  }
0xb7: {  	s5 =	sshll.u32 s28, $0x1;
	[dreg:$0x2] =	wrdreg s3  }
0xb8: {  	[dreg:$0x3] =	wrdreg s5  }
0xb9: {  	[dreg:$0x4] =	wrdreg $0xC0  }
0xba: {  	_ =	task [dreg:s22], $0x5FFFF  }
0xbb: {  	[dreg:$0x1] =	wrdreg $0xFFFFFFFF  }
0xbc: {  	[dreg:$0x0] =	wrdreg $0x60  }
0xbd: {  	[dreg:$0x2] =	wrdreg s24  }
0xbe: {  	[dreg:$0x3] =	wrdreg $0x199800  }
0xbf: {  	[dreg:$0x4] =	wrdreg $0xB  }
0xc0: {  	_ =	task.clear_ibuf [dreg:s22], $0x5FFFF;
	_ =	strace $0x9000004F  }
0xc1: {  	s29 =	simm.s32 $0xB;
	_ =	strace $0x80000051  }
0xc2: {  	_ =	swait.ge [sflag:s29], $0x1  }
0xc3: {  	[sflag:s29] =	ssyncadd.s32 $0xFFFFFFFF  }
0xc4: {  	_ =	strace $0x90000051  }
0xc5: {  	_ =	sfence  }
0xc6: {  	s30 =	sld [smem:$0x0];
	_ =	sdelay $0x2  }
0xc7: {  	s31 =	sshll.u32 s1, $0xD;
	s1 =	sshrl.u32 s1, $0x2  }
0xc8: {  	s4 =	sand.u32 $0x4000, s31;
	s1 =	sadd.s32 s1, s30  }
0xc9: {  	s0 =	sor.u32 s4, s0;
	s1 =	sshll.u32 s1, $0x11  }
0xca: {  	s0 =	sor.u32 s1, s0  }
0xcb: {  	s0 =	sadd.s32 $0x8F2B, s0  }
0xcc: {  	[sflag:s0] =	ssyncadd.remote.s32 $0x1  }
0xcd: {  	_ =	sfence.sel $0xFFFF  }
0xce: {  	[dreg:$0x0] =	wrdreg $0xFFFFFFFF;
	(pc) =	sbr.abs _section_cstart, $3  }
0xcf: {  	[dreg:$0x1] =	wrdreg $0xFFFFFFFF  }
0xd0: {  	_ =	task.clear_ibuf [dreg:s22], $0x2FFFF;
	_ =	strace $0x9FFFFFFF  }
0xd1: {  	(tm) =	ssettm $0x7FFFFFFF  }
tec
execute0_lowered:
.L_overlay_start_1:
0x0: {  	(tag) =	ssettag $0x1  }
0x1: {  	s6 =	rddreg [dreg:$0x0]  }
0x2: {  	s2 =	rddreg [dreg:$0x1]  }
0x3: {  	s0 =	srdreg.scid;
	s1 =	rddreg [dreg:$0x2]  }
0x4: {  	s3 =	simm.s32 $0x0;
	s14 =	simm.s32 $0x80;
	s15 =	simm.s32 $0x18900  }
0x5: {  	s16 =	simm.s32 $0x1;
	s17 =	simm.s32 $0x18D00;
	s8 =	sand.u32 $0x1, s0  }
0x6: {  	s18 =	simm.s32 $0x2;
	s0 =	stileid.u32;
	s4 =	smul.u32 $0xC5000, s8  }
0x7: {  	s19 =	simm.s32 $0x19540;
	s20 =	simm.s32 $0x8;
	s5 =	smul.u32 $0xC500, s0  }
0x8: {  	s21 =	simm.s32 $0x40;
	s22 =	simm.s32 $0x0;
	s7 =	smul.u32 $0x1880, s0  }
0x9: {  	[smem:$0x7FF] =	sst s3;
	s10 =	smul.u32 $0x61C0, s0;
	s11 =	ssub.s32 $0x2, s8  }
0xa: {  	_ =	strace $0x80000050;
	s13 =	smul.u32 $0x18700, s0;
	s12 =	sshrl.u32 s11, $0x1  }
0xb: {  	s4 =	sadd.s32 s5, s4;
	s7 =	sadd.s32 s7, s6;
	s10 =	sadd.s32 s10, s6  }
0xc: {  	s11 =	ssub.s32 s11, s12;
	s31 =	sshrl.u32 s13, $0x2;
	s12 =	simm.s32 $0x3  }
0xd: {  	s13 =	simm.s32 $0xC500;
	s5 =	sshrl.u32 s4, $0x3;
	s4 =	sadd.s32 $0x33D400, s6  }
0xe: {  	s7 =	sadd.s32 $0x8A00, s7;
	s10 =	sadd.s32 s8, s10;
	s8 =	smax.u32 s11, $0x1  }
0xf: {  	s11 =	simm.s32 $0x19100;
	s9 =	sadd.s32 s5, s6;
	s5 =	sadd.s32 $0x25C00, s6  }
0x10: {  	s10 =	sadd.s32 $0x558000, s10;
	s6 =	sadd.s32 $0x1E3800, s9;
	s9 =	sadd.s32 s31, s2  }
.LBB2_1:
0x11: {  	[tilespmem:s11], [sflag:$0x3] =	stream.linear.gather [hbm4b:s5+s3], $0x440, $0x38;
	[tilespmem:$0x1FB40] =	vst v63  }
0x12: {  	_ =	swait.ge [sflag:s12], $0x440  }
0x13: {  	[sflag:s12] =	ssyncset.done $0x0  }
0x14: {  	[sflag:s12] =	ssyncadd.s32 $0xFFFFFBC0  }
0x15: {  	[tilespmem:s3], [sflag:$0x3] =	stream.linear.gather [hbm4b:s6+s3], $0xC500, $0x38;
	[tilespmem:$0x1FB40] =	vst v63  }
0x16: {  	_ =	swait.ge [sflag:s12], $0xC500  }
0x17: {  	[sflag:s12] =	ssyncset.done $0x0  }
0x18: {  	[sflag:s12] =	ssyncadd.s32 $0xFFFF3B00  }
0x19: {  	[tilespmem:s13], [sflag:$0x3] =	stream.linear.gather [hbm4b:s7+s3], $0xC400, $0x38;
	[tilespmem:$0x1FB40] =	vst v63  }
0x1a: {  	_ =	swait.ge [sflag:s12], $0xC400  }
0x1b: {  	[sflag:s12] =	ssyncset.done $0x0  }
0x1c: {  	s23 =	sadd.s32 $0x0, s9;
	[sflag:s12] =	ssyncadd.s32 $0xFFFF3C00  }
0x1d: {  	[spmem:s23] =	stream.linear.scatter [tilespmem:s11], [sflag:$0x3], $0x440, $0x38;
	[tilespmem:$0x1FB40] =	vst v63  }
0x1e: {  	s23 =	simm.s32 $0x1100;
	_ =	swait.ge [sflag:s12], $0x440  }
.LBB2_2:
0x1f: {  	s24 =	sshra.s32 s23, $0x2;
	[sflag:s12] =	ssyncset.done $0x0;
	p0 =	sne.s32 s23, $0x17600  }
.Ltmp0:
0x20: {  	s24 =	sadd.s32 s24, s9;
	[sflag:s12] =	ssyncadd.s32 $0xFFFFFBC0;
	(pc) =	sbr.rel @p0 .LBB2_2-.Ltmp0, $3  }
0x21: {  	[spmem:s24] =	stream.linear.scatter [tilespmem:s11], [sflag:$0x3], $0x440, $0x38;
	[tilespmem:$0x1FB40] =	vst v63  }
0x22: {  	s23 =	sadd.s32 $0x1100, s23;
	_ =	sdelay $0x1  }
0x23: {  	_ =	swait.ge [sflag:s12], $0x440  }
0x24: {  	[sflag:s12] =	ssyncset.done $0x0  }
0x25: {  	[sflag:s12] =	ssyncadd.s32 $0xFFFFFBC0  }
0x26: {  	s23 =	simm.s32 $0x0;
	[bflag:$0x0] =	sbarrier.arrive $0xFFFF  }
0x27: {  	[tilespmem:s15], [sflag:$0x1] =	stream.indirect.gather [hbm4b:s4+s14], $0x8, s23, s14, $0xb8;
	[tilespmem:$0x1FB40] =	vst v63  }
0x28: {  	_ =	swait.ge [sflag:s16], $0x400  }
0x29: {  	[sflag:s16] =	ssyncset.done $0x0  }
0x2a: {  	s28 =	simm.s32 $0x80;
	[sflag:s16] =	ssyncadd.s32 $0xFFFFFC00  }
0x2b: {  	[tilespmem:s17], [sflag:$0x2] =	stream.indirect.gather [hbm4b:s4+s14], $0x8, s28, s14, $0xb8;
	[tilespmem:$0x1FB40] =	vst v63  }
0x2c: {  	s29 =	simm.s32 $0xC500  }
0x2d: {  	[spmem:s2] =	stream.indirect.scatter.add.f32 [tilespmem:s15], [sflag:$0x3], $0x8, s29, s14, $0xb8;
	[tilespmem:$0x1FB40] =	vst v63  }
0x2e: {  	_ =	swait.ge [sflag:s12], $0x400  }
0x2f: {  	[sflag:s12] =	ssyncset.done $0x0  }
0x30: {  	s30 =	simm.s32 $0x100;
	[sflag:s12] =	ssyncadd.s32 $0xFFFFFC00  }
0x31: {  	[tilespmem:s15], [sflag:$0x1] =	stream.indirect.gather [hbm4b:s4+s14], $0x8, s30, s14, $0xb8;
	[tilespmem:$0x1FB40] =	vst v63  }
0x32: {  	_ =	swait.ge [sflag:s18], $0x400  }
0x33: {  	[sflag:s18] =	ssyncset.done $0x0  }
0x34: {  	s31 =	simm.s32 $0xC580;
	[sflag:s18] =	ssyncadd.s32 $0xFFFFFC00  }
0x35: {  	[spmem:s2] =	stream.indirect.scatter.add.f32 [tilespmem:s17], [sflag:$0x3], $0x8, s31, s14, $0xb8;
	[tilespmem:$0x1FB40] =	vst v63  }
0x36: {  	_ =	swait.ge [sflag:s12], $0x400  }
0x37: {  	s23 =	simm.s32 $0x400;
	[sflag:s12] =	ssyncset.done $0x0  }
.LBB2_4:
0x38: {  	p0 =	sne.s32 s23, $0x30C00  }
0x39: {  	[sflag:s12] =	ssyncadd.s32 $0xFFFFFC00;
	s24 =	smov.u32 s23;
	s23 =	sadd.s32 $0x400, s23  }
0x3a: {  	_ =	swait.ge [sflag:s16], $0x400  }
0x3b: {  	s24 =	sshra.s32 s24, $0x2;
	[sflag:s16] =	ssyncset.done $0x0  }
0x3c: {  	s25 =	sadd.s32 $0x80, s24;
	[sflag:s16] =	ssyncadd.s32 $0xFFFFFC00  }
0x3d: {  	[tilespmem:s17], [sflag:$0x2] =	stream.indirect.gather [hbm4b:s4+s14], $0x8, s25, s14, $0xb8;
	[tilespmem:$0x1FB40] =	vst v63  }
0x3e: {  	s25 =	sadd.s32 $0xC500, s24  }
0x3f: {  	[spmem:s2] =	stream.indirect.scatter.add.f32 [tilespmem:s15], [sflag:$0x3], $0x8, s25, s14, $0xb8;
	[tilespmem:$0x1FB40] =	vst v63  }
0x40: {  	_ =	swait.ge [sflag:s12], $0x400  }
0x41: {  	[sflag:s12] =	ssyncset.done $0x0  }
0x42: {  	s25 =	sadd.s32 $0x100, s24;
	[sflag:s12] =	ssyncadd.s32 $0xFFFFFC00  }
0x43: {  	[tilespmem:s15], [sflag:$0x1] =	stream.indirect.gather [hbm4b:s4+s14], $0x8, s25, s14, $0xb8;
	[tilespmem:$0x1FB40] =	vst v63  }
0x44: {  	_ =	swait.ge [sflag:s18], $0x400  }
.Ltmp1:
0x45: {  	[sflag:s18] =	ssyncset.done $0x0;
	(pc) =	sbr.rel @p0 .LBB2_4-.Ltmp1, $4  }
0x46: {  	s24 =	sadd.s32 $0xC580, s24;
	[sflag:s18] =	ssyncadd.s32 $0xFFFFFC00  }
0x47: {  	[spmem:s2] =	stream.indirect.scatter.add.f32 [tilespmem:s17], [sflag:$0x3], $0x8, s24, s14, $0xb8;
	[tilespmem:$0x1FB40] =	vst v63  }
0x48: {  	_ =	swait.ge [sflag:s12], $0x400  }
0x49: {  	[sflag:s12] =	ssyncset.done $0x0  }
0x4a: {  	[sflag:s12] =	ssyncadd.s32 $0xFFFFFC00  }
0x4b: {  	_ =	swait.ge [sflag:s16], $0x400  }
0x4c: {  	[sflag:s16] =	ssyncset.done $0x0  }
0x4d: {  	[sflag:s16] =	ssyncadd.s32 $0xFFFFFC00  }
0x4e: {  	[bflag:$0x0] =	sbarrier.arrive $0xFFFF  }
0x4f: {  	[tilespmem:s19], [sflag:$0x3] =	stream.linear.gather [spmem:s9], $0x440, $0x38;
	[tilespmem:$0x1FB40] =	vst v63  }
0x50: {  	_ =	swait.ge [sflag:s12], $0x440  }
0x51: {  	[sflag:s12] =	ssyncset.done $0x0  }
0x52: {  	s23 =	sadd.s32 $0x4, s10;
	[sflag:s12] =	ssyncadd.s32 $0xFFFFFBC0  }
0x53: {  	[hbm4b:s23+s20] =	stream.strided.scatter [tilespmem:s19], [sflag:$0x3], $0x440, s21, s20, $0x38;
	[tilespmem:$0x1FB40] =	vst v63  }
0x54: {  	_ =	swait.ge [sflag:s12], $0x440  }
0x55: {  	s24 =	smov.u32 s9;
	s23 =	simm.s32 $0x444;
	[sflag:s12] =	ssyncset.done $0x0  }
.LBB2_6:
0x56: {  	p0 =	sne.s32 s23, $0x5D84;
	[sflag:s12] =	ssyncadd.s32 $0xFFFFFBC0;
	s24 =	sadd.s32 $0x440, s24  }
0x57: {  	[tilespmem:s19], [sflag:$0x3] =	stream.linear.gather [spmem:s24], $0x440, $0x38;
	[tilespmem:$0x1FB40] =	vst v63  }
0x58: {  	s25 =	smov.u32 s23;
	s23 =	sadd.s32 $0x440, s23;
	_ =	swait.ge [sflag:s12], $0x440  }
.Ltmp2:
0x59: {  	[sflag:s12] =	ssyncset.done $0x0;
	(pc) =	sbr.rel @p0 .LBB2_6-.Ltmp2, $4  }
0x5a: {  	s25 =	sadd.s32 s25, s10;
	[sflag:s12] =	ssyncadd.s32 $0xFFFFFBC0  }
0x5b: {  	[hbm4b:s25+s20] =	stream.strided.scatter [tilespmem:s19], [sflag:$0x3], $0x440, s21, s20, $0x38;
	[tilespmem:$0x1FB40] =	vst v63  }
0x5c: {  	_ =	swait.ge [sflag:s12], $0x440  }
0x5d: {  	[sflag:s12] =	ssyncset.done $0x0  }
0x5e: {  	s22 =	sadd.s32 $0x1, s22  }
0x5f: {  	p0 =	sne.s32 s22, s8  }
.Ltmp3:
0x60: {  	_ = 	snop;
	(pc) =	sbr.rel @p0 .LBB2_1-.Ltmp3, $2  }
0x61: {  	_ =	sdelay $0x2  }
0x62: {  	[sflag:s12] =	ssyncadd.s32 $0xFFFFFBC0  }
0x63: {  	_ =	sfence.sel $0x180000  }
0x64: {  	[bflag:$0x0] =	sbarrier.arrive $0xFFFF  }
0x65: {  	p0 =	sne.s32 s0, $0x0;
	_ =	strace $0x90000050  }
0x66: {  	s0 =	sadd.s32 @!p0 $0x100000, s1;
	[bflag:$0x2] =	sbarrier.arrive $0xFFFF  }
0x67: {  	[sflag:s0] =	ssyncadd.tile.s32 @!p0 $0x1;
	_ =	shalt  }
.Lfunc_end2:
_tile_overlayer_lowered:
.L_overlay_start_2:
0x68: {  	(tag) =	ssettag $0x2  }
0x69: {  	s0 =	rddreg [dreg:$0x0];
	s2 =	stileid.u32  }
0x6a: {  	s1 =	rddreg [dreg:$0x1];
	p0 =	sne.s32 s2, $0x0  }
0x6b: {  	s3 =	rddreg [dreg:$0x2];
	[bflag:$0x3] =	sbarrier.arrive $0xFFFF;
	s2 =	simm.s32 @!p0 $0x1C03  }
0x6c: {  	[timem:s3], [sflag:s2] =	dma.local @!p0 [hbm:s0], s1  }
0x6d: {  	s0 =	simm.s32 @!p0 $0x3  }
0x6e: {  	_ =	swait.ge @!p0 [sflag:s0], s1  }
0x6f: {  	s1 =	ssub.s32 @!p0 $0x0, s1;
	[sflag:s0] =	ssyncset.done @!p0 $0x0  }
0x70: {  	[sflag:s0] =	ssyncadd.s32 @!p0 s1  }
0x71: {  	[bflag:$0x3] =	sbarrier.arrive $0xFFFF  }
0x72: {  	_ =	shalt  }

// kernel: body.35.cloned.1.call-start
scs
__scs_entry_jumppad:
0x0: {  	(pc) =	sbr.rel $0x88, $3  }
0x1: {  	(tag) =	ssettag $0x0;
	lr =	simm.s32 $0x1  }
0x2: {  	[smem:$0x3F88] =	sst lr;
	_ =	strace $0xD0000000  }
0x3: {  	_ = 	snop  }
0x4: {  	_ = 	snop  }
0x5: {  	_ = 	snop  }
0x6: {  	_ = 	snop  }
0x7: {  	_ = 	snop  }
__scs_overlays_trampoline_lowered:
0x8: {  	[smem:$0x3F97] =	sst s0  }
0x9: {  	[smem:$0x3F98] =	sst s1  }
0xa: {  	[smem:$0x3F99] =	sst s2  }
0xb: {  	[smem:$0x3F9A] =	sst s3  }
0xc: {  	[smem:$0x3F9B] =	sst s4  }
0xd: {  	[smem:$0x3F9C] =	sst s5  }
0xe: {  	[smem:$0x3F9D] =	sst s6  }
0xf: {  	[smem:$0x3F9E] =	sst s7  }
0x10: {  	[smem:$0x3F9F] =	sst s8  }
0x11: {  	[smem:$0x3FA0] =	sst s9;
	s0 =	simm.s32 @!p0 $0x0  }
0x12: {  	s1 =	sld [smem:$0x3F86];
	s0 =	simm.s32 @p0 $0x1  }
0x13: {  	[smem:$0x3FA1] =	sst s0;
	s0 =	simm.s32 @!p1 $0x0  }
0x14: {  	s2 =	sld [smem:$0x3F85];
	s0 =	simm.s32 @p1 $0x1  }
0x15: {  	[smem:$0x3FA2] =	sst s0;
	s0 =	simm.s32 @!p2 $0x0  }
0x16: {  	s3 =	sld [smem:$0x3FDB];
	s0 =	simm.s32 @p2 $0x1  }
0x17: {  	s4 =	simm.s32 $0x1BF5;
	[smem:$0x3FA4] =	sst s0  }
0x18: {  	s0 =	sld [smem:$0x3F87];
	_ =	swait.ge [sflag:s4], $0x0  }
0x19: {  	s7 =	sld [smem:$0x3F88]  }
0x1a: {  	s8 =	sadd.s32 $0xFFFFE003, lr  }
0x1b: {  	s9 =	sadd.s32 $0xFFFFFEF7, lr;
	s5 =	simm.s32 $0xFFFFFFFF;
	p2 =	slt.u32 s8, $0xFFFFF086  }
0x1c: {  	p1 =	slt.u32 s9, $0xF7A;
	s5 =	simm.s32 @!p2 $0x0  }
0x1d: {  	s5 =	simm.s32 @p1 $0x1;
	p0 =	seq.s32 s7, s2  }
0x1e: {  	s7 =	smul.u32 @!p0 $0xF7A, s2;
	p2 =	seq.s32 @!p0 s5, $0x0  }
0x1f: {  	s9 =	smul.u32 $0xF7A, s1;
	s8 =	simm.s32 @!p0 $0x1BF5;
	p2 =	por !p2, p0  }
0x20: {  	[sflag:s8] =	ssyncset.s32 @!p0 $0xFFFFF086;
	s6 =	sadd.s32 @!p0 s3, s7;
	s7 =	simm.s32 @!p0 $0x108  }
0x21: {  	s3 =	sadd.s32 s3, s9;
	s6 =	sadd.s32 @!p0 $0x88, s6;
	s7 =	simm.s32 @p2 $0x1082  }
0x22: {  	[simem:s7], [sflag:s8] =	dma.local @!p0 [hbm:s6], $0xF7A  }
0x23: {  	s9 =	sor.u32 $0xD0000000, s2;
	s6 =	simm.s32 $0x108;
	_ =	swait.ge @!p0 [sflag:s8], $0x0  }
0x24: {  	s3 =	sadd.s32 $0x88, s3;
	s6 =	simm.s32 @!p1 $0x1082;
	[sflag:s4] =	ssyncset.s32 $0xFFFFF086  }
0x25: {  	[simem:s6], [sflag:s4] =	dma.local [hbm:s3], $0xF7A  }
0x26: {  	[smem:$0x3F88] =	sst s1;
	(tag) =	ssettag s2;
	_ =	strace s9  }
0x27: {  	s1 =	sld [smem:$0x3F98]  }
0x28: {  	s2 =	sld [smem:$0x3F99]  }
0x29: {  	s4 =	sld [smem:$0x3F9B]  }
0x2a: {  	p0 =	seq.s32 s5, $0x0;
	s5 =	sld [smem:$0x3F9C]  }
0x2b: {  	s6 =	sld [smem:$0x3F9D]  }
0x2c: {  	s7 =	sld [smem:$0x3F9E]  }
0x2d: {  	s3 =	simm.s32 $0x108;
	s8 =	sld [smem:$0x3F9F]  }
0x2e: {  	s3 =	simm.s32 @!p0 $0x1082;
	s9 =	sld [smem:$0x3FA0]  }
0x2f: {  	lr =	sadd.s32 s0, s3;
	s0 =	sld [smem:$0x3F97]  }
0x30: {  	s3 =	sld [smem:$0x3F9A]  }
0x31: {  	[smem:$0x3FA3] =	sst s10  }
0x32: {  	s10 =	sld [smem:$0x3FA1];
	_ =	sdelay $0x3  }
0x33: {  	p0 =	seq.s32 s10, $0x1;
	s10 =	sld [smem:$0x3FA3];
	_ =	sdelay $0x3  }
0x34: {  	[smem:$0x3FA3] =	sst s10  }
0x35: {  	s10 =	sld [smem:$0x3FA2];
	_ =	sdelay $0x3  }
0x36: {  	p1 =	seq.s32 s10, $0x1;
	s10 =	sld [smem:$0x3FA3];
	_ =	sdelay $0x3  }
0x37: {  	[smem:$0x3FA3] =	sst s10  }
0x38: {  	s10 =	sld [smem:$0x3FA4]  }
0x39: {  	_ = 	snop;
	(pc) =	sbr.ind lr, $3  }
0x3a: {  	_ = 	snop  }
0x3b: {  	_ = 	snop  }
0x3c: {  	p2 =	seq.s32 s10, $0x1;
	s10 =	sld [smem:$0x3FA3]  }
0x3d: {  	_ =	shalt  }
0x3e: {  	_ =	shalt  }
0x3f: {  	_ =	shalt  }
0x40: {  	_ =	shalt  }
0x41: {  	_ =	shalt  }
0x42: {  	_ =	shalt  }
0x43: {  	_ =	shalt  }
0x44: {  	_ =	shalt  }
0x45: {  	_ =	shalt  }
0x46: {  	_ =	shalt  }
0x47: {  	_ =	shalt  }
0x48: {  	_ =	shalt  }
0x49: {  	_ =	shalt  }
0x4a: {  	_ =	shalt  }
0x4b: {  	_ =	shalt  }
0x4c: {  	_ =	shalt  }
0x4d: {  	_ =	shalt  }
0x4e: {  	_ =	shalt  }
0x4f: {  	_ =	shalt  }
0x50: {  	_ =	shalt  }
0x51: {  	_ =	shalt  }
0x52: {  	_ =	shalt  }
0x53: {  	_ =	shalt  }
0x54: {  	_ =	shalt  }
0x55: {  	_ =	shalt  }
0x56: {  	_ =	shalt  }
0x57: {  	_ =	shalt  }
0x58: {  	_ =	shalt  }
0x59: {  	_ =	shalt  }
0x5a: {  	_ =	shalt  }
0x5b: {  	_ =	shalt  }
0x5c: {  	_ =	shalt  }
0x5d: {  	_ =	shalt  }
0x5e: {  	_ =	shalt  }
0x5f: {  	_ =	shalt  }
0x60: {  	_ =	shalt  }
0x61: {  	_ =	shalt  }
0x62: {  	_ =	shalt  }
0x63: {  	_ =	shalt  }
0x64: {  	_ =	shalt  }
0x65: {  	_ =	shalt  }
0x66: {  	_ =	shalt  }
0x67: {  	_ =	shalt  }
0x68: {  	_ =	shalt  }
0x69: {  	_ =	shalt  }
0x6a: {  	_ =	shalt  }
0x6b: {  	_ =	shalt  }
0x6c: {  	_ =	shalt  }
0x6d: {  	_ =	shalt  }
0x6e: {  	_ =	shalt  }
0x6f: {  	_ =	shalt  }
0x70: {  	_ =	shalt  }
0x71: {  	_ =	shalt  }
0x72: {  	_ =	shalt  }
0x73: {  	_ =	shalt  }
0x74: {  	_ =	shalt  }
0x75: {  	_ =	shalt  }
0x76: {  	_ =	shalt  }
0x77: {  	_ =	shalt  }
0x78: {  	_ =	shalt  }
0x79: {  	_ =	shalt  }
0x7a: {  	_ =	shalt  }
0x7b: {  	_ =	shalt  }
0x7c: {  	_ =	shalt  }
0x7d: {  	_ =	shalt  }
0x7e: {  	_ =	shalt  }
0x7f: {  	_ =	shalt  }
0x80: {  	_ =	shalt  }
0x81: {  	_ =	shalt  }
0x82: {  	_ =	shalt  }
0x83: {  	_ =	shalt  }
0x84: {  	_ =	shalt  }
0x85: {  	_ =	shalt  }
0x86: {  	_ =	shalt  }
0x87: {  	_ =	shalt  }
.Lfunc_end0:
.L_simem_size_0:
called_computation.3_lowered:
.L_overlay_start_0:
0x88: {  	s2 =	sld [smem:$0x3FD9]  }
0x89: {  	s3 =	sld [smem:$0x3FFE];
	_ =	sdelay $0x1  }
0x8a: {  	s1 =	srdreg.scid  }
0x8b: {  	s0 =	sand.u32 $0x1, s1  }
0x8c: {  	s17 =	sshll.u32 s0, $0xA;
	s2 =	sadd.s32 s3, s2  }
0x8d: {  	s2 =	sadd.s32 s2, s17  }
0x8e: {  	[smem:$0x3FAF] =	sst s2  }
0x8f: {  	_ = 	snop  }
0x90: {  	(tm) =	ssettm $0x1  }
0x91: {  	s18 =	sld [smem:$0x3FFB];
	_ =	sdelay $0x3  }
0x92: {  	_ =	strace s18  }
0x93: {  	s2 =	sld [smem:$0x3FFC];
	_ =	sdelay $0x3  }
0x94: {  	_ =	strace s2  }
0x95: {  	s2 =	sld [smem:$0x3FFD];
	_ =	sdelay $0x3  }
0x96: {  	_ =	strace s2  }
0x97: {  	_ =	strace $0x8FFFFFFF  }
0x98: {  	s19 =	sld [smem:$0x3FDB];
	_ =	sdelay $0x1  }
0x99: {  	s20 =	simm.s32 $_scs_section_size  }
0x9a: {  	s4 =	simm.s32 $_size__tile_overlayer_lowered;
	s5 =	simm.s32 $_tile_overlayer_lowered  }
0x9b: {  	s6 =	simm.s32 $0x1BFF;
	s21 =	sshll.u32 s5, $0x1;
	s3 =	sadd.s32 s20, s19  }
0x9c: {  	s22 =	simm.s32 $0x0;
	s4 =	sshll.u32 s4, $0x1;
	s5 =	sadd.s32 s21, s3  }
0x9d: {  	[timem:s22], [sflag:s6] =	dma.local [hbm:s5], s4  }
0x9e: {  	_ =	swait.ge [sflag:s6], s4  }
0x9f: {  	s4 =	ssub.s32 $0x0, s4;
	[sflag:s6] =	ssyncset.done $0x0  }
0xa0: {  	[sflag:s6] =	ssyncadd.s32 s4;
	_ =	sdelay $0x1  }
0xa1: {  	s23 =	simm.s32 $0x1B8B  }
0xa2: {  	_ =	swait.ge [sflag:s23], $0x1  }
0xa3: {  	[sflag:s23] =	ssyncset.done $0x0  }
0xa4: {  	[sflag:s23] =	ssyncadd.s32 $0xFFFFFFFF  }
0xa5: {  	s4 =	sld [smem:$0x0]  }
0xa6: {  	s5 =	sand.u32 $0xFFFFFFFE, s1  }
0xa7: {  	p0 =	sne.s32 s1, s5  }
0xa8: {  	s5 =	sshll.u32 @p0 s5, $0xE  }
0xa9: {  	s5 =	sadd.s32 @p0 $0x11B8D, s5;
	s6 =	sshll.u32 @p0 s4, $0x11  }
0xaa: {  	s5 =	sor.u32 @p0 s6, s5  }
0xab: {  	[sflag:s5] =	ssyncadd.remote.s32 @p0 $0x1;
	_ =	sdelay $0x1  }
0xac: {  	s5 =	simm.s32 @p0 $0x1B8D  }
0xad: {  	_ =	swait.eq @p0 [sflag:s5], $0x1  }
0xae: {  	[sflag:s5] =	ssyncadd.s32 @p0 $0xFFFFFFFF  }
0xaf: {  	s6 =	sshll.u32 @!p0 s1, $0xE  }
0xb0: {  	s6 =	sor.u32 @!p0 $0x4000, s6;
	s5 =	simm.s32 @!p0 $0x1B8D  }
0xb1: {  	s4 =	sshll.u32 @!p0 s4, $0x11;
	s6 =	sadd.s32 @!p0 $0x11B8D, s6;
	_ =	swait.eq @!p0 [sflag:s5], $0x1  }
0xb2: {  	s4 =	sor.u32 @!p0 s4, s6;
	[sflag:s5] =	ssyncadd.s32 @!p0 $0xFFFFFFFF  }
0xb3: {  	s25 =	simm.s32 $0x1B8E;
	s24 =	sld [smem:$0x3FFE];
	[sflag:s4] =	ssyncadd.remote.s32 @!p0 $0x1  }
0xb4: {  	s26 =	simm.s32 $execute0_lowered;
	[smem:$0x3FD2] =	sst s25  }
0xb5: {  	s5 =	sshll.u32 s26, $0x1;
	_ =	strace $0x80000052;
	[dreg:$0x1] =	wrdreg $0xFFFFFFFF  }
0xb6: {  	s28 =	simm.s32 $_size_execute0_lowered;
	s3 =	sadd.s32 s3, s5;
	[dreg:$0x0] =	wrdreg $0x0  }
0xb7: {  	s5 =	sshll.u32 s28, $0x1;
	[dreg:$0x2] =	wrdreg s3  }
0xb8: {  	[dreg:$0x3] =	wrdreg s5  }
0xb9: {  	[dreg:$0x4] =	wrdreg $0xC0  }
0xba: {  	_ =	task [dreg:s22], $0x5FFFF  }
0xbb: {  	[dreg:$0x1] =	wrdreg $0xFFFFFFFF  }
0xbc: {  	[dreg:$0x0] =	wrdreg $0x60  }
0xbd: {  	[dreg:$0x2] =	wrdreg s24  }
0xbe: {  	[dreg:$0x3] =	wrdreg $0x199800  }
0xbf: {  	[dreg:$0x4] =	wrdreg $0xC  }
0xc0: {  	_ =	task.clear_ibuf [dreg:s22], $0x5FFFF;
	_ =	strace $0x90000052  }
0xc1: {  	s29 =	simm.s32 $0xC;
	_ =	strace $0x80000054  }
0xc2: {  	_ =	swait.ge [sflag:s29], $0x1  }
0xc3: {  	[sflag:s29] =	ssyncadd.s32 $0xFFFFFFFF  }
0xc4: {  	_ =	strace $0x90000054  }
0xc5: {  	_ =	sfence  }
0xc6: {  	s30 =	sld [smem:$0x0];
	_ =	sdelay $0x2  }
0xc7: {  	s31 =	sshll.u32 s1, $0xD;
	s1 =	sshrl.u32 s1, $0x2  }
0xc8: {  	s4 =	sand.u32 $0x4000, s31;
	s1 =	sadd.s32 s1, s30  }
0xc9: {  	s0 =	sor.u32 s4, s0;
	s1 =	sshll.u32 s1, $0x11  }
0xca: {  	s0 =	sor.u32 s1, s0  }
0xcb: {  	s0 =	sadd.s32 $0x8F2B, s0  }
0xcc: {  	[sflag:s0] =	ssyncadd.remote.s32 $0x1  }
0xcd: {  	_ =	sfence.sel $0xFFFF  }
0xce: {  	[dreg:$0x0] =	wrdreg $0xFFFFFFFF;
	(pc) =	sbr.abs _section_cstart, $3  }
0xcf: {  	[dreg:$0x1] =	wrdreg $0xFFFFFFFF  }
0xd0: {  	_ =	task.clear_ibuf [dreg:s22], $0x2FFFF;
	_ =	strace $0x9FFFFFFF  }
0xd1: {  	(tm) =	ssettm $0x7FFFFFFF  }
tec
execute0_lowered:
.L_overlay_start_1:
0x0: {  	(tag) =	ssettag $0x1  }
0x1: {  	s6 =	rddreg [dreg:$0x0]  }
0x2: {  	s2 =	rddreg [dreg:$0x1]  }
0x3: {  	s0 =	srdreg.scid;
	s1 =	rddreg [dreg:$0x2]  }
0x4: {  	s3 =	simm.s32 $0x0;
	s14 =	simm.s32 $0x80;
	s15 =	simm.s32 $0x18900  }
0x5: {  	s16 =	simm.s32 $0x1;
	s17 =	simm.s32 $0x18D00;
	s8 =	sand.u32 $0x1, s0  }
0x6: {  	s18 =	simm.s32 $0x2;
	s0 =	stileid.u32;
	s4 =	smul.u32 $0xC5000, s8  }
0x7: {  	s19 =	simm.s32 $0x19540;
	s20 =	simm.s32 $0x8;
	s5 =	smul.u32 $0xC500, s0  }
0x8: {  	s21 =	simm.s32 $0x40;
	s22 =	simm.s32 $0x0;
	s7 =	smul.u32 $0x1880, s0  }
0x9: {  	[smem:$0x7FF] =	sst s3;
	s10 =	smul.u32 $0x61C0, s0;
	s11 =	ssub.s32 $0x2, s8  }
0xa: {  	_ =	strace $0x80000053;
	s13 =	smul.u32 $0x18700, s0;
	s12 =	sshrl.u32 s11, $0x1  }
0xb: {  	s4 =	sadd.s32 s5, s4;
	s7 =	sadd.s32 s7, s6;
	s10 =	sadd.s32 s10, s6  }
0xc: {  	s11 =	ssub.s32 s11, s12;
	s31 =	sshrl.u32 s13, $0x2;
	s12 =	simm.s32 $0x3  }
0xd: {  	s13 =	simm.s32 $0xC500;
	s5 =	sshrl.u32 s4, $0x3;
	s4 =	sadd.s32 $0x33D400, s6  }
0xe: {  	s7 =	sadd.s32 $0x8A00, s7;
	s10 =	sadd.s32 s8, s10;
	s8 =	smax.u32 s11, $0x1  }
0xf: {  	s11 =	simm.s32 $0x19100;
	s9 =	sadd.s32 s5, s6;
	s5 =	sadd.s32 $0x25C00, s6  }
0x10: {  	s10 =	sadd.s32 $0x5BA000, s10;
	s6 =	sadd.s32 $0x214C00, s9;
	s9 =	sadd.s32 s31, s2  }
.LBB2_1:
0x11: {  	[tilespmem:s11], [sflag:$0x3] =	stream.linear.gather [hbm4b:s5+s3], $0x440, $0x38;
	[tilespmem:$0x1FB40] =	vst v63  }
0x12: {  	_ =	swait.ge [sflag:s12], $0x440  }
0x13: {  	[sflag:s12] =	ssyncset.done $0x0  }
0x14: {  	[sflag:s12] =	ssyncadd.s32 $0xFFFFFBC0  }
0x15: {  	[tilespmem:s3], [sflag:$0x3] =	stream.linear.gather [hbm4b:s6+s3], $0xC500, $0x38;
	[tilespmem:$0x1FB40] =	vst v63  }
0x16: {  	_ =	swait.ge [sflag:s12], $0xC500  }
0x17: {  	[sflag:s12] =	ssyncset.done $0x0  }
0x18: {  	[sflag:s12] =	ssyncadd.s32 $0xFFFF3B00  }
0x19: {  	[tilespmem:s13], [sflag:$0x3] =	stream.linear.gather [hbm4b:s7+s3], $0xC400, $0x38;
	[tilespmem:$0x1FB40] =	vst v63  }
0x1a: {  	_ =	swait.ge [sflag:s12], $0xC400  }
0x1b: {  	[sflag:s12] =	ssyncset.done $0x0  }
0x1c: {  	s23 =	sadd.s32 $0x0, s9;
	[sflag:s12] =	ssyncadd.s32 $0xFFFF3C00  }
0x1d: {  	[spmem:s23] =	stream.linear.scatter [tilespmem:s11], [sflag:$0x3], $0x440, $0x38;
	[tilespmem:$0x1FB40] =	vst v63  }
0x1e: {  	s23 =	simm.s32 $0x1100;
	_ =	swait.ge [sflag:s12], $0x440  }
.LBB2_2:
0x1f: {  	s24 =	sshra.s32 s23, $0x2;
	[sflag:s12] =	ssyncset.done $0x0;
	p0 =	sne.s32 s23, $0x17600  }
.Ltmp0:
0x20: {  	s24 =	sadd.s32 s24, s9;
	[sflag:s12] =	ssyncadd.s32 $0xFFFFFBC0;
	(pc) =	sbr.rel @p0 .LBB2_2-.Ltmp0, $3  }
0x21: {  	[spmem:s24] =	stream.linear.scatter [tilespmem:s11], [sflag:$0x3], $0x440, $0x38;
	[tilespmem:$0x1FB40] =	vst v63  }
0x22: {  	s23 =	sadd.s32 $0x1100, s23;
	_ =	sdelay $0x1  }
0x23: {  	_ =	swait.ge [sflag:s12], $0x440  }
0x24: {  	[sflag:s12] =	ssyncset.done $0x0  }
0x25: {  	[sflag:s12] =	ssyncadd.s32 $0xFFFFFBC0  }
0x26: {  	s23 =	simm.s32 $0x0;
	[bflag:$0x0] =	sbarrier.arrive $0xFFFF  }
0x27: {  	[tilespmem:s15], [sflag:$0x1] =	stream.indirect.gather [hbm4b:s4+s14], $0x8, s23, s14, $0xb8;
	[tilespmem:$0x1FB40] =	vst v63  }
0x28: {  	_ =	swait.ge [sflag:s16], $0x400  }
0x29: {  	[sflag:s16] =	ssyncset.done $0x0  }
0x2a: {  	s28 =	simm.s32 $0x80;
	[sflag:s16] =	ssyncadd.s32 $0xFFFFFC00  }
0x2b: {  	[tilespmem:s17], [sflag:$0x2] =	stream.indirect.gather [hbm4b:s4+s14], $0x8, s28, s14, $0xb8;
	[tilespmem:$0x1FB40] =	vst v63  }
0x2c: {  	s29 =	simm.s32 $0xC500  }
0x2d: {  	[spmem:s2] =	stream.indirect.scatter.add.f32 [tilespmem:s15], [sflag:$0x3], $0x8, s29, s14, $0xb8;
	[tilespmem:$0x1FB40] =	vst v63  }
0x2e: {  	_ =	swait.ge [sflag:s12], $0x400  }
0x2f: {  	[sflag:s12] =	ssyncset.done $0x0  }
0x30: {  	s30 =	simm.s32 $0x100;
	[sflag:s12] =	ssyncadd.s32 $0xFFFFFC00  }
0x31: {  	[tilespmem:s15], [sflag:$0x1] =	stream.indirect.gather [hbm4b:s4+s14], $0x8, s30, s14, $0xb8;
	[tilespmem:$0x1FB40] =	vst v63  }
0x32: {  	_ =	swait.ge [sflag:s18], $0x400  }
0x33: {  	[sflag:s18] =	ssyncset.done $0x0  }
0x34: {  	s31 =	simm.s32 $0xC580;
	[sflag:s18] =	ssyncadd.s32 $0xFFFFFC00  }
0x35: {  	[spmem:s2] =	stream.indirect.scatter.add.f32 [tilespmem:s17], [sflag:$0x3], $0x8, s31, s14, $0xb8;
	[tilespmem:$0x1FB40] =	vst v63  }
0x36: {  	_ =	swait.ge [sflag:s12], $0x400  }
0x37: {  	s23 =	simm.s32 $0x400;
	[sflag:s12] =	ssyncset.done $0x0  }
.LBB2_4:
0x38: {  	p0 =	sne.s32 s23, $0x30C00  }
0x39: {  	[sflag:s12] =	ssyncadd.s32 $0xFFFFFC00;
	s24 =	smov.u32 s23;
	s23 =	sadd.s32 $0x400, s23  }
0x3a: {  	_ =	swait.ge [sflag:s16], $0x400  }
0x3b: {  	s24 =	sshra.s32 s24, $0x2;
	[sflag:s16] =	ssyncset.done $0x0  }
0x3c: {  	s25 =	sadd.s32 $0x80, s24;
	[sflag:s16] =	ssyncadd.s32 $0xFFFFFC00  }
0x3d: {  	[tilespmem:s17], [sflag:$0x2] =	stream.indirect.gather [hbm4b:s4+s14], $0x8, s25, s14, $0xb8;
	[tilespmem:$0x1FB40] =	vst v63  }
0x3e: {  	s25 =	sadd.s32 $0xC500, s24  }
0x3f: {  	[spmem:s2] =	stream.indirect.scatter.add.f32 [tilespmem:s15], [sflag:$0x3], $0x8, s25, s14, $0xb8;
	[tilespmem:$0x1FB40] =	vst v63  }
0x40: {  	_ =	swait.ge [sflag:s12], $0x400  }
0x41: {  	[sflag:s12] =	ssyncset.done $0x0  }
0x42: {  	s25 =	sadd.s32 $0x100, s24;
	[sflag:s12] =	ssyncadd.s32 $0xFFFFFC00  }
0x43: {  	[tilespmem:s15], [sflag:$0x1] =	stream.indirect.gather [hbm4b:s4+s14], $0x8, s25, s14, $0xb8;
	[tilespmem:$0x1FB40] =	vst v63  }
0x44: {  	_ =	swait.ge [sflag:s18], $0x400  }
.Ltmp1:
0x45: {  	[sflag:s18] =	ssyncset.done $0x0;
	(pc) =	sbr.rel @p0 .LBB2_4-.Ltmp1, $4  }
0x46: {  	s24 =	sadd.s32 $0xC580, s24;
	[sflag:s18] =	ssyncadd.s32 $0xFFFFFC00  }
0x47: {  	[spmem:s2] =	stream.indirect.scatter.add.f32 [tilespmem:s17], [sflag:$0x3], $0x8, s24, s14, $0xb8;
	[tilespmem:$0x1FB40] =	vst v63  }
0x48: {  	_ =	swait.ge [sflag:s12], $0x400  }
0x49: {  	[sflag:s12] =	ssyncset.done $0x0  }
0x4a: {  	[sflag:s12] =	ssyncadd.s32 $0xFFFFFC00  }
0x4b: {  	_ =	swait.ge [sflag:s16], $0x400  }
0x4c: {  	[sflag:s16] =	ssyncset.done $0x0  }
0x4d: {  	[sflag:s16] =	ssyncadd.s32 $0xFFFFFC00  }
0x4e: {  	[bflag:$0x0] =	sbarrier.arrive $0xFFFF  }
0x4f: {  	[tilespmem:s19], [sflag:$0x3] =	stream.linear.gather [spmem:s9], $0x440, $0x38;
	[tilespmem:$0x1FB40] =	vst v63  }
0x50: {  	_ =	swait.ge [sflag:s12], $0x440  }
0x51: {  	[sflag:s12] =	ssyncset.done $0x0  }
0x52: {  	s23 =	sadd.s32 $0x6, s10;
	[sflag:s12] =	ssyncadd.s32 $0xFFFFFBC0  }
0x53: {  	[hbm4b:s23+s20] =	stream.strided.scatter [tilespmem:s19], [sflag:$0x3], $0x440, s21, s20, $0x38;
	[tilespmem:$0x1FB40] =	vst v63  }
0x54: {  	_ =	swait.ge [sflag:s12], $0x440  }
0x55: {  	s24 =	smov.u32 s9;
	s23 =	simm.s32 $0x446;
	[sflag:s12] =	ssyncset.done $0x0  }
.LBB2_6:
0x56: {  	p0 =	sne.s32 s23, $0x5D86;
	[sflag:s12] =	ssyncadd.s32 $0xFFFFFBC0;
	s24 =	sadd.s32 $0x440, s24  }
0x57: {  	[tilespmem:s19], [sflag:$0x3] =	stream.linear.gather [spmem:s24], $0x440, $0x38;
	[tilespmem:$0x1FB40] =	vst v63  }
0x58: {  	s25 =	smov.u32 s23;
	s23 =	sadd.s32 $0x440, s23;
	_ =	swait.ge [sflag:s12], $0x440  }
.Ltmp2:
0x59: {  	[sflag:s12] =	ssyncset.done $0x0;
	(pc) =	sbr.rel @p0 .LBB2_6-.Ltmp2, $4  }
0x5a: {  	s25 =	sadd.s32 s25, s10;
	[sflag:s12] =	ssyncadd.s32 $0xFFFFFBC0  }
0x5b: {  	[hbm4b:s25+s20] =	stream.strided.scatter [tilespmem:s19], [sflag:$0x3], $0x440, s21, s20, $0x38;
	[tilespmem:$0x1FB40] =	vst v63  }
0x5c: {  	_ =	swait.ge [sflag:s12], $0x440  }
0x5d: {  	[sflag:s12] =	ssyncset.done $0x0  }
0x5e: {  	s22 =	sadd.s32 $0x1, s22  }
0x5f: {  	p0 =	sne.s32 s22, s8  }
.Ltmp3:
0x60: {  	_ = 	snop;
	(pc) =	sbr.rel @p0 .LBB2_1-.Ltmp3, $2  }
0x61: {  	_ =	sdelay $0x2  }
0x62: {  	[sflag:s12] =	ssyncadd.s32 $0xFFFFFBC0  }
0x63: {  	_ =	sfence.sel $0x180000  }
0x64: {  	[bflag:$0x0] =	sbarrier.arrive $0xFFFF  }
0x65: {  	p0 =	sne.s32 s0, $0x0;
	_ =	strace $0x90000053  }
0x66: {  	s0 =	sadd.s32 @!p0 $0x100000, s1;
	[bflag:$0x2] =	sbarrier.arrive $0xFFFF  }
0x67: {  	[sflag:s0] =	ssyncadd.tile.s32 @!p0 $0x1;
	_ =	shalt  }
.Lfunc_end2:
_tile_overlayer_lowered:
.L_overlay_start_2:
0x68: {  	(tag) =	ssettag $0x2  }
0x69: {  	s0 =	rddreg [dreg:$0x0];
	s2 =	stileid.u32  }
0x6a: {  	s1 =	rddreg [dreg:$0x1];
	p0 =	sne.s32 s2, $0x0  }
0x6b: {  	s3 =	rddreg [dreg:$0x2];
	[bflag:$0x3] =	sbarrier.arrive $0xFFFF;
	s2 =	simm.s32 @!p0 $0x1C03  }
0x6c: {  	[timem:s3], [sflag:s2] =	dma.local @!p0 [hbm:s0], s1  }
0x6d: {  	s0 =	simm.s32 @!p0 $0x3  }
0x6e: {  	_ =	swait.ge @!p0 [sflag:s0], s1  }
0x6f: {  	s1 =	ssub.s32 @!p0 $0x0, s1;
	[sflag:s0] =	ssyncset.done @!p0 $0x0  }
0x70: {  	[sflag:s0] =	ssyncadd.s32 @!p0 s1  }
0x71: {  	[bflag:$0x3] =	sbarrier.arrive $0xFFFF  }
0x72: {  	_ =	shalt  }

// kernel: kernel.5.cloned.1.call-start
scs
__scs_entry_jumppad:
0x0: {  	(pc) =	sbr.rel $0x88, $3  }
0x1: {  	(tag) =	ssettag $0x0;
	lr =	simm.s32 $0x1  }
0x2: {  	[smem:$0x3F88] =	sst lr;
	_ =	strace $0xD0000000  }
0x3: {  	_ = 	snop  }
0x4: {  	_ = 	snop  }
0x5: {  	_ = 	snop  }
0x6: {  	_ = 	snop  }
0x7: {  	_ = 	snop  }
__scs_overlays_trampoline_lowered:
0x8: {  	[smem:$0x3F97] =	sst s0  }
0x9: {  	[smem:$0x3F98] =	sst s1  }
0xa: {  	[smem:$0x3F99] =	sst s2  }
0xb: {  	[smem:$0x3F9A] =	sst s3  }
0xc: {  	[smem:$0x3F9B] =	sst s4  }
0xd: {  	[smem:$0x3F9C] =	sst s5  }
0xe: {  	[smem:$0x3F9D] =	sst s6  }
0xf: {  	[smem:$0x3F9E] =	sst s7  }
0x10: {  	[smem:$0x3F9F] =	sst s8  }
0x11: {  	[smem:$0x3FA0] =	sst s9;
	s0 =	simm.s32 @!p0 $0x0  }
0x12: {  	s1 =	sld [smem:$0x3F86];
	s0 =	simm.s32 @p0 $0x1  }
0x13: {  	[smem:$0x3FA1] =	sst s0;
	s0 =	simm.s32 @!p1 $0x0  }
0x14: {  	s2 =	sld [smem:$0x3F85];
	s0 =	simm.s32 @p1 $0x1  }
0x15: {  	[smem:$0x3FA2] =	sst s0;
	s0 =	simm.s32 @!p2 $0x0  }
0x16: {  	s3 =	sld [smem:$0x3FDB];
	s0 =	simm.s32 @p2 $0x1  }
0x17: {  	s4 =	simm.s32 $0x1BF5;
	[smem:$0x3FA4] =	sst s0  }
0x18: {  	s0 =	sld [smem:$0x3F87];
	_ =	swait.ge [sflag:s4], $0x0  }
0x19: {  	s7 =	sld [smem:$0x3F88]  }
0x1a: {  	s8 =	sadd.s32 $0xFFFFE003, lr  }
0x1b: {  	s9 =	sadd.s32 $0xFFFFFEF7, lr;
	s5 =	simm.s32 $0xFFFFFFFF;
	p2 =	slt.u32 s8, $0xFFFFF086  }
0x1c: {  	p1 =	slt.u32 s9, $0xF7A;
	s5 =	simm.s32 @!p2 $0x0  }
0x1d: {  	s5 =	simm.s32 @p1 $0x1;
	p0 =	seq.s32 s7, s2  }
0x1e: {  	s7 =	smul.u32 @!p0 $0xF7A, s2;
	p2 =	seq.s32 @!p0 s5, $0x0  }
0x1f: {  	s9 =	smul.u32 $0xF7A, s1;
	s8 =	simm.s32 @!p0 $0x1BF5;
	p2 =	por !p2, p0  }
0x20: {  	[sflag:s8] =	ssyncset.s32 @!p0 $0xFFFFF086;
	s6 =	sadd.s32 @!p0 s3, s7;
	s7 =	simm.s32 @!p0 $0x108  }
0x21: {  	s3 =	sadd.s32 s3, s9;
	s6 =	sadd.s32 @!p0 $0x88, s6;
	s7 =	simm.s32 @p2 $0x1082  }
0x22: {  	[simem:s7], [sflag:s8] =	dma.local @!p0 [hbm:s6], $0xF7A  }
0x23: {  	s9 =	sor.u32 $0xD0000000, s2;
	s6 =	simm.s32 $0x108;
	_ =	swait.ge @!p0 [sflag:s8], $0x0  }
0x24: {  	s3 =	sadd.s32 $0x88, s3;
	s6 =	simm.s32 @!p1 $0x1082;
	[sflag:s4] =	ssyncset.s32 $0xFFFFF086  }
0x25: {  	[simem:s6], [sflag:s4] =	dma.local [hbm:s3], $0xF7A  }
0x26: {  	[smem:$0x3F88] =	sst s1;
	(tag) =	ssettag s2;
	_ =	strace s9  }
0x27: {  	s1 =	sld [smem:$0x3F98]  }
0x28: {  	s2 =	sld [smem:$0x3F99]  }
0x29: {  	s4 =	sld [smem:$0x3F9B]  }
0x2a: {  	p0 =	seq.s32 s5, $0x0;
	s5 =	sld [smem:$0x3F9C]  }
0x2b: {  	s6 =	sld [smem:$0x3F9D]  }
0x2c: {  	s7 =	sld [smem:$0x3F9E]  }
0x2d: {  	s3 =	simm.s32 $0x108;
	s8 =	sld [smem:$0x3F9F]  }
0x2e: {  	s3 =	simm.s32 @!p0 $0x1082;
	s9 =	sld [smem:$0x3FA0]  }
0x2f: {  	lr =	sadd.s32 s0, s3;
	s0 =	sld [smem:$0x3F97]  }
0x30: {  	s3 =	sld [smem:$0x3F9A]  }
0x31: {  	[smem:$0x3FA3] =	sst s10  }
0x32: {  	s10 =	sld [smem:$0x3FA1];
	_ =	sdelay $0x3  }
0x33: {  	p0 =	seq.s32 s10, $0x1;
	s10 =	sld [smem:$0x3FA3];
	_ =	sdelay $0x3  }
0x34: {  	[smem:$0x3FA3] =	sst s10  }
0x35: {  	s10 =	sld [smem:$0x3FA2];
	_ =	sdelay $0x3  }
0x36: {  	p1 =	seq.s32 s10, $0x1;
	s10 =	sld [smem:$0x3FA3];
	_ =	sdelay $0x3  }
0x37: {  	[smem:$0x3FA3] =	sst s10  }
0x38: {  	s10 =	sld [smem:$0x3FA4]  }
0x39: {  	_ = 	snop;
	(pc) =	sbr.ind lr, $3  }
0x3a: {  	_ = 	snop  }
0x3b: {  	_ = 	snop  }
0x3c: {  	p2 =	seq.s32 s10, $0x1;
	s10 =	sld [smem:$0x3FA3]  }
0x3d: {  	_ =	shalt  }
0x3e: {  	_ =	shalt  }
0x3f: {  	_ =	shalt  }
0x40: {  	_ =	shalt  }
0x41: {  	_ =	shalt  }
0x42: {  	_ =	shalt  }
0x43: {  	_ =	shalt  }
0x44: {  	_ =	shalt  }
0x45: {  	_ =	shalt  }
0x46: {  	_ =	shalt  }
0x47: {  	_ =	shalt  }
0x48: {  	_ =	shalt  }
0x49: {  	_ =	shalt  }
0x4a: {  	_ =	shalt  }
0x4b: {  	_ =	shalt  }
0x4c: {  	_ =	shalt  }
0x4d: {  	_ =	shalt  }
0x4e: {  	_ =	shalt  }
0x4f: {  	_ =	shalt  }
0x50: {  	_ =	shalt  }
0x51: {  	_ =	shalt  }
0x52: {  	_ =	shalt  }
0x53: {  	_ =	shalt  }
0x54: {  	_ =	shalt  }
0x55: {  	_ =	shalt  }
0x56: {  	_ =	shalt  }
0x57: {  	_ =	shalt  }
0x58: {  	_ =	shalt  }
0x59: {  	_ =	shalt  }
0x5a: {  	_ =	shalt  }
0x5b: {  	_ =	shalt  }
0x5c: {  	_ =	shalt  }
0x5d: {  	_ =	shalt  }
0x5e: {  	_ =	shalt  }
0x5f: {  	_ =	shalt  }
0x60: {  	_ =	shalt  }
0x61: {  	_ =	shalt  }
0x62: {  	_ =	shalt  }
0x63: {  	_ =	shalt  }
0x64: {  	_ =	shalt  }
0x65: {  	_ =	shalt  }
0x66: {  	_ =	shalt  }
0x67: {  	_ =	shalt  }
0x68: {  	_ =	shalt  }
0x69: {  	_ =	shalt  }
0x6a: {  	_ =	shalt  }
0x6b: {  	_ =	shalt  }
0x6c: {  	_ =	shalt  }
0x6d: {  	_ =	shalt  }
0x6e: {  	_ =	shalt  }
0x6f: {  	_ =	shalt  }
0x70: {  	_ =	shalt  }
0x71: {  	_ =	shalt  }
0x72: {  	_ =	shalt  }
0x73: {  	_ =	shalt  }
0x74: {  	_ =	shalt  }
0x75: {  	_ =	shalt  }
0x76: {  	_ =	shalt  }
0x77: {  	_ =	shalt  }
0x78: {  	_ =	shalt  }
0x79: {  	_ =	shalt  }
0x7a: {  	_ =	shalt  }
0x7b: {  	_ =	shalt  }
0x7c: {  	_ =	shalt  }
0x7d: {  	_ =	shalt  }
0x7e: {  	_ =	shalt  }
0x7f: {  	_ =	shalt  }
0x80: {  	_ =	shalt  }
0x81: {  	_ =	shalt  }
0x82: {  	_ =	shalt  }
0x83: {  	_ =	shalt  }
0x84: {  	_ =	shalt  }
0x85: {  	_ =	shalt  }
0x86: {  	_ =	shalt  }
0x87: {  	_ =	shalt  }
.Lfunc_end0:
.L_simem_size_0:
called_computation.4_lowered:
.L_overlay_start_0:
0x88: {  	s2 =	sld [smem:$0x3FD9]  }
0x89: {  	s3 =	sld [smem:$0x3FFE];
	_ =	sdelay $0x1  }
0x8a: {  	s1 =	srdreg.scid  }
0x8b: {  	s0 =	sand.u32 $0x1, s1  }
0x8c: {  	s17 =	sshll.u32 s0, $0xA;
	s2 =	sadd.s32 s3, s2  }
0x8d: {  	s2 =	sadd.s32 s2, s17  }
0x8e: {  	[smem:$0x3FAF] =	sst s2  }
0x8f: {  	_ = 	snop  }
0x90: {  	s2 =	sld [smem:$0x3FD0];
	(tm) =	ssettm $0x1  }
0x91: {  	s18 =	sld [smem:$0x3FFB];
	_ =	sdelay $0x3  }
0x92: {  	_ =	strace s18  }
0x93: {  	s3 =	sld [smem:$0x3FFC];
	_ =	sdelay $0x3  }
0x94: {  	_ =	strace s3  }
0x95: {  	s3 =	sld [smem:$0x3FFD];
	_ =	sdelay $0x3  }
0x96: {  	_ =	strace s3  }
0x97: {  	_ =	strace $0x8FFFFFFF  }
0x98: {  	s19 =	sld [smem:$0x3FDB];
	_ =	sdelay $0x1  }
0x99: {  	s4 =	simm.s32 $_scs_section_size  }
0x9a: {  	s5 =	simm.s32 $_size__tile_overlayer_lowered;
	s6 =	simm.s32 $_tile_overlayer_lowered  }
0x9b: {  	s22 =	simm.s32 $0x1BFF;
	s21 =	sshll.u32 s6, $0x1;
	s3 =	sadd.s32 s4, s19  }
0x9c: {  	s7 =	simm.s32 $0x0;
	s20 =	sshll.u32 s5, $0x1;
	s5 =	sadd.s32 s21, s3  }
0x9d: {  	[timem:s7], [sflag:s22] =	dma.local [hbm:s5], s20  }
0x9e: {  	_ =	swait.ge [sflag:s22], s20  }
0x9f: {  	s4 =	ssub.s32 $0x0, s20;
	[sflag:s22] =	ssyncset.done $0x0  }
0xa0: {  	[sflag:s22] =	ssyncadd.s32 s4;
	_ =	sdelay $0x1  }
0xa1: {  	s23 =	simm.s32 $0x1B8B  }
0xa2: {  	_ =	swait.ge [sflag:s23], $0x1  }
0xa3: {  	[sflag:s23] =	ssyncset.done $0x0  }
0xa4: {  	s25 =	simm.s32 $0x1B8E;
	s24 =	sld [smem:$0x3FFE];
	[sflag:s23] =	ssyncadd.s32 $0xFFFFFFFF  }
0xa5: {  	s26 =	simm.s32 $execute0_lowered;
	[smem:$0x3FD2] =	sst s25  }
0xa6: {  	s5 =	sshll.u32 s26, $0x1;
	_ =	strace $0x80000046;
	[dreg:$0x1] =	wrdreg $0xFFFFFFFF  }
0xa7: {  	s28 =	simm.s32 $_size_execute0_lowered;
	s3 =	sadd.s32 s3, s5;
	[dreg:$0x0] =	wrdreg $0x0  }
0xa8: {  	s5 =	sshll.u32 s28, $0x1;
	[dreg:$0x2] =	wrdreg s3  }
0xa9: {  	[dreg:$0x3] =	wrdreg s5  }
0xaa: {  	[dreg:$0x4] =	wrdreg $0xC0  }
0xab: {  	_ =	task [dreg:s7], $0x5FFFF  }
0xac: {  	[dreg:$0x1] =	wrdreg $0xFFFFFFFF  }
0xad: {  	[dreg:$0x0] =	wrdreg $0x60  }
0xae: {  	[dreg:$0x2] =	wrdreg s24  }
0xaf: {  	[dreg:$0x3] =	wrdreg s2  }
0xb0: {  	[dreg:$0x4] =	wrdreg $0xC5600  }
0xb1: {  	[dreg:$0x5] =	wrdreg $0x9  }
0xb2: {  	_ =	task.clear_ibuf [dreg:s7], $0x6FFFF;
	_ =	strace $0x90000046  }
0xb3: {  	s29 =	simm.s32 $0x9;
	_ =	strace $0x80000048  }
0xb4: {  	_ =	swait.ge [sflag:s29], $0x1  }
0xb5: {  	[sflag:s29] =	ssyncadd.s32 $0xFFFFFFFF  }
0xb6: {  	_ =	strace $0x90000048  }
0xb7: {  	_ =	sfence  }
0xb8: {  	s30 =	sld [smem:$0x0];
	_ =	sdelay $0x2  }
0xb9: {  	s31 =	sshll.u32 s1, $0xD;
	s1 =	sshrl.u32 s1, $0x2  }
0xba: {  	s3 =	sand.u32 $0x4000, s31;
	s1 =	sadd.s32 s1, s30  }
0xbb: {  	s0 =	sor.u32 s3, s0;
	s1 =	sshll.u32 s1, $0x11  }
0xbc: {  	s0 =	sor.u32 s1, s0  }
0xbd: {  	s0 =	sadd.s32 $0x8F2B, s0  }
0xbe: {  	[sflag:s0] =	ssyncadd.remote.s32 $0x1  }
0xbf: {  	_ =	sfence.sel $0xFFFF  }
0xc0: {  	[dreg:$0x0] =	wrdreg $0xFFFFFFFF;
	(pc) =	sbr.abs _section_cstart, $3  }
0xc1: {  	[dreg:$0x1] =	wrdreg $0xFFFFFFFF  }
0xc2: {  	_ =	task.clear_ibuf [dreg:s7], $0x2FFFF;
	_ =	strace $0x9FFFFFFF  }
0xc3: {  	(tm) =	ssettm $0x7FFFFFFF  }
tec
execute0_lowered:
.L_overlay_start_1:
0x0: {  	(tag) =	ssettag $0x1  }
0x1: {  	s0 =	rddreg [dreg:$0x0]  }
0x2: {  	s3 =	rddreg [dreg:$0x2];
	s4 =	simm.s32 $0x0;
	s1 =	stileid.u32  }
0x3: {  	s2 =	srdreg.scid;
	s28 =	simm.s32 $0x1;
	s6 =	smul.u32 $0x1880, s1  }
0x4: {  	s29 =	simm.s32 $0xC400;
	s30 =	simm.s32 $0x80;
	s7 =	smul.u32 $0x188, s1  }
0x5: {  	s31 =	simm.s32 $0x0;
	[smem:$0x7FF] =	sst s4;
	s10 =	smul.u32 $0xC40, s1  }
0x6: {  	s2 =	sand.u32 $0x1, s2;
	s5 =	sadd.s32 $0x21200, s0;
	s26 =	smul.u32 $0x3100, s1  }
0x7: {  	_ =	strace $0x80000047;
	s8 =	ssub.s32 $0x2, s2;
	p0 =	seq.s32 s2, $0x1  }
0x8: {  	s6 =	sadd.s32 s6, s0;
	s9 =	sshrl.u32 s8, $0x1;
	s0 =	sadd.s32 s7, s0  }
0x9: {  	s7 =	sadd.s32 s10, s3;
	s9 =	ssub.s32 s8, s9;
	s6 =	sadd.s32 $0x8A00, s6  }
0xa: {  	s8 =	sshll.u32 s2, $0x7;
	s10 =	sadd.s32 $0xE0, s7;
	s11 =	sadd.s32 $0x1C0, s7  }
0xb: {  	s12 =	sadd.s32 $0x2A0, s7;
	s13 =	sadd.s32 $0x380, s7;
	s14 =	sadd.s32 $0x460, s7  }
.Ltmp0:
0xc: {  	s15 =	sadd.s32 $0x540, s7;
	s16 =	sadd.s32 $0x620, s7;
	(pc) =	sbr.rel .LBB2_1-.Ltmp0, $4  }
0xd: {  	s17 =	sadd.s32 $0x700, s7;
	s18 =	sadd.s32 $0x7E0, s7;
	s19 =	sadd.s32 $0x8C0, s7  }
0xe: {  	s20 =	sadd.s32 $0x9A0, s7;
	s21 =	sadd.s32 $0xA80, s7;
	s2 =	sshrl.u32 s26, $0x2  }
0xf: {  	s22 =	sadd.s32 $0xB60, s7;
	s24 =	sadd.s32 $0x22C00, s0;
	s25 =	sadd.s32 $0x24600, s0  }
0x10: {  	s26 =	simm.s32 $0xC480;
	s9 =	smax.u32 s9, $0x1;
	s2 =	sadd.s32 s2, s3  }
.LBB2_6:
0x11: {  	[sflag:s28] =	ssyncadd.s32 $0xFFFFFF20  }
.LBB2_10:
0x12: {  	s31 =	sadd.s32 $0x1, s31  }
0x13: {  	p1 =	sne.s32 s31, s9  }
.Ltmp1:
0x14: {  	_ = 	snop;
	(pc) =	sbr.rel @!p1 .LBB2_11-.Ltmp1, $1  }
0x15: {  	_ =	sdelay $0x3  }
.LBB2_1:
0x16: {  	s0 =	rddreg [dreg:$0x1]  }
0x17: {  	[tilespmem:s26], [sflag:$0x1] =	stream.linear.gather [hbm4b:s0+s4], $0xE0, $0x38;
	[tilespmem:$0xD1A0] =	vst v63  }
0x18: {  	_ =	swait.ge [sflag:s28], $0xE0  }
0x19: {  	[sflag:s28] =	ssyncset.done $0x0  }
0x1a: {  	[sflag:s28] =	ssyncadd.s32 $0xFFFFFF20  }
0x1b: {  	[tilespmem:s29], [sflag:$0x1] =	stream.linear.gather [hbm4b:s5+s4], $0x80, $0x38;
	[tilespmem:$0xD1A0] =	vst v63  }
0x1c: {  	_ =	swait.ge [sflag:s28], $0x80  }
0x1d: {  	[sflag:s28] =	ssyncset.done $0x0  }
0x1e: {  	[sflag:s28] =	ssyncadd.s32 $0xFFFFFF80  }
0x1f: {  	[tilespmem:s4], [sflag:$0x1] =	stream.linear.gather [hbm4b:s6+s4], $0xC400, $0x38;
	[tilespmem:$0xD1A0] =	vst v63  }
0x20: {  	_ =	swait.ge [sflag:s28], $0xC400  }
0x21: {  	[sflag:s28] =	ssyncset.done $0x0  }
0x22: {  	[sflag:s28] =	ssyncadd.s32 $0xFFFF3C00  }
0x23: {  	[spmem:s7] =	stream.linear.scatter [tilespmem:s26], [sflag:$0x1], $0xE0, $0x38;
	[tilespmem:$0xD1A0] =	vst v63  }
0x24: {  	_ =	swait.ge [sflag:s28], $0xE0  }
0x25: {  	[sflag:s28] =	ssyncset.done $0x0  }
0x26: {  	[sflag:s28] =	ssyncadd.s32 $0xFFFFFF20  }
0x27: {  	[spmem:s10] =	stream.linear.scatter [tilespmem:s26], [sflag:$0x1], $0xE0, $0x38;
	[tilespmem:$0xD1A0] =	vst v63  }
0x28: {  	_ =	swait.ge [sflag:s28], $0xE0  }
0x29: {  	[sflag:s28] =	ssyncset.done $0x0  }
0x2a: {  	[sflag:s28] =	ssyncadd.s32 $0xFFFFFF20  }
0x2b: {  	[spmem:s11] =	stream.linear.scatter [tilespmem:s26], [sflag:$0x1], $0xE0, $0x38;
	[tilespmem:$0xD1A0] =	vst v63  }
0x2c: {  	_ =	swait.ge [sflag:s28], $0xE0  }
0x2d: {  	[sflag:s28] =	ssyncset.done $0x0  }
0x2e: {  	[sflag:s28] =	ssyncadd.s32 $0xFFFFFF20  }
0x2f: {  	[spmem:s12] =	stream.linear.scatter [tilespmem:s26], [sflag:$0x1], $0xE0, $0x38;
	[tilespmem:$0xD1A0] =	vst v63  }
0x30: {  	_ =	swait.ge [sflag:s28], $0xE0  }
0x31: {  	[sflag:s28] =	ssyncset.done $0x0  }
0x32: {  	[sflag:s28] =	ssyncadd.s32 $0xFFFFFF20  }
0x33: {  	[spmem:s13] =	stream.linear.scatter [tilespmem:s26], [sflag:$0x1], $0xE0, $0x38;
	[tilespmem:$0xD1A0] =	vst v63  }
0x34: {  	_ =	swait.ge [sflag:s28], $0xE0  }
0x35: {  	[sflag:s28] =	ssyncset.done $0x0  }
0x36: {  	[sflag:s28] =	ssyncadd.s32 $0xFFFFFF20  }
0x37: {  	[spmem:s14] =	stream.linear.scatter [tilespmem:s26], [sflag:$0x1], $0xE0, $0x38;
	[tilespmem:$0xD1A0] =	vst v63  }
0x38: {  	_ =	swait.ge [sflag:s28], $0xE0  }
0x39: {  	[sflag:s28] =	ssyncset.done $0x0  }
0x3a: {  	[sflag:s28] =	ssyncadd.s32 $0xFFFFFF20  }
0x3b: {  	[spmem:s15] =	stream.linear.scatter [tilespmem:s26], [sflag:$0x1], $0xE0, $0x38;
	[tilespmem:$0xD1A0] =	vst v63  }
0x3c: {  	_ =	swait.ge [sflag:s28], $0xE0  }
0x3d: {  	[sflag:s28] =	ssyncset.done $0x0  }
0x3e: {  	[sflag:s28] =	ssyncadd.s32 $0xFFFFFF20  }
0x3f: {  	[spmem:s16] =	stream.linear.scatter [tilespmem:s26], [sflag:$0x1], $0xE0, $0x38;
	[tilespmem:$0xD1A0] =	vst v63  }
0x40: {  	_ =	swait.ge [sflag:s28], $0xE0  }
0x41: {  	[sflag:s28] =	ssyncset.done $0x0  }
0x42: {  	[sflag:s28] =	ssyncadd.s32 $0xFFFFFF20  }
0x43: {  	[spmem:s17] =	stream.linear.scatter [tilespmem:s26], [sflag:$0x1], $0xE0, $0x38;
	[tilespmem:$0xD1A0] =	vst v63  }
0x44: {  	_ =	swait.ge [sflag:s28], $0xE0  }
0x45: {  	[sflag:s28] =	ssyncset.done $0x0  }
0x46: {  	[sflag:s28] =	ssyncadd.s32 $0xFFFFFF20  }
0x47: {  	[spmem:s18] =	stream.linear.scatter [tilespmem:s26], [sflag:$0x1], $0xE0, $0x38;
	[tilespmem:$0xD1A0] =	vst v63  }
0x48: {  	_ =	swait.ge [sflag:s28], $0xE0  }
0x49: {  	[sflag:s28] =	ssyncset.done $0x0  }
0x4a: {  	[sflag:s28] =	ssyncadd.s32 $0xFFFFFF20  }
0x4b: {  	[spmem:s19] =	stream.linear.scatter [tilespmem:s26], [sflag:$0x1], $0xE0, $0x38;
	[tilespmem:$0xD1A0] =	vst v63  }
0x4c: {  	_ =	swait.ge [sflag:s28], $0xE0  }
0x4d: {  	[sflag:s28] =	ssyncset.done $0x0  }
0x4e: {  	[sflag:s28] =	ssyncadd.s32 $0xFFFFFF20  }
0x4f: {  	[spmem:s20] =	stream.linear.scatter [tilespmem:s26], [sflag:$0x1], $0xE0, $0x38;
	[tilespmem:$0xD1A0] =	vst v63  }
0x50: {  	_ =	swait.ge [sflag:s28], $0xE0  }
0x51: {  	[sflag:s28] =	ssyncset.done $0x0  }
0x52: {  	[sflag:s28] =	ssyncadd.s32 $0xFFFFFF20  }
0x53: {  	[spmem:s21] =	stream.linear.scatter [tilespmem:s26], [sflag:$0x1], $0xE0, $0x38;
	[tilespmem:$0xD1A0] =	vst v63  }
0x54: {  	_ =	swait.ge [sflag:s28], $0xE0  }
0x55: {  	[sflag:s28] =	ssyncset.done $0x0  }
0x56: {  	[sflag:s28] =	ssyncadd.s32 $0xFFFFFF20  }
0x57: {  	[spmem:s22] =	stream.linear.scatter [tilespmem:s26], [sflag:$0x1], $0xE0, $0x38;
	[tilespmem:$0xD1A0] =	vst v63  }
0x58: {  	_ =	swait.ge [sflag:s28], $0xE0  }
0x59: {  	[sflag:s28] =	ssyncset.done $0x0  }
0x5a: {  	[sflag:s28] =	ssyncadd.s32 $0xFFFFFF20  }
0x5b: {  	s23 =	sadd.s32 $0x0, s8;
	[bflag:$0x0] =	sbarrier.arrive $0xFFFF  }
0x5c: {  	[spmem:s3] =	stream.indirect.scatter.add.f32 [tilespmem:s29], [sflag:$0x1], $0x1, s23, s30, $0xb8;
	[tilespmem:$0xD1A0] =	vst v63  }
0x5d: {  	s0 =	simm.s32 $0x400;
	_ =	swait.ge [sflag:s28], $0x80  }
.LBB2_2:
0x5e: {  	s23 =	sshra.s32 s0, $0x2;
	[sflag:s28] =	ssyncset.done $0x0;
	p1 =	sne.s32 s0, $0x30C00  }
.Ltmp2:
0x5f: {  	s23 =	sadd.s32 s23, s8;
	[sflag:s28] =	ssyncadd.s32 $0xFFFFFF80;
	(pc) =	sbr.rel @p1 .LBB2_2-.Ltmp2, $3  }
0x60: {  	[spmem:s3] =	stream.indirect.scatter.add.f32 [tilespmem:s29], [sflag:$0x1], $0x1, s23, s30, $0xb8;
	[tilespmem:$0xD1A0] =	vst v63  }
0x61: {  	s0 =	sadd.s32 $0x400, s0;
	_ =	sdelay $0x1  }
0x62: {  	_ =	swait.ge [sflag:s28], $0x80  }
.Ltmp3:
0x63: {  	(pc) =	sbr.rel @!p0 .LBB2_4-.Ltmp3, $3  }
0x64: {  	[sflag:s28] =	ssyncset.done $0x0  }
0x65: {  	[sflag:s28] =	ssyncadd.s32 $0xFFFFFF80  }
0x66: {  	[bflag:$0x0] =	sbarrier.arrive $0xFFFF;
	_ =	sdelay $0x1  }
0x67: {  	[tilespmem:s26], [sflag:$0x1] =	stream.linear.gather [spmem:s2], $0xE0, $0x38;
	[tilespmem:$0xD1A0] =	vst v63  }
0x68: {  	_ =	swait.ge [sflag:s28], $0xE0  }
0x69: {  	[sflag:s28] =	ssyncset.done $0x0  }
0x6a: {  	s0 =	sadd.s32 $0x0, s25;
	[sflag:s28] =	ssyncadd.s32 $0xFFFFFF20  }
0x6b: {  	[hbm4b:s0+s4] =	stream.linear.scatter [tilespmem:s26], [sflag:$0x1], $0xE0, $0x38;
	[tilespmem:$0xD1A0] =	vst v63  }
0x6c: {  	_ =	swait.ge [sflag:s28], $0xE0  }
0x6d: {  	s23 =	smov.u32 s2;
	s0 =	simm.s32 $0x1C;
	[sflag:s28] =	ssyncset.done $0x0  }
.LBB2_8:
0x6e: {  	p1 =	sne.s32 s0, $0x16C;
	[sflag:s28] =	ssyncadd.s32 $0xFFFFFF20;
	s23 =	sadd.s32 $0xE0, s23  }
0x6f: {  	[tilespmem:s26], [sflag:$0x1] =	stream.linear.gather [spmem:s23], $0xE0, $0x38;
	[tilespmem:$0xD1A0] =	vst v63  }
0x70: {  	s1 =	smov.u32 s0;
	s0 =	sadd.s32 $0x1C, s0;
	_ =	swait.ge [sflag:s28], $0xE0  }
.Ltmp4:
0x71: {  	[sflag:s28] =	ssyncset.done $0x0;
	(pc) =	sbr.rel @p1 .LBB2_8-.Ltmp4, $4  }
0x72: {  	s1 =	sadd.s32 s1, s25;
	[sflag:s28] =	ssyncadd.s32 $0xFFFFFF20  }
0x73: {  	[hbm4b:s1+s4] =	stream.linear.scatter [tilespmem:s26], [sflag:$0x1], $0xE0, $0x38;
	[tilespmem:$0xD1A0] =	vst v63  }
0x74: {  	_ =	swait.ge [sflag:s28], $0xE0  }
0x75: {  	[sflag:s28] =	ssyncset.done $0x0  }
.Ltmp5:
0x76: {  	(pc) =	sbr.rel .LBB2_10-.Ltmp5, $2  }
0x77: {  	_ =	sdelay $0x2  }
0x78: {  	[sflag:s28] =	ssyncadd.s32 $0xFFFFFF20  }
.LBB2_4:
0x79: {  	[tilespmem:s26], [sflag:$0x1] =	stream.linear.gather [spmem:s2], $0xE0, $0x38;
	[tilespmem:$0xD1A0] =	vst v63  }
0x7a: {  	_ =	swait.ge [sflag:s28], $0xE0  }
0x7b: {  	[sflag:s28] =	ssyncset.done $0x0  }
0x7c: {  	s0 =	sadd.s32 $0x0, s24;
	[sflag:s28] =	ssyncadd.s32 $0xFFFFFF20  }
0x7d: {  	[hbm4b:s0+s4] =	stream.linear.scatter [tilespmem:s26], [sflag:$0x1], $0xE0, $0x38;
	[tilespmem:$0xD1A0] =	vst v63  }
0x7e: {  	_ =	swait.ge [sflag:s28], $0xE0  }
0x7f: {  	s23 =	smov.u32 s2;
	s0 =	simm.s32 $0x1C;
	[sflag:s28] =	ssyncset.done $0x0  }
.LBB2_5:
0x80: {  	p1 =	seq.s32 s0, $0x16C;
	[sflag:s28] =	ssyncadd.s32 $0xFFFFFF20;
	s23 =	sadd.s32 $0xE0, s23  }
0x81: {  	[tilespmem:s26], [sflag:$0x1] =	stream.linear.gather [spmem:s23], $0xE0, $0x38;
	[tilespmem:$0xD1A0] =	vst v63  }
0x82: {  	s1 =	smov.u32 s0;
	s0 =	sadd.s32 $0x1C, s0;
	_ =	swait.ge [sflag:s28], $0xE0  }
.Ltmp6:
0x83: {  	[sflag:s28] =	ssyncset.done $0x0;
	(pc) =	sbr.rel @!p1 .LBB2_5-.Ltmp6, $4  }
0x84: {  	s1 =	sadd.s32 s1, s24;
	[sflag:s28] =	ssyncadd.s32 $0xFFFFFF20  }
0x85: {  	[hbm4b:s1+s4] =	stream.linear.scatter [tilespmem:s26], [sflag:$0x1], $0xE0, $0x38;
	[tilespmem:$0xD1A0] =	vst v63  }
0x86: {  	_ =	swait.ge [sflag:s28], $0xE0  }
0x87: {  	[sflag:s28] =	ssyncset.done $0x0  }
.Ltmp7:
0x88: {  	_ = 	snop;
	(pc) =	sbr.rel .LBB2_6-.Ltmp7, $1  }
0x89: {  	_ =	sdelay $0x3  }
.LBB2_11:
0x8a: {  	_ =	sfence.sel $0x180000  }
0x8b: {  	[bflag:$0x0] =	sbarrier.arrive $0xFFFF  }
0x8c: {  	_ =	strace $0x90000047  }
0x8d: {  	s0 =	stileid.u32;
	[bflag:$0x2] =	sbarrier.arrive $0xFFFF  }
0x8e: {  	p0 =	sne.s32 s0, $0x0;
	s0 =	rddreg [dreg:$0x3]  }
0x8f: {  	s0 =	sadd.s32 @!p0 $0x100000, s0  }
0x90: {  	[sflag:s0] =	ssyncadd.tile.s32 @!p0 $0x1;
	_ =	shalt  }
.Lfunc_end2:
_tile_overlayer_lowered:
.L_overlay_start_2:
0x91: {  	(tag) =	ssettag $0x2  }
0x92: {  	s0 =	rddreg [dreg:$0x0];
	s2 =	stileid.u32  }
0x93: {  	s1 =	rddreg [dreg:$0x1];
	p0 =	sne.s32 s2, $0x0  }
0x94: {  	s3 =	rddreg [dreg:$0x2];
	[bflag:$0x3] =	sbarrier.arrive $0xFFFF;
	s2 =	simm.s32 @!p0 $0x1C01  }
0x95: {  	[timem:s3], [sflag:s2] =	dma.local @!p0 [hbm:s0], s1  }
0x96: {  	s0 =	simm.s32 @!p0 $0x1  }
0x97: {  	_ =	swait.ge @!p0 [sflag:s0], s1  }
0x98: {  	s1 =	ssub.s32 @!p0 $0x0, s1;
	[sflag:s0] =	ssyncset.done @!p0 $0x0  }
0x99: {  	[sflag:s0] =	ssyncadd.s32 @!p0 s1  }
0x9a: {  	[bflag:$0x3] =	sbarrier.arrive $0xFFFF  }
0x9b: {  	_ =	shalt  }

</sc_bundles>
